<compile_context>
chip_gen: v7x
topology: tpu7x:2x2x1
jax: 0.10.2.dev20260603
libtpu: 0.0.44.dev20260713+nightly
codegen_flags: <defaults>
</compile_context>

<pallas_src>
import jax
import jax.numpy as jnp
from jax import lax
from jax.experimental import pallas as pl
from jax.experimental.pallas import tpu as pltpu
from jax.experimental.pallas import tpu_sc as plsc

_B, _N, _T = 64, 325, 12
_SPACE_D, _DAY_D, _WEEK_D = 64, 32, 32
_DAY_V, _WEEK_V = 288, 7
_OUT_D = 1 + _SPACE_D + _DAY_D + _WEEK_D
_R = _B * _N * _T
_NW = 32
_RPW = _R // _NW
_C = 480
_NCHUNK = -(-_RPW // _C)
_LAST_OFF = _RPW - _C
_G = _C // 16


def _body(x_hbm, space_hbm, day_hbm, week_hbm, out_hbm,
          x_v, space_v, day_v, week_v, out_v):
    wid = lax.axis_index("s") * 2 + lax.axis_index("c")
    wbase = wid * _RPW

    pltpu.sync_copy(space_hbm, space_v)
    pltpu.sync_copy(day_hbm, day_v)
    pltpu.sync_copy(week_hbm, week_v)

    lanes = lax.iota(jnp.int32, 16)
    lanes3 = lanes * 3
    lanes_out = lanes * _OUT_D

    def chunk(ci, carry):
        off = jnp.minimum(ci * _C, _LAST_OFF)
        cbase = wbase + off
        pltpu.sync_copy(x_hbm.at[pl.ds(cbase * 3, _C * 3)], x_v)

        def group(g, carry2):
            b = g * 16
            idx0 = b * 3 + lanes3
            fvec = plsc.load_gather(x_v, [idx0])
            dvec = plsc.load_gather(x_v, [idx0 + 1]).astype(jnp.int32)
            wvec = plsc.load_gather(x_v, [idx0 + 2]).astype(jnp.int32)
            plsc.store_scatter(out_v, [b * _OUT_D + lanes_out], fvec)
            for j in range(16):
                o = (b + j) * _OUT_D
                sb = (((cbase + b + j) // _T) % _N) * _SPACE_D
                db = dvec[j] * _DAY_D
                wb = wvec[j] * _WEEK_D
                for k in range(4):
                    out_v[pl.ds(o + 1 + 16 * k, 16)] = space_v[pl.ds(sb + 16 * k, 16)]
                for k in range(2):
                    out_v[pl.ds(o + 65 + 16 * k, 16)] = day_v[pl.ds(db + 16 * k, 16)]
                for k in range(2):
                    out_v[pl.ds(o + 97 + 16 * k, 16)] = week_v[pl.ds(wb + 16 * k, 16)]
            return carry2

        lax.fori_loop(0, _G, group, 0)
        pltpu.sync_copy(out_v, out_hbm.at[pl.ds(cbase * _OUT_D, _C * _OUT_D)])
        return carry

    lax.fori_loop(0, _NCHUNK, chunk, 0)


def kernel(X, spaceInfo, dayInfo, weekInfo):
    x_flat = X.reshape(_R * 3)
    mesh = plsc.VectorSubcoreMesh(core_axis_name="c", subcore_axis_name="s")
    out = pl.kernel(
        _body,
        mesh=mesh,
        compiler_params=pltpu.CompilerParams(needs_layout_passes=False),
        out_type=jax.ShapeDtypeStruct((_R * _OUT_D,), jnp.float32),
        scratch_types=[
            pltpu.VMEM((_C * 3,), jnp.float32),
            pltpu.VMEM((_N * _SPACE_D,), jnp.float32),
            pltpu.VMEM((_DAY_V * _DAY_D,), jnp.float32),
            pltpu.VMEM((_WEEK_V * _WEEK_D,), jnp.float32),
            pltpu.VMEM((_C * _OUT_D,), jnp.float32),
        ],
    )(x_flat, spaceInfo.reshape(-1), dayInfo.reshape(-1), weekInfo.reshape(-1))
    return out.reshape(_B, _N, _T, _OUT_D)

# --- scband reference (transcript-rebuilt; emitter-appended) ---
"""Pipeline reference for scband-info-emb-20581483282644 (READ-ONLY COPY).

The authoritative reference and input builder live on the scoring server;
editing this copy changes nothing except your own understanding.
"""

import jax, jax.numpy as jnp
import numpy as np
import math

B, N, T = 64, 325, 12
SPACE_D, DAY_D, WEEK_D = 64, 32, 32

def _xavier(key, shape):
    fan_in, fan_out = shape[0], shape[1]
    bound = math.sqrt(6.0 / (fan_in + fan_out))
    return jax.random.uniform(key, shape, dtype=jnp.float32, minval=-bound, maxval=bound)

def setup_inputs(seed: int = 0) -> dict:
    key = jax.random.key(seed)
    k1, k2, k3, k4, k5, k6 = jax.random.split(key, 6)
    feat = jax.random.normal(k1, (B, N, T, 1), dtype=jnp.float32)
    day_idx = jax.random.randint(k2, (B, N, T, 1), 0, 288).astype(jnp.float32)
    week_idx = jax.random.randint(k3, (B, N, T, 1), 0, 7).astype(jnp.float32)
    X = jnp.concatenate([feat, day_idx, week_idx], axis=-1)
    spaceInfo = _xavier(k4, (N, SPACE_D))
    dayInfo = _xavier(k5, (288, DAY_D))
    weekInfo = _xavier(k6, (7, WEEK_D))
    return {"X": X, "spaceInfo": spaceInfo, "dayInfo": dayInfo, "weekInfo": weekInfo}

def reference(X, spaceInfo, dayInfo, weekInfo):
    day_indices = X[..., 1].astype(jnp.int32)
    week_indices = X[..., 2].astype(jnp.int32)
    b, n, t, _ = X.shape
    space_expand = jnp.broadcast_to(spaceInfo[None, :, None, :], (b, n, t, spaceInfo.shape[1]))
    day_values = jnp.take(dayInfo, day_indices, axis=0)
    week_values = jnp.take(weekInfo, week_indices, axis=0)
    out = jnp.concatenate([X[..., :1], space_expand, day_values, week_values], axis=-1)
    return out

if __name__ == "__main__":
    import jax
    _d = setup_inputs()
    print(jax.jit(kernel)(*tuple(_d.values())))

</pallas_src>

<mosaic_0001>
#map = affine_map<(d0, d1) -> (0)>
module attributes {stable_mosaic.version = 14 : i64} {
  func.func @_body(%arg0: i32, %arg1: i32, %arg2: memref<748800xf32, #tpu.memory_space<hbm>>, %arg3: memref<20800xf32, #tpu.memory_space<hbm>>, %arg4: memref<9216xf32, #tpu.memory_space<hbm>>, %arg5: memref<224xf32, #tpu.memory_space<hbm>>, %arg6: memref<32198400xf32, #tpu.memory_space<hbm>>, %arg7: memref<1440xf32, #tpu.memory_space<vmem>>, %arg8: memref<20800xf32, #tpu.memory_space<vmem>>, %arg9: memref<9216xf32, #tpu.memory_space<vmem>>, %arg10: memref<224xf32, #tpu.memory_space<vmem>>, %arg11: memref<61920xf32, #tpu.memory_space<vmem>>) attributes {dimension_semantics = [#tpu.dimension_semantics<core_parallel>, #tpu.dimension_semantics<subcore_parallel>], iteration_bounds = array<i64: 2, 16>, scalar_prefetch = 0 : i64, scratch_operands = 5 : i64, tpu.core_type = #tpu.core_type<sc_vector_subcore>, window_params = [{transform_indices = #map}, {transform_indices = #map}, {transform_indices = #map}, {transform_indices = #map}, {transform_indices = #map}]} {
    %mul3A = arith.constant 2 : i32
    %mul3A_0 = arith.muli %arg1, %mul3A : i32
    %add3A = arith.addi %mul3A_0, %arg0 : i32
    %mul3A_1 = arith.constant 7800 : i32
    %mul3A_2 = arith.muli %add3A, %mul3A_1 : i32
    "tpu.region"() ({
      %run_scoped3A = tpu.sem_alloc : memref<!tpu.dma_semaphore, #tpu.memory_space<semaphore_mem>>
      tpu.enqueue_dma source(%arg3 : memref<20800xf32, #tpu.memory_space<hbm>>) target(%arg8 : memref<20800xf32, #tpu.memory_space<vmem>>) target_semaphore(%run_scoped3A : memref<!tpu.dma_semaphore, #tpu.memory_space<semaphore_mem>>)
      tpu.wait_dma2 semaphore(%run_scoped3A : memref<!tpu.dma_semaphore, #tpu.memory_space<semaphore_mem>>) src(%arg3 : memref<20800xf32, #tpu.memory_space<hbm>>) dst(%arg8 : memref<20800xf32, #tpu.memory_space<vmem>>)
      tpu.yield
    }) : () -> ()
    "tpu.region"() ({
      %run_scoped3A = tpu.sem_alloc : memref<!tpu.dma_semaphore, #tpu.memory_space<semaphore_mem>>
      tpu.enqueue_dma source(%arg4 : memref<9216xf32, #tpu.memory_space<hbm>>) target(%arg9 : memref<9216xf32, #tpu.memory_space<vmem>>) target_semaphore(%run_scoped3A : memref<!tpu.dma_semaphore, #tpu.memory_space<semaphore_mem>>)
      tpu.wait_dma2 semaphore(%run_scoped3A : memref<!tpu.dma_semaphore, #tpu.memory_space<semaphore_mem>>) src(%arg4 : memref<9216xf32, #tpu.memory_space<hbm>>) dst(%arg9 : memref<9216xf32, #tpu.memory_space<vmem>>)
      tpu.yield
    }) : () -> ()
    "tpu.region"() ({
      %run_scoped3A = tpu.sem_alloc : memref<!tpu.dma_semaphore, #tpu.memory_space<semaphore_mem>>
      tpu.enqueue_dma source(%arg5 : memref<224xf32, #tpu.memory_space<hbm>>) target(%arg10 : memref<224xf32, #tpu.memory_space<vmem>>) target_semaphore(%run_scoped3A : memref<!tpu.dma_semaphore, #tpu.memory_space<semaphore_mem>>)
      tpu.wait_dma2 semaphore(%run_scoped3A : memref<!tpu.dma_semaphore, #tpu.memory_space<semaphore_mem>>) src(%arg5 : memref<224xf32, #tpu.memory_space<hbm>>) dst(%arg10 : memref<224xf32, #tpu.memory_space<vmem>>)
      tpu.yield
    }) : () -> ()
    %iota3A = tpu.iota {dimensions = array<i32: 0>} : vector<16xi32>
    %mul3A_3 = arith.constant 3 : i32
    %mul3A_4 = vector.broadcast %mul3A_3 : i32 to vector<16xi32>
    %mul3A_5 = arith.muli %iota3A, %mul3A_4 : vector<16xi32>
    %mul3A_6 = arith.constant 129 : i32
    %mul3A_7 = vector.broadcast %mul3A_6 : i32 to vector<16xi32>
    %mul3A_8 = arith.muli %iota3A, %mul3A_7 : vector<16xi32>
    %scan3A = arith.constant 0 : i32
    %scan3A_9 = arith.constant 0 : i32
    %scan3A_10 = arith.constant 17 : i32
    %scan3A_11 = arith.addi %scan3A_9, %scan3A_10 : i32
    %scan3A_12 = arith.constant 1 : i32
    scf.for %scan3A_14 = %scan3A_9 to %scan3A_11 step %scan3A_12  : i32 {
      %mul3A_15 = arith.constant 480 : i32
      %mul3A_16 = arith.muli %scan3A_14, %mul3A_15 : i32
      %min3A = arith.constant 7320 : i32
      %min3A_17 = arith.minsi %mul3A_16, %min3A : i32
      %add3A_18 = arith.addi %mul3A_2, %min3A_17 : i32
      %mul3A_19 = arith.constant 3 : i32
      %mul3A_20 = arith.muli %add3A_18, %mul3A_19 : i32
      "tpu.region"() ({
        %run_scoped3A = tpu.sem_alloc : memref<!tpu.dma_semaphore, #tpu.memory_space<semaphore_mem>>
        %dma_start3A = tpu.memref_slice %arg2[%mul3A_20] : memref<748800xf32, #tpu.memory_space<hbm>> -> memref<1440xf32, #tpu.memory_space<hbm>>
        %dma_start3A_29 = tpu.memref_slice %arg2[%mul3A_20] : memref<748800xf32, #tpu.memory_space<hbm>> -> memref<1440xf32, #tpu.memory_space<hbm>>
        tpu.enqueue_dma source(%dma_start3A_29 : memref<1440xf32, #tpu.memory_space<hbm>>) target(%arg7 : memref<1440xf32, #tpu.memory_space<vmem>>) target_semaphore(%run_scoped3A : memref<!tpu.dma_semaphore, #tpu.memory_space<semaphore_mem>>)
        %dma_wait3A = tpu.memref_slice %arg2[%mul3A_20] : memref<748800xf32, #tpu.memory_space<hbm>> -> memref<1440xf32, #tpu.memory_space<hbm>>
        %dma_wait3A_30 = tpu.memref_slice %arg2[%mul3A_20] : memref<748800xf32, #tpu.memory_space<hbm>> -> memref<1440xf32, #tpu.memory_space<hbm>>
        tpu.wait_dma2 semaphore(%run_scoped3A : memref<!tpu.dma_semaphore, #tpu.memory_space<semaphore_mem>>) src(%dma_wait3A_30 : memref<1440xf32, #tpu.memory_space<hbm>>) dst(%arg7 : memref<1440xf32, #tpu.memory_space<vmem>>)
        tpu.yield
      }) : () -> ()
      %scan3A_21 = arith.constant 0 : i32
      %scan3A_22 = arith.constant 0 : i32
      %scan3A_23 = arith.constant 30 : i32
      %scan3A_24 = arith.addi %scan3A_22, %scan3A_23 : i32
      %scan3A_25 = arith.constant 1 : i32
      scf.for %scan3A_29 = %scan3A_22 to %scan3A_24 step %scan3A_25  : i32 {
        %mul3A_30 = arith.constant 16 : i32
        %mul3A_31 = arith.muli %scan3A_29, %mul3A_30 : i32
        %mul3A_32 = arith.constant 3 : i32
        %mul3A_33 = arith.muli %mul3A_31, %mul3A_32 : i32
        %add3A_34 = vector.broadcast %mul3A_33 : i32 to vector<16xi32>
        %add3A_35 = arith.addi %add3A_34, %mul3A_5 : vector<16xi32>
        %gather3A = tpu.vector_load_idx %arg7[%add3A_35] : memref<1440xf32, #tpu.memory_space<vmem>>[vector<16xi32>], vector<16xf32>,
        %add3A_36 = arith.constant 1 : i32
        %add3A_37 = vector.broadcast %add3A_36 : i32 to vector<16xi32>
        %add3A_38 = arith.addi %add3A_35, %add3A_37 : vector<16xi32>
        %gather3A_39 = tpu.vector_load_idx %arg7[%add3A_38] : memref<1440xf32, #tpu.memory_space<vmem>>[vector<16xi32>], vector<16xf32>,
        %convert_element_type3A = arith.fptosi %gather3A_39 : vector<16xf32> to vector<16xi32>
        %add3A_40 = arith.constant 2 : i32
        %add3A_41 = vector.broadcast %add3A_40 : i32 to vector<16xi32>
        %add3A_42 = arith.addi %add3A_35, %add3A_41 : vector<16xi32>
        %gather3A_43 = tpu.vector_load_idx %arg7[%add3A_42] : memref<1440xf32, #tpu.memory_space<vmem>>[vector<16xi32>], vector<16xf32>,
        %convert_element_type3A_44 = arith.fptosi %gather3A_43 : vector<16xf32> to vector<16xi32>
        %mul3A_45 = arith.constant 129 : i32
        %mul3A_46 = arith.muli %mul3A_31, %mul3A_45 : i32
        %add3A_47 = vector.broadcast %mul3A_46 : i32 to vector<16xi32>
        %add3A_48 = arith.addi %add3A_47, %mul3A_8 : vector<16xi32>
        tpu.vector_store_idx %arg11[%add3A_48], %gather3A : memref<61920xf32, #tpu.memory_space<vmem>>[vector<16xi32>], vector<16xf32>,
        %add3A_49 = arith.constant 0 : i32
        %add3A_50 = arith.addi %mul3A_31, %add3A_49 : i32
        %mul3A_51 = arith.constant 129 : i32
        %mul3A_52 = arith.muli %add3A_50, %mul3A_51 : i32
        %add3A_53 = arith.addi %add3A_18, %mul3A_31 : i32
        %add3A_54 = arith.constant 0 : i32
        %add3A_55 = arith.addi %add3A_53, %add3A_54 : i32
        %jit3A = arith.constant 12 : i32
        %div3A = arith.divsi %add3A_55, %jit3A : i32
        %sign3A = arith.constant 0 : i32
        %sign3A_56 = arith.cmpi sgt, %add3A_55, %sign3A : i32
        %sign3A_57 = arith.extui %sign3A_56 : i1 to i32
        %sign3A_58 = arith.constant 0 : i32
        %sign3A_59 = arith.cmpi slt, %add3A_55, %sign3A_58 : i32
        %sign3A_60 = arith.extui %sign3A_59 : i1 to i32
        %sign3A_61 = arith.subi %sign3A_57, %sign3A_60 : i32
        %sign3A_62 = arith.constant 0 : i32
        %sign3A_63 = arith.cmpi sgt, %jit3A, %sign3A_62 : i32
        %sign3A_64 = arith.extui %sign3A_63 : i1 to i32
        %sign3A_65 = arith.constant 0 : i32
        %sign3A_66 = arith.cmpi slt, %jit3A, %sign3A_65 : i32
        %sign3A_67 = arith.extui %sign3A_66 : i1 to i32
        %sign3A_68 = arith.subi %sign3A_64, %sign3A_67 : i32
        %ne3A = arith.cmpi ne, %sign3A_61, %sign3A_68 : i32
        %rem3A = arith.remsi %add3A_55, %jit3A : i32
        %ne3A_69 = arith.constant 0 : i32
        %ne3A_70 = arith.cmpi ne, %rem3A, %ne3A_69 : i32
        %and3A = arith.andi %ne3A, %ne3A_70 : i1
        %sub3A = arith.constant 1 : i32
        %sub3A_71 = arith.subi %div3A, %sub3A : i32
        %select_n3A = arith.select %and3A, %sub3A_71, %div3A : i32
        %jit3A_72 = arith.constant 325 : i32
        %eq3A = arith.constant 0 : i32
        %eq3A_73 = arith.cmpi eq, %jit3A_72, %eq3A : i32
        %jit3A_74 = arith.constant 1 : i32
        %select_n3A_75 = arith.select %eq3A_73, %jit3A_74, %jit3A_72 : i32
        %rem3A_76 = arith.remsi %select_n3A, %select_n3A_75 : i32
        %ne3A_77 = arith.constant 0 : i32
        %ne3A_78 = arith.cmpi ne, %rem3A_76, %ne3A_77 : i32
        %lt3A = arith.constant 0 : i32
        %lt3A_79 = arith.cmpi slt, %rem3A_76, %lt3A : i32
        %lt3A_80 = arith.constant 0 : i32
        %lt3A_81 = arith.cmpi slt, %select_n3A_75, %lt3A_80 : i32
        %ne3A_82 = arith.xori %lt3A_79, %lt3A_81 : i1
        %and3A_83 = arith.andi %ne3A_82, %ne3A_78 : i1
        %add3A_84 = arith.addi %rem3A_76, %select_n3A_75 : i32
        %select_n3A_85 = arith.select %and3A_83, %add3A_84, %rem3A_76 : i32
        %mul3A_86 = arith.constant 64 : i32
        %mul3A_87 = arith.muli %select_n3A_85, %mul3A_86 : i32
        %slice3A = vector.extract_strided_slice %convert_element_type3A {offsets = [0], sizes = [1], strides = [1]} : vector<16xi32> to vector<1xi32>
        %squeeze3A = vector.extract %slice3A[0] : i32 from vector<1xi32>
        %mul3A_88 = arith.constant 32 : i32
        %mul3A_89 = arith.muli %squeeze3A, %mul3A_88 : i32
        %slice3A_90 = vector.extract_strided_slice %convert_element_type3A_44 {offsets = [0], sizes = [1], strides = [1]} : vector<16xi32> to vector<1xi32>
        %squeeze3A_91 = vector.extract %slice3A_90[0] : i32 from vector<1xi32>
        %mul3A_92 = arith.constant 32 : i32
        %mul3A_93 = arith.muli %squeeze3A_91, %mul3A_92 : i32
        %add3A_94 = arith.constant 0 : i32
        %add3A_95 = arith.addi %mul3A_87, %add3A_94 : i32
        %get3A = arith.index_cast %add3A_95 : i32 to index
        %get3A_96 = tpu.vector_load %arg8[%get3A] {strides = array<i32>} : memref<20800xf32, #tpu.memory_space<vmem>>, vector<16xf32>,
        %add3A_97 = arith.constant 1 : i32
        %add3A_98 = arith.addi %mul3A_52, %add3A_97 : i32
        %add3A_99 = arith.constant 0 : i32
        %add3A_100 = arith.addi %add3A_98, %add3A_99 : i32
        %swap3A = arith.index_cast %add3A_100 : i32 to index
        %swap3A_101 = tpu.vector_load %arg11[%swap3A] {strides = array<i32>} : memref<61920xf32, #tpu.memory_space<vmem>>, vector<16xf32>,
        tpu.vector_store %arg11[%swap3A], %get3A_96 {strides = array<i32>} : memref<61920xf32, #tpu.memory_space<vmem>>, vector<16xf32>,
        %add3A_102 = arith.constant 16 : i32
        %add3A_103 = arith.addi %mul3A_87, %add3A_102 : i32
        %get3A_104 = arith.index_cast %add3A_103 : i32 to index
        %get3A_105 = tpu.vector_load %arg8[%get3A_104] {strides = array<i32>} : memref<20800xf32, #tpu.memory_space<vmem>>, vector<16xf32>,
        %add3A_106 = arith.constant 1 : i32
        %add3A_107 = arith.addi %mul3A_52, %add3A_106 : i32
        %add3A_108 = arith.constant 16 : i32
        %add3A_109 = arith.addi %add3A_107, %add3A_108 : i32
        %swap3A_110 = arith.index_cast %add3A_109 : i32 to index
        %swap3A_111 = tpu.vector_load %arg11[%swap3A_110] {strides = array<i32>} : memref<61920xf32, #tpu.memory_space<vmem>>, vector<16xf32>,
        tpu.vector_store %arg11[%swap3A_110], %get3A_105 {strides = array<i32>} : memref<61920xf32, #tpu.memory_space<vmem>>, vector<16xf32>,
        %add3A_112 = arith.constant 32 : i32
        %add3A_113 = arith.addi %mul3A_87, %add3A_112 : i32
        %get3A_114 = arith.index_cast %add3A_113 : i32 to index
        %get3A_115 = tpu.vector_load %arg8[%get3A_114] {strides = array<i32>} : memref<20800xf32, #tpu.memory_space<vmem>>, vector<16xf32>,
        %add3A_116 = arith.constant 1 : i32
        %add3A_117 = arith.addi %mul3A_52, %add3A_116 : i32
        %add3A_118 = arith.constant 32 : i32
        %add3A_119 = arith.addi %add3A_117, %add3A_118 : i32
        %swap3A_120 = arith.index_cast %add3A_119 : i32 to index
        %swap3A_121 = tpu.vector_load %arg11[%swap3A_120] {strides = array<i32>} : memref<61920xf32, #tpu.memory_space<vmem>>, vector<16xf32>,
        tpu.vector_store %arg11[%swap3A_120], %get3A_115 {strides = array<i32>} : memref<61920xf32, #tpu.memory_space<vmem>>, vector<16xf32>,
        %add3A_122 = arith.constant 48 : i32
        %add3A_123 = arith.addi %mul3A_87, %add3A_122 : i32
        %get3A_124 = arith.index_cast %add3A_123 : i32 to index
        %get3A_125 = tpu.vector_load %arg8[%get3A_124] {strides = array<i32>} : memref<20800xf32, #tpu.memory_space<vmem>>, vector<16xf32>,
        %add3A_126 = arith.constant 1 : i32
        %add3A_127 = arith.addi %mul3A_52, %add3A_126 : i32
        %add3A_128 = arith.constant 48 : i32
        %add3A_129 = arith.addi %add3A_127, %add3A_128 : i32
        %swap3A_130 = arith.index_cast %add3A_129 : i32 to index
        %swap3A_131 = tpu.vector_load %arg11[%swap3A_130] {strides = array<i32>} : memref<61920xf32, #tpu.memory_space<vmem>>, vector<16xf32>,
        tpu.vector_store %arg11[%swap3A_130], %get3A_125 {strides = array<i32>} : memref<61920xf32, #tpu.memory_space<vmem>>, vector<16xf32>,
        %add3A_132 = arith.constant 0 : i32
        %add3A_133 = arith.addi %mul3A_89, %add3A_132 : i32
        %get3A_134 = arith.index_cast %add3A_133 : i32 to index
        %get3A_135 = tpu.vector_load %arg9[%get3A_134] {strides = array<i32>} : memref<9216xf32, #tpu.memory_space<vmem>>, vector<16xf32>,
        %add3A_136 = arith.constant 65 : i32
        %add3A_137 = arith.addi %mul3A_52, %add3A_136 : i32
        %add3A_138 = arith.constant 0 : i32
        %add3A_139 = arith.addi %add3A_137, %add3A_138 : i32
        %swap3A_140 = arith.index_cast %add3A_139 : i32 to index
        %swap3A_141 = tpu.vector_load %arg11[%swap3A_140] {strides = array<i32>} : memref<61920xf32, #tpu.memory_space<vmem>>, vector<16xf32>,
        tpu.vector_store %arg11[%swap3A_140], %get3A_135 {strides = array<i32>} : memref<61920xf32, #tpu.memory_space<vmem>>, vector<16xf32>,
        %add3A_142 = arith.constant 16 : i32
        %add3A_143 = arith.addi %mul3A_89, %add3A_142 : i32
        %get3A_144 = arith.index_cast %add3A_143 : i32 to index
        %get3A_145 = tpu.vector_load %arg9[%get3A_144] {strides = array<i32>} : memref<9216xf32, #tpu.memory_space<vmem>>, vector<16xf32>,
        %add3A_146 = arith.constant 65 : i32
        %add3A_147 = arith.addi %mul3A_52, %add3A_146 : i32
        %add3A_148 = arith.constant 16 : i32
        %add3A_149 = arith.addi %add3A_147, %add3A_148 : i32
        %swap3A_150 = arith.index_cast %add3A_149 : i32 to index
        %swap3A_151 = tpu.vector_load %arg11[%swap3A_150] {strides = array<i32>} : memref<61920xf32, #tpu.memory_space<vmem>>, vector<16xf32>,
        tpu.vector_store %arg11[%swap3A_150], %get3A_145 {strides = array<i32>} : memref<61920xf32, #tpu.memory_space<vmem>>, vector<16xf32>,
        %add3A_152 = arith.constant 0 : i32
        %add3A_153 = arith.addi %mul3A_93, %add3A_152 : i32
        %get3A_154 = arith.index_cast %add3A_153 : i32 to index
        %get3A_155 = tpu.vector_load %arg10[%get3A_154] {strides = array<i32>} : memref<224xf32, #tpu.memory_space<vmem>>, vector<16xf32>,
        %add3A_156 = arith.constant 97 : i32
        %add3A_157 = arith.addi %mul3A_52, %add3A_156 : i32
        %add3A_158 = arith.constant 0 : i32
        %add3A_159 = arith.addi %add3A_157, %add3A_158 : i32
        %swap3A_160 = arith.index_cast %add3A_159 : i32 to index
        %swap3A_161 = tpu.vector_load %arg11[%swap3A_160] {strides = array<i32>} : memref<61920xf32, #tpu.memory_space<vmem>>, vector<16xf32>,
        tpu.vector_store %arg11[%swap3A_160], %get3A_155 {strides = array<i32>} : memref<61920xf32, #tpu.memory_space<vmem>>, vector<16xf32>,
        %add3A_162 = arith.constant 16 : i32
        %add3A_163 = arith.addi %mul3A_93, %add3A_162 : i32
        %get3A_164 = arith.index_cast %add3A_163 : i32 to index
        %get3A_165 = tpu.vector_load %arg10[%get3A_164] {strides = array<i32>} : memref<224xf32, #tpu.memory_space<vmem>>, vector<16xf32>,
        %add3A_166 = arith.constant 97 : i32
        %add3A_167 = arith.addi %mul3A_52, %add3A_166 : i32
        %add3A_168 = arith.constant 16 : i32
        %add3A_169 = arith.addi %add3A_167, %add3A_168 : i32
        %swap3A_170 = arith.index_cast %add3A_169 : i32 to index
        %swap3A_171 = tpu.vector_load %arg11[%swap3A_170] {strides = array<i32>} : memref<61920xf32, #tpu.memory_space<vmem>>, vector<16xf32>,
        tpu.vector_store %arg11[%swap3A_170], %get3A_165 {strides = array<i32>} : memref<61920xf32, #tpu.memory_space<vmem>>, vector<16xf32>,
        %add3A_172 = arith.constant 1 : i32
        %add3A_173 = arith.addi %mul3A_31, %add3A_172 : i32
        %mul3A_174 = arith.constant 129 : i32
        %mul3A_175 = arith.muli %add3A_173, %mul3A_174 : i32
        %add3A_176 = arith.addi %add3A_18, %mul3A_31 : i32
        %add3A_177 = arith.constant 1 : i32
        %add3A_178 = arith.addi %add3A_176, %add3A_177 : i32
        %jit3A_179 = arith.constant 12 : i32
        %div3A_180 = arith.divsi %add3A_178, %jit3A_179 : i32
        %sign3A_181 = arith.constant 0 : i32
        %sign3A_182 = arith.cmpi sgt, %add3A_178, %sign3A_181 : i32
        %sign3A_183 = arith.extui %sign3A_182 : i1 to i32
        %sign3A_184 = arith.constant 0 : i32
        %sign3A_185 = arith.cmpi slt, %add3A_178, %sign3A_184 : i32
        %sign3A_186 = arith.extui %sign3A_185 : i1 to i32
        %sign3A_187 = arith.subi %sign3A_183, %sign3A_186 : i32
        %sign3A_188 = arith.constant 0 : i32
        %sign3A_189 = arith.cmpi sgt, %jit3A_179, %sign3A_188 : i32
        %sign3A_190 = arith.extui %sign3A_189 : i1 to i32
        %sign3A_191 = arith.constant 0 : i32
        %sign3A_192 = arith.cmpi slt, %jit3A_179, %sign3A_191 : i32
        %sign3A_193 = arith.extui %sign3A_192 : i1 to i32
        %sign3A_194 = arith.subi %sign3A_190, %sign3A_193 : i32
        %ne3A_195 = arith.cmpi ne, %sign3A_187, %sign3A_194 : i32
        %rem3A_196 = arith.remsi %add3A_178, %jit3A_179 : i32
        %ne3A_197 = arith.constant 0 : i32
        %ne3A_198 = arith.cmpi ne, %rem3A_196, %ne3A_197 : i32
        %and3A_199 = arith.andi %ne3A_195, %ne3A_198 : i1
        %sub3A_200 = arith.constant 1 : i32
        %sub3A_201 = arith.subi %div3A_180, %sub3A_200 : i32
        %select_n3A_202 = arith.select %and3A_199, %sub3A_201, %div3A_180 : i32
        %jit3A_203 = arith.constant 325 : i32
        %eq3A_204 = arith.constant 0 : i32
        %eq3A_205 = arith.cmpi eq, %jit3A_203, %eq3A_204 : i32
        %jit3A_206 = arith.constant 1 : i32
        %select_n3A_207 = arith.select %eq3A_205, %jit3A_206, %jit3A_203 : i32
        %rem3A_208 = arith.remsi %select_n3A_202, %select_n3A_207 : i32
        %ne3A_209 = arith.constant 0 : i32
        %ne3A_210 = arith.cmpi ne, %rem3A_208, %ne3A_209 : i32
        %lt3A_211 = arith.constant 0 : i32
        %lt3A_212 = arith.cmpi slt, %rem3A_208, %lt3A_211 : i32
        %lt3A_213 = arith.constant 0 : i32
        %lt3A_214 = arith.cmpi slt, %select_n3A_207, %lt3A_213 : i32
        %ne3A_215 = arith.xori %lt3A_212, %lt3A_214 : i1
        %and3A_216 = arith.andi %ne3A_215, %ne3A_210 : i1
        %add3A_217 = arith.addi %rem3A_208, %select_n3A_207 : i32
        %select_n3A_218 = arith.select %and3A_216, %add3A_217, %rem3A_208 : i32
        %mul3A_219 = arith.constant 64 : i32
        %mul3A_220 = arith.muli %select_n3A_218, %mul3A_219 : i32
        %slice3A_221 = vector.extract_strided_slice %convert_element_type3A {offsets = [1], sizes = [1], strides = [1]} : vector<16xi32> to vector<1xi32>
        %squeeze3A_222 = vector.extract %slice3A_221[0] : i32 from vector<1xi32>
        %mul3A_223 = arith.constant 32 : i32
        %mul3A_224 = arith.muli %squeeze3A_222, %mul3A_223 : i32
        %slice3A_225 = vector.extract_strided_slice %convert_element_type3A_44 {offsets = [1], sizes = [1], strides = [1]} : vector<16xi32> to vector<1xi32>
        %squeeze3A_226 = vector.extract %slice3A_225[0] : i32 from vector<1xi32>
        %mul3A_227 = arith.constant 32 : i32
        %mul3A_228 = arith.muli %squeeze3A_226, %mul3A_227 : i32
        %add3A_229 = arith.constant 0 : i32
        %add3A_230 = arith.addi %mul3A_220, %add3A_229 : i32
        %get3A_231 = arith.index_cast %add3A_230 : i32 to index
        %get3A_232 = tpu.vector_load %arg8[%get3A_231] {strides = array<i32>} : memref<20800xf32, #tpu.memory_space<vmem>>, vector<16xf32>,
        %add3A_233 = arith.constant 1 : i32
        %add3A_234 = arith.addi %mul3A_175, %add3A_233 : i32
        %add3A_235 = arith.constant 0 : i32
        %add3A_236 = arith.addi %add3A_234, %add3A_235 : i32
        %swap3A_237 = arith.index_cast %add3A_236 : i32 to index
        %swap3A_238 = tpu.vector_load %arg11[%swap3A_237] {strides = array<i32>} : memref<61920xf32, #tpu.memory_space<vmem>>, vector<16xf32>,
        tpu.vector_store %arg11[%swap3A_237], %get3A_232 {strides = array<i32>} : memref<61920xf32, #tpu.memory_space<vmem>>, vector<16xf32>,
        %add3A_239 = arith.constant 16 : i32
        %add3A_240 = arith.addi %mul3A_220, %add3A_239 : i32
        %get3A_241 = arith.index_cast %add3A_240 : i32 to index
        %get3A_242 = tpu.vector_load %arg8[%get3A_241] {strides = array<i32>} : memref<20800xf32, #tpu.memory_space<vmem>>, vector<16xf32>,
        %add3A_243 = arith.constant 1 : i32
        %add3A_244 = arith.addi %mul3A_175, %add3A_243 : i32
        %add3A_245 = arith.constant 16 : i32
        %add3A_246 = arith.addi %add3A_244, %add3A_245 : i32
        %swap3A_247 = arith.index_cast %add3A_246 : i32 to index
        %swap3A_248 = tpu.vector_load %arg11[%swap3A_247] {strides = array<i32>} : memref<61920xf32, #tpu.memory_space<vmem>>, vector<16xf32>,
        tpu.vector_store %arg11[%swap3A_247], %get3A_242 {strides = array<i32>} : memref<61920xf32, #tpu.memory_space<vmem>>, vector<16xf32>,
        %add3A_249 = arith.constant 32 : i32
        %add3A_250 = arith.addi %mul3A_220, %add3A_249 : i32
        %get3A_251 = arith.index_cast %add3A_250 : i32 to index
        %get3A_252 = tpu.vector_load %arg8[%get3A_251] {strides = array<i32>} : memref<20800xf32, #tpu.memory_space<vmem>>, vector<16xf32>,
        %add3A_253 = arith.constant 1 : i32
        %add3A_254 = arith.addi %mul3A_175, %add3A_253 : i32
        %add3A_255 = arith.constant 32 : i32
        %add3A_256 = arith.addi %add3A_254, %add3A_255 : i32
        %swap3A_257 = arith.index_cast %add3A_256 : i32 to index
        %swap3A_258 = tpu.vector_load %arg11[%swap3A_257] {strides = array<i32>} : memref<61920xf32, #tpu.memory_space<vmem>>, vector<16xf32>,
        tpu.vector_store %arg11[%swap3A_257], %get3A_252 {strides = array<i32>} : memref<61920xf32, #tpu.memory_space<vmem>>, vector<16xf32>,
        %add3A_259 = arith.constant 48 : i32
        %add3A_260 = arith.addi %mul3A_220, %add3A_259 : i32
        %get3A_261 = arith.index_cast %add3A_260 : i32 to index
        %get3A_262 = tpu.vector_load %arg8[%get3A_261] {strides = array<i32>} : memref<20800xf32, #tpu.memory_space<vmem>>, vector<16xf32>,
        %add3A_263 = arith.constant 1 : i32
        %add3A_264 = arith.addi %mul3A_175, %add3A_263 : i32
        %add3A_265 = arith.constant 48 : i32
        %add3A_266 = arith.addi %add3A_264, %add3A_265 : i32
        %swap3A_267 = arith.index_cast %add3A_266 : i32 to index
        %swap3A_268 = tpu.vector_load %arg11[%swap3A_267] {strides = array<i32>} : memref<61920xf32, #tpu.memory_space<vmem>>, vector<16xf32>,
        tpu.vector_store %arg11[%swap3A_267], %get3A_262 {strides = array<i32>} : memref<61920xf32, #tpu.memory_space<vmem>>, vector<16xf32>,
        %add3A_269 = arith.constant 0 : i32
        %add3A_270 = arith.addi %mul3A_224, %add3A_269 : i32
        %get3A_271 = arith.index_cast %add3A_270 : i32 to index
        %get3A_272 = tpu.vector_load %arg9[%get3A_271] {strides = array<i32>} : memref<9216xf32, #tpu.memory_space<vmem>>, vector<16xf32>,
        %add3A_273 = arith.constant 65 : i32
        %add3A_274 = arith.addi %mul3A_175, %add3A_273 : i32
        %add3A_275 = arith.constant 0 : i32
        %add3A_276 = arith.addi %add3A_274, %add3A_275 : i32
        %swap3A_277 = arith.index_cast %add3A_276 : i32 to index
        %swap3A_278 = tpu.vector_load %arg11[%swap3A_277] {strides = array<i32>} : memref<61920xf32, #tpu.memory_space<vmem>>, vector<16xf32>,
        tpu.vector_store %arg11[%swap3A_277], %get3A_272 {strides = array<i32>} : memref<61920xf32, #tpu.memory_space<vmem>>, vector<16xf32>,
        %add3A_279 = arith.constant 16 : i32
        %add3A_280 = arith.addi %mul3A_224, %add3A_279 : i32
        %get3A_281 = arith.index_cast %add3A_280 : i32 to index
        %get3A_282 = tpu.vector_load %arg9[%get3A_281] {strides = array<i32>} : memref<9216xf32, #tpu.memory_space<vmem>>, vector<16xf32>,
        %add3A_283 = arith.constant 65 : i32
        %add3A_284 = arith.addi %mul3A_175, %add3A_283 : i32
        %add3A_285 = arith.constant 16 : i32
        %add3A_286 = arith.addi %add3A_284, %add3A_285 : i32
        %swap3A_287 = arith.index_cast %add3A_286 : i32 to index
        %swap3A_288 = tpu.vector_load %arg11[%swap3A_287] {strides = array<i32>} : memref<61920xf32, #tpu.memory_space<vmem>>, vector<16xf32>,
        tpu.vector_store %arg11[%swap3A_287], %get3A_282 {strides = array<i32>} : memref<61920xf32, #tpu.memory_space<vmem>>, vector<16xf32>,
        %add3A_289 = arith.constant 0 : i32
        %add3A_290 = arith.addi %mul3A_228, %add3A_289 : i32
        %get3A_291 = arith.index_cast %add3A_290 : i32 to index
        %get3A_292 = tpu.vector_load %arg10[%get3A_291] {strides = array<i32>} : memref<224xf32, #tpu.memory_space<vmem>>, vector<16xf32>,
        %add3A_293 = arith.constant 97 : i32
        %add3A_294 = arith.addi %mul3A_175, %add3A_293 : i32
        %add3A_295 = arith.constant 0 : i32
        %add3A_296 = arith.addi %add3A_294, %add3A_295 : i32
        %swap3A_297 = arith.index_cast %add3A_296 : i32 to index
        %swap3A_298 = tpu.vector_load %arg11[%swap3A_297] {strides = array<i32>} : memref<61920xf32, #tpu.memory_space<vmem>>, vector<16xf32>,
        tpu.vector_store %arg11[%swap3A_297], %get3A_292 {strides = array<i32>} : memref<61920xf32, #tpu.memory_space<vmem>>, vector<16xf32>,
        %add3A_299 = arith.constant 16 : i32
        %add3A_300 = arith.addi %mul3A_228, %add3A_299 : i32
        %get3A_301 = arith.index_cast %add3A_300 : i32 to index
        %get3A_302 = tpu.vector_load %arg10[%get3A_301] {strides = array<i32>} : memref<224xf32, #tpu.memory_space<vmem>>, vector<16xf32>,
        %add3A_303 = arith.constant 97 : i32
        %add3A_304 = arith.addi %mul3A_175, %add3A_303 : i32
        %add3A_305 = arith.constant 16 : i32
        %add3A_306 = arith.addi %add3A_304, %add3A_305 : i32
        %swap3A_307 = arith.index_cast %add3A_306 : i32 to index
        %swap3A_308 = tpu.vector_load %arg11[%swap3A_307] {strides = array<i32>} : memref<61920xf32, #tpu.memory_space<vmem>>, vector<16xf32>,
        tpu.vector_store %arg11[%swap3A_307], %get3A_302 {strides = array<i32>} : memref<61920xf32, #tpu.memory_space<vmem>>, vector<16xf32>,
        %add3A_309 = arith.constant 2 : i32
        %add3A_310 = arith.addi %mul3A_31, %add3A_309 : i32
        %mul3A_311 = arith.constant 129 : i32
        %mul3A_312 = arith.muli %add3A_310, %mul3A_311 : i32
        %add3A_313 = arith.addi %add3A_18, %mul3A_31 : i32
        %add3A_314 = arith.constant 2 : i32
        %add3A_315 = arith.addi %add3A_313, %add3A_314 : i32
        %jit3A_316 = arith.constant 12 : i32
        %div3A_317 = arith.divsi %add3A_315, %jit3A_316 : i32
        %sign3A_318 = arith.constant 0 : i32
        %sign3A_319 = arith.cmpi sgt, %add3A_315, %sign3A_318 : i32
        %sign3A_320 = arith.extui %sign3A_319 : i1 to i32
        %sign3A_321 = arith.constant 0 : i32
        %sign3A_322 = arith.cmpi slt, %add3A_315, %sign3A_321 : i32
        %sign3A_323 = arith.extui %sign3A_322 : i1 to i32
        %sign3A_324 = arith.subi %sign3A_320, %sign3A_323 : i32
        %sign3A_325 = arith.constant 0 : i32
        %sign3A_326 = arith.cmpi sgt, %jit3A_316, %sign3A_325 : i32
        %sign3A_327 = arith.extui %sign3A_326 : i1 to i32
        %sign3A_328 = arith.constant 0 : i32
        %sign3A_329 = arith.cmpi slt, %jit3A_316, %sign3A_328 : i32
        %sign3A_330 = arith.extui %sign3A_329 : i1 to i32
        %sign3A_331 = arith.subi %sign3A_327, %sign3A_330 : i32
        %ne3A_332 = arith.cmpi ne, %sign3A_324, %sign3A_331 : i32
        %rem3A_333 = arith.remsi %add3A_315, %jit3A_316 : i32
        %ne3A_334 = arith.constant 0 : i32
        %ne3A_335 = arith.cmpi ne, %rem3A_333, %ne3A_334 : i32
        %and3A_336 = arith.andi %ne3A_332, %ne3A_335 : i1
        %sub3A_337 = arith.constant 1 : i32
        %sub3A_338 = arith.subi %div3A_317, %sub3A_337 : i32
        %select_n3A_339 = arith.select %and3A_336, %sub3A_338, %div3A_317 : i32
        %jit3A_340 = arith.constant 325 : i32
        %eq3A_341 = arith.constant 0 : i32
        %eq3A_342 = arith.cmpi eq, %jit3A_340, %eq3A_341 : i32
        %jit3A_343 = arith.constant 1 : i32
        %select_n3A_344 = arith.select %eq3A_342, %jit3A_343, %jit3A_340 : i32
        %rem3A_345 = arith.remsi %select_n3A_339, %select_n3A_344 : i32
        %ne3A_346 = arith.constant 0 : i32
        %ne3A_347 = arith.cmpi ne, %rem3A_345, %ne3A_346 : i32
        %lt3A_348 = arith.constant 0 : i32
        %lt3A_349 = arith.cmpi slt, %rem3A_345, %lt3A_348 : i32
        %lt3A_350 = arith.constant 0 : i32
        %lt3A_351 = arith.cmpi slt, %select_n3A_344, %lt3A_350 : i32
        %ne3A_352 = arith.xori %lt3A_349, %lt3A_351 : i1
        %and3A_353 = arith.andi %ne3A_352, %ne3A_347 : i1
        %add3A_354 = arith.addi %rem3A_345, %select_n3A_344 : i32
        %select_n3A_355 = arith.select %and3A_353, %add3A_354, %rem3A_345 : i32
        %mul3A_356 = arith.constant 64 : i32
        %mul3A_357 = arith.muli %select_n3A_355, %mul3A_356 : i32
        %slice3A_358 = vector.extract_strided_slice %convert_element_type3A {offsets = [2], sizes = [1], strides = [1]} : vector<16xi32> to vector<1xi32>
        %squeeze3A_359 = vector.extract %slice3A_358[0] : i32 from vector<1xi32>
        %mul3A_360 = arith.constant 32 : i32
        %mul3A_361 = arith.muli %squeeze3A_359, %mul3A_360 : i32
        %slice3A_362 = vector.extract_strided_slice %convert_element_type3A_44 {offsets = [2], sizes = [1], strides = [1]} : vector<16xi32> to vector<1xi32>
        %squeeze3A_363 = vector.extract %slice3A_362[0] : i32 from vector<1xi32>
        %mul3A_364 = arith.constant 32 : i32
        %mul3A_365 = arith.muli %squeeze3A_363, %mul3A_364 : i32
        %add3A_366 = arith.constant 0 : i32
        %add3A_367 = arith.addi %mul3A_357, %add3A_366 : i32
        %get3A_368 = arith.index_cast %add3A_367 : i32 to index
        %get3A_369 = tpu.vector_load %arg8[%get3A_368] {strides = array<i32>} : memref<20800xf32, #tpu.memory_space<vmem>>, vector<16xf32>,
        %add3A_370 = arith.constant 1 : i32
        %add3A_371 = arith.addi %mul3A_312, %add3A_370 : i32
        %add3A_372 = arith.constant 0 : i32
        %add3A_373 = arith.addi %add3A_371, %add3A_372 : i32
        %swap3A_374 = arith.index_cast %add3A_373 : i32 to index
        %swap3A_375 = tpu.vector_load %arg11[%swap3A_374] {strides = array<i32>} : memref<61920xf32, #tpu.memory_space<vmem>>, vector<16xf32>,
        tpu.vector_store %arg11[%swap3A_374], %get3A_369 {strides = array<i32>} : memref<61920xf32, #tpu.memory_space<vmem>>, vector<16xf32>,
        %add3A_376 = arith.constant 16 : i32
        %add3A_377 = arith.addi %mul3A_357, %add3A_376 : i32
        %get3A_378 = arith.index_cast %add3A_377 : i32 to index
        %get3A_379 = tpu.vector_load %arg8[%get3A_378] {strides = array<i32>} : memref<20800xf32, #tpu.memory_space<vmem>>, vector<16xf32>,
        %add3A_380 = arith.constant 1 : i32
        %add3A_381 = arith.addi %mul3A_312, %add3A_380 : i32
        %add3A_382 = arith.constant 16 : i32
        %add3A_383 = arith.addi %add3A_381, %add3A_382 : i32
        %swap3A_384 = arith.index_cast %add3A_383 : i32 to index
        %swap3A_385 = tpu.vector_load %arg11[%swap3A_384] {strides = array<i32>} : memref<61920xf32, #tpu.memory_space<vmem>>, vector<16xf32>,
        tpu.vector_store %arg11[%swap3A_384], %get3A_379 {strides = array<i32>} : memref<61920xf32, #tpu.memory_space<vmem>>, vector<16xf32>,
        %add3A_386 = arith.constant 32 : i32
        %add3A_387 = arith.addi %mul3A_357, %add3A_386 : i32
        %get3A_388 = arith.index_cast %add3A_387 : i32 to index
        %get3A_389 = tpu.vector_load %arg8[%get3A_388] {strides = array<i32>} : memref<20800xf32, #tpu.memory_space<vmem>>, vector<16xf32>,
        %add3A_390 = arith.constant 1 : i32
        %add3A_391 = arith.addi %mul3A_312, %add3A_390 : i32
        %add3A_392 = arith.constant 32 : i32
        %add3A_393 = arith.addi %add3A_391, %add3A_392 : i32
        %swap3A_394 = arith.index_cast %add3A_393 : i32 to index
        %swap3A_395 = tpu.vector_load %arg11[%swap3A_394] {strides = array<i32>} : memref<61920xf32, #tpu.memory_space<vmem>>, vector<16xf32>,
        tpu.vector_store %arg11[%swap3A_394], %get3A_389 {strides = array<i32>} : memref<61920xf32, #tpu.memory_space<vmem>>, vector<16xf32>,
        %add3A_396 = arith.constant 48 : i32
        %add3A_397 = arith.addi %mul3A_357, %add3A_396 : i32
        %get3A_398 = arith.index_cast %add3A_397 : i32 to index
        %get3A_399 = tpu.vector_load %arg8[%get3A_398] {strides = array<i32>} : memref<20800xf32, #tpu.memory_space<vmem>>, vector<16xf32>,
        %add3A_400 = arith.constant 1 : i32
        %add3A_401 = arith.addi %mul3A_312, %add3A_400 : i32
        %add3A_402 = arith.constant 48 : i32
        %add3A_403 = arith.addi %add3A_401, %add3A_402 : i32
        %swap3A_404 = arith.index_cast %add3A_403 : i32 to index
        %swap3A_405 = tpu.vector_load %arg11[%swap3A_404] {strides = array<i32>} : memref<61920xf32, #tpu.memory_space<vmem>>, vector<16xf32>,
        tpu.vector_store %arg11[%swap3A_404], %get3A_399 {strides = array<i32>} : memref<61920xf32, #tpu.memory_space<vmem>>, vector<16xf32>,
        %add3A_406 = arith.constant 0 : i32
        %add3A_407 = arith.addi %mul3A_361, %add3A_406 : i32
        %get3A_408 = arith.index_cast %add3A_407 : i32 to index
        %get3A_409 = tpu.vector_load %arg9[%get3A_408] {strides = array<i32>} : memref<9216xf32, #tpu.memory_space<vmem>>, vector<16xf32>,
        %add3A_410 = arith.constant 65 : i32
        %add3A_411 = arith.addi %mul3A_312, %add3A_410 : i32
        %add3A_412 = arith.constant 0 : i32
        %add3A_413 = arith.addi %add3A_411, %add3A_412 : i32
        %swap3A_414 = arith.index_cast %add3A_413 : i32 to index
        %swap3A_415 = tpu.vector_load %arg11[%swap3A_414] {strides = array<i32>} : memref<61920xf32, #tpu.memory_space<vmem>>, vector<16xf32>,
        tpu.vector_store %arg11[%swap3A_414], %get3A_409 {strides = array<i32>} : memref<61920xf32, #tpu.memory_space<vmem>>, vector<16xf32>,
        %add3A_416 = arith.constant 16 : i32
        %add3A_417 = arith.addi %mul3A_361, %add3A_416 : i32
        %get3A_418 = arith.index_cast %add3A_417 : i32 to index
        %get3A_419 = tpu.vector_load %arg9[%get3A_418] {strides = array<i32>} : memref<9216xf32, #tpu.memory_space<vmem>>, vector<16xf32>,
        %add3A_420 = arith.constant 65 : i32
        %add3A_421 = arith.addi %mul3A_312, %add3A_420 : i32
        %add3A_422 = arith.constant 16 : i32
        %add3A_423 = arith.addi %add3A_421, %add3A_422 : i32
        %swap3A_424 = arith.index_cast %add3A_423 : i32 to index
        %swap3A_425 = tpu.vector_load %arg11[%swap3A_424] {strides = array<i32>} : memref<61920xf32, #tpu.memory_space<vmem>>, vector<16xf32>,
        tpu.vector_store %arg11[%swap3A_424], %get3A_419 {strides = array<i32>} : memref<61920xf32, #tpu.memory_space<vmem>>, vector<16xf32>,
        %add3A_426 = arith.constant 0 : i32
        %add3A_427 = arith.addi %mul3A_365, %add3A_426 : i32
        %get3A_428 = arith.index_cast %add3A_427 : i32 to index
        %get3A_429 = tpu.vector_load %arg10[%get3A_428] {strides = array<i32>} : memref<224xf32, #tpu.memory_space<vmem>>, vector<16xf32>,
        %add3A_430 = arith.constant 97 : i32
        %add3A_431 = arith.addi %mul3A_312, %add3A_430 : i32
        %add3A_432 = arith.constant 0 : i32
        %add3A_433 = arith.addi %add3A_431, %add3A_432 : i32
        %swap3A_434 = arith.index_cast %add3A_433 : i32 to index
        %swap3A_435 = tpu.vector_load %arg11[%swap3A_434] {strides = array<i32>} : memref<61920xf32, #tpu.memory_space<vmem>>, vector<16xf32>,
        tpu.vector_store %arg11[%swap3A_434], %get3A_429 {strides = array<i32>} : memref<61920xf32, #tpu.memory_space<vmem>>, vector<16xf32>,
        %add3A_436 = arith.constant 16 : i32
        %add3A_437 = arith.addi %mul3A_365, %add3A_436 : i32
        %get3A_438 = arith.index_cast %add3A_437 : i32 to index
        %get3A_439 = tpu.vector_load %arg10[%get3A_438] {strides = array<i32>} : memref<224xf32, #tpu.memory_space<vmem>>, vector<16xf32>,
        %add3A_440 = arith.constant 97 : i32
        %add3A_441 = arith.addi %mul3A_312, %add3A_440 : i32
        %add3A_442 = arith.constant 16 : i32
        %add3A_443 = arith.addi %add3A_441, %add3A_442 : i32
        %swap3A_444 = arith.index_cast %add3A_443 : i32 to index
        %swap3A_445 = tpu.vector_load %arg11[%swap3A_444] {strides = array<i32>} : memref<61920xf32, #tpu.memory_space<vmem>>, vector<16xf32>,
        tpu.vector_store %arg11[%swap3A_444], %get3A_439 {strides = array<i32>} : memref<61920xf32, #tpu.memory_space<vmem>>, vector<16xf32>,
        %add3A_446 = arith.constant 3 : i32
        %add3A_447 = arith.addi %mul3A_31, %add3A_446 : i32
        %mul3A_448 = arith.constant 129 : i32
        %mul3A_449 = arith.muli %add3A_447, %mul3A_448 : i32
        %add3A_450 = arith.addi %add3A_18, %mul3A_31 : i32
        %add3A_451 = arith.constant 3 : i32
        %add3A_452 = arith.addi %add3A_450, %add3A_451 : i32
        %jit3A_453 = arith.constant 12 : i32
        %div3A_454 = arith.divsi %add3A_452, %jit3A_453 : i32
        %sign3A_455 = arith.constant 0 : i32
        %sign3A_456 = arith.cmpi sgt, %add3A_452, %sign3A_455 : i32
        %sign3A_457 = arith.extui %sign3A_456 : i1 to i32
        %sign3A_458 = arith.constant 0 : i32
        %sign3A_459 = arith.cmpi slt, %add3A_452, %sign3A_458 : i32
        %sign3A_460 = arith.extui %sign3A_459 : i1 to i32
        %sign3A_461 = arith.subi %sign3A_457, %sign3A_460 : i32
        %sign3A_462 = arith.constant 0 : i32
        %sign3A_463 = arith.cmpi sgt, %jit3A_453, %sign3A_462 : i32
        %sign3A_464 = arith.extui %sign3A_463 : i1 to i32
        %sign3A_465 = arith.constant 0 : i32
        %sign3A_466 = arith.cmpi slt, %jit3A_453, %sign3A_465 : i32
        %sign3A_467 = arith.extui %sign3A_466 : i1 to i32
        %sign3A_468 = arith.subi %sign3A_464, %sign3A_467 : i32
        %ne3A_469 = arith.cmpi ne, %sign3A_461, %sign3A_468 : i32
        %rem3A_470 = arith.remsi %add3A_452, %jit3A_453 : i32
        %ne3A_471 = arith.constant 0 : i32
        %ne3A_472 = arith.cmpi ne, %rem3A_470, %ne3A_471 : i32
        %and3A_473 = arith.andi %ne3A_469, %ne3A_472 : i1
        %sub3A_474 = arith.constant 1 : i32
        %sub3A_475 = arith.subi %div3A_454, %sub3A_474 : i32
        %select_n3A_476 = arith.select %and3A_473, %sub3A_475, %div3A_454 : i32
        %jit3A_477 = arith.constant 325 : i32
        %eq3A_478 = arith.constant 0 : i32
        %eq3A_479 = arith.cmpi eq, %jit3A_477, %eq3A_478 : i32
        %jit3A_480 = arith.constant 1 : i32
        %select_n3A_481 = arith.select %eq3A_479, %jit3A_480, %jit3A_477 : i32
        %rem3A_482 = arith.remsi %select_n3A_476, %select_n3A_481 : i32
        %ne3A_483 = arith.constant 0 : i32
        %ne3A_484 = arith.cmpi ne, %rem3A_482, %ne3A_483 : i32
        %lt3A_485 = arith.constant 0 : i32
        %lt3A_486 = arith.cmpi slt, %rem3A_482, %lt3A_485 : i32
        %lt3A_487 = arith.constant 0 : i32
        %lt3A_488 = arith.cmpi slt, %select_n3A_481, %lt3A_487 : i32
        %ne3A_489 = arith.xori %lt3A_486, %lt3A_488 : i1
        %and3A_490 = arith.andi %ne3A_489, %ne3A_484 : i1
        %add3A_491 = arith.addi %rem3A_482, %select_n3A_481 : i32
        %select_n3A_492 = arith.select %and3A_490, %add3A_491, %rem3A_482 : i32
        %mul3A_493 = arith.constant 64 : i32
        %mul3A_494 = arith.muli %select_n3A_492, %mul3A_493 : i32
        %slice3A_495 = vector.extract_strided_slice %convert_element_type3A {offsets = [3], sizes = [1], strides = [1]} : vector<16xi32> to vector<1xi32>
        %squeeze3A_496 = vector.extract %slice3A_495[0] : i32 from vector<1xi32>
        %mul3A_497 = arith.constant 32 : i32
        %mul3A_498 = arith.muli %squeeze3A_496, %mul3A_497 : i32
        %slice3A_499 = vector.extract_strided_slice %convert_element_type3A_44 {offsets = [3], sizes = [1], strides = [1]} : vector<16xi32> to vector<1xi32>
        %squeeze3A_500 = vector.extract %slice3A_499[0] : i32 from vector<1xi32>
        %mul3A_501 = arith.constant 32 : i32
        %mul3A_502 = arith.muli %squeeze3A_500, %mul3A_501 : i32
        %add3A_503 = arith.constant 0 : i32
        %add3A_504 = arith.addi %mul3A_494, %add3A_503 : i32
        %get3A_505 = arith.index_cast %add3A_504 : i32 to index
        %get3A_506 = tpu.vector_load %arg8[%get3A_505] {strides = array<i32>} : memref<20800xf32, #tpu.memory_space<vmem>>, vector<16xf32>,
        %add3A_507 = arith.constant 1 : i32
        %add3A_508 = arith.addi %mul3A_449, %add3A_507 : i32
        %add3A_509 = arith.constant 0 : i32
        %add3A_510 = arith.addi %add3A_508, %add3A_509 : i32
        %swap3A_511 = arith.index_cast %add3A_510 : i32 to index
        %swap3A_512 = tpu.vector_load %arg11[%swap3A_511] {strides = array<i32>} : memref<61920xf32, #tpu.memory_space<vmem>>, vector<16xf32>,
        tpu.vector_store %arg11[%swap3A_511], %get3A_506 {strides = array<i32>} : memref<61920xf32, #tpu.memory_space<vmem>>, vector<16xf32>,
        %add3A_513 = arith.constant 16 : i32
        %add3A_514 = arith.addi %mul3A_494, %add3A_513 : i32
        %get3A_515 = arith.index_cast %add3A_514 : i32 to index
        %get3A_516 = tpu.vector_load %arg8[%get3A_515] {strides = array<i32>} : memref<20800xf32, #tpu.memory_space<vmem>>, vector<16xf32>,
        %add3A_517 = arith.constant 1 : i32
        %add3A_518 = arith.addi %mul3A_449, %add3A_517 : i32
        %add3A_519 = arith.constant 16 : i32
        %add3A_520 = arith.addi %add3A_518, %add3A_519 : i32
        %swap3A_521 = arith.index_cast %add3A_520 : i32 to index
        %swap3A_522 = tpu.vector_load %arg11[%swap3A_521] {strides = array<i32>} : memref<61920xf32, #tpu.memory_space<vmem>>, vector<16xf32>,
        tpu.vector_store %arg11[%swap3A_521], %get3A_516 {strides = array<i32>} : memref<61920xf32, #tpu.memory_space<vmem>>, vector<16xf32>,
        %add3A_523 = arith.constant 32 : i32
        %add3A_524 = arith.addi %mul3A_494, %add3A_523 : i32
        %get3A_525 = arith.index_cast %add3A_524 : i32 to index
        %get3A_526 = tpu.vector_load %arg8[%get3A_525] {strides = array<i32>} : memref<20800xf32, #tpu.memory_space<vmem>>, vector<16xf32>,
        %add3A_527 = arith.constant 1 : i32
        %add3A_528 = arith.addi %mul3A_449, %add3A_527 : i32
        %add3A_529 = arith.constant 32 : i32
        %add3A_530 = arith.addi %add3A_528, %add3A_529 : i32
        %swap3A_531 = arith.index_cast %add3A_530 : i32 to index
        %swap3A_532 = tpu.vector_load %arg11[%swap3A_531] {strides = array<i32>} : memref<61920xf32, #tpu.memory_space<vmem>>, vector<16xf32>,
        tpu.vector_store %arg11[%swap3A_531], %get3A_526 {strides = array<i32>} : memref<61920xf32, #tpu.memory_space<vmem>>, vector<16xf32>,
        %add3A_533 = arith.constant 48 : i32
        %add3A_534 = arith.addi %mul3A_494, %add3A_533 : i32
        %get3A_535 = arith.index_cast %add3A_534 : i32 to index
        %get3A_536 = tpu.vector_load %arg8[%get3A_535] {strides = array<i32>} : memref<20800xf32, #tpu.memory_space<vmem>>, vector<16xf32>,
        %add3A_537 = arith.constant 1 : i32
        %add3A_538 = arith.addi %mul3A_449, %add3A_537 : i32
        %add3A_539 = arith.constant 48 : i32
        %add3A_540 = arith.addi %add3A_538, %add3A_539 : i32
        %swap3A_541 = arith.index_cast %add3A_540 : i32 to index
        %swap3A_542 = tpu.vector_load %arg11[%swap3A_541] {strides = array<i32>} : memref<61920xf32, #tpu.memory_space<vmem>>, vector<16xf32>,
        tpu.vector_store %arg11[%swap3A_541], %get3A_536 {strides = array<i32>} : memref<61920xf32, #tpu.memory_space<vmem>>, vector<16xf32>,
        %add3A_543 = arith.constant 0 : i32
        %add3A_544 = arith.addi %mul3A_498, %add3A_543 : i32
        %get3A_545 = arith.index_cast %add3A_544 : i32 to index
        %get3A_546 = tpu.vector_load %arg9[%get3A_545] {strides = array<i32>} : memref<9216xf32, #tpu.memory_space<vmem>>, vector<16xf32>,
        %add3A_547 = arith.constant 65 : i32
        %add3A_548 = arith.addi %mul3A_449, %add3A_547 : i32
        %add3A_549 = arith.constant 0 : i32
        %add3A_550 = arith.addi %add3A_548, %add3A_549 : i32
        %swap3A_551 = arith.index_cast %add3A_550 : i32 to index
        %swap3A_552 = tpu.vector_load %arg11[%swap3A_551] {strides = array<i32>} : memref<61920xf32, #tpu.memory_space<vmem>>, vector<16xf32>,
        tpu.vector_store %arg11[%swap3A_551], %get3A_546 {strides = array<i32>} : memref<61920xf32, #tpu.memory_space<vmem>>, vector<16xf32>,
        %add3A_553 = arith.constant 16 : i32
        %add3A_554 = arith.addi %mul3A_498, %add3A_553 : i32
        %get3A_555 = arith.index_cast %add3A_554 : i32 to index
        %get3A_556 = tpu.vector_load %arg9[%get3A_555] {strides = array<i32>} : memref<9216xf32, #tpu.memory_space<vmem>>, vector<16xf32>,
        %add3A_557 = arith.constant 65 : i32
        %add3A_558 = arith.addi %mul3A_449, %add3A_557 : i32
        %add3A_559 = arith.constant 16 : i32
        %add3A_560 = arith.addi %add3A_558, %add3A_559 : i32
        %swap3A_561 = arith.index_cast %add3A_560 : i32 to index
        %swap3A_562 = tpu.vector_load %arg11[%swap3A_561] {strides = array<i32>} : memref<61920xf32, #tpu.memory_space<vmem>>, vector<16xf32>,
        tpu.vector_store %arg11[%swap3A_561], %get3A_556 {strides = array<i32>} : memref<61920xf32, #tpu.memory_space<vmem>>, vector<16xf32>,
        %add3A_563 = arith.constant 0 : i32
        %add3A_564 = arith.addi %mul3A_502, %add3A_563 : i32
        %get3A_565 = arith.index_cast %add3A_564 : i32 to index
        %get3A_566 = tpu.vector_load %arg10[%get3A_565] {strides = array<i32>} : memref<224xf32, #tpu.memory_space<vmem>>, vector<16xf32>,
        %add3A_567 = arith.constant 97 : i32
        %add3A_568 = arith.addi %mul3A_449, %add3A_567 : i32
        %add3A_569 = arith.constant 0 : i32
        %add3A_570 = arith.addi %add3A_568, %add3A_569 : i32
        %swap3A_571 = arith.index_cast %add3A_570 : i32 to index
        %swap3A_572 = tpu.vector_load %arg11[%swap3A_571] {strides = array<i32>} : memref<61920xf32, #tpu.memory_space<vmem>>, vector<16xf32>,
        tpu.vector_store %arg11[%swap3A_571], %get3A_566 {strides = array<i32>} : memref<61920xf32, #tpu.memory_space<vmem>>, vector<16xf32>,
        %add3A_573 = arith.constant 16 : i32
        %add3A_574 = arith.addi %mul3A_502, %add3A_573 : i32
        %get3A_575 = arith.index_cast %add3A_574 : i32 to index
        %get3A_576 = tpu.vector_load %arg10[%get3A_575] {strides = array<i32>} : memref<224xf32, #tpu.memory_space<vmem>>, vector<16xf32>,
        %add3A_577 = arith.constant 97 : i32
        %add3A_578 = arith.addi %mul3A_449, %add3A_577 : i32
        %add3A_579 = arith.constant 16 : i32
        %add3A_580 = arith.addi %add3A_578, %add3A_579 : i32
        %swap3A_581 = arith.index_cast %add3A_580 : i32 to index
        %swap3A_582 = tpu.vector_load %arg11[%swap3A_581] {strides = array<i32>} : memref<61920xf32, #tpu.memory_space<vmem>>, vector<16xf32>,
        tpu.vector_store %arg11[%swap3A_581], %get3A_576 {strides = array<i32>} : memref<61920xf32, #tpu.memory_space<vmem>>, vector<16xf32>,
        %add3A_583 = arith.constant 4 : i32
        %add3A_584 = arith.addi %mul3A_31, %add3A_583 : i32
        %mul3A_585 = arith.constant 129 : i32
        %mul3A_586 = arith.muli %add3A_584, %mul3A_585 : i32
        %add3A_587 = arith.addi %add3A_18, %mul3A_31 : i32
        %add3A_588 = arith.constant 4 : i32
        %add3A_589 = arith.addi %add3A_587, %add3A_588 : i32
        %jit3A_590 = arith.constant 12 : i32
        %div3A_591 = arith.divsi %add3A_589, %jit3A_590 : i32
        %sign3A_592 = arith.constant 0 : i32
        %sign3A_593 = arith.cmpi sgt, %add3A_589, %sign3A_592 : i32
        %sign3A_594 = arith.extui %sign3A_593 : i1 to i32
        %sign3A_595 = arith.constant 0 : i32
        %sign3A_596 = arith.cmpi slt, %add3A_589, %sign3A_595 : i32
        %sign3A_597 = arith.extui %sign3A_596 : i1 to i32
        %sign3A_598 = arith.subi %sign3A_594, %sign3A_597 : i32
        %sign3A_599 = arith.constant 0 : i32
        %sign3A_600 = arith.cmpi sgt, %jit3A_590, %sign3A_599 : i32
        %sign3A_601 = arith.extui %sign3A_600 : i1 to i32
        %sign3A_602 = arith.constant 0 : i32
        %sign3A_603 = arith.cmpi slt, %jit3A_590, %sign3A_602 : i32
        %sign3A_604 = arith.extui %sign3A_603 : i1 to i32
        %sign3A_605 = arith.subi %sign3A_601, %sign3A_604 : i32
        %ne3A_606 = arith.cmpi ne, %sign3A_598, %sign3A_605 : i32
        %rem3A_607 = arith.remsi %add3A_589, %jit3A_590 : i32
        %ne3A_608 = arith.constant 0 : i32
        %ne3A_609 = arith.cmpi ne, %rem3A_607, %ne3A_608 : i32
        %and3A_610 = arith.andi %ne3A_606, %ne3A_609 : i1
        %sub3A_611 = arith.constant 1 : i32
        %sub3A_612 = arith.subi %div3A_591, %sub3A_611 : i32
        %select_n3A_613 = arith.select %and3A_610, %sub3A_612, %div3A_591 : i32
        %jit3A_614 = arith.constant 325 : i32
        %eq3A_615 = arith.constant 0 : i32
        %eq3A_616 = arith.cmpi eq, %jit3A_614, %eq3A_615 : i32
        %jit3A_617 = arith.constant 1 : i32
        %select_n3A_618 = arith.select %eq3A_616, %jit3A_617, %jit3A_614 : i32
        %rem3A_619 = arith.remsi %select_n3A_613, %select_n3A_618 : i32
        %ne3A_620 = arith.constant 0 : i32
        %ne3A_621 = arith.cmpi ne, %rem3A_619, %ne3A_620 : i32
        %lt3A_622 = arith.constant 0 : i32
        %lt3A_623 = arith.cmpi slt, %rem3A_619, %lt3A_622 : i32
        %lt3A_624 = arith.constant 0 : i32
        %lt3A_625 = arith.cmpi slt, %select_n3A_618, %lt3A_624 : i32
        %ne3A_626 = arith.xori %lt3A_623, %lt3A_625 : i1
        %and3A_627 = arith.andi %ne3A_626, %ne3A_621 : i1
        %add3A_628 = arith.addi %rem3A_619, %select_n3A_618 : i32
        %select_n3A_629 = arith.select %and3A_627, %add3A_628, %rem3A_619 : i32
        %mul3A_630 = arith.constant 64 : i32
        %mul3A_631 = arith.muli %select_n3A_629, %mul3A_630 : i32
        %slice3A_632 = vector.extract_strided_slice %convert_element_type3A {offsets = [4], sizes = [1], strides = [1]} : vector<16xi32> to vector<1xi32>
        %squeeze3A_633 = vector.extract %slice3A_632[0] : i32 from vector<1xi32>
        %mul3A_634 = arith.constant 32 : i32
        %mul3A_635 = arith.muli %squeeze3A_633, %mul3A_634 : i32
        %slice3A_636 = vector.extract_strided_slice %convert_element_type3A_44 {offsets = [4], sizes = [1], strides = [1]} : vector<16xi32> to vector<1xi32>
        %squeeze3A_637 = vector.extract %slice3A_636[0] : i32 from vector<1xi32>
        %mul3A_638 = arith.constant 32 : i32
        %mul3A_639 = arith.muli %squeeze3A_637, %mul3A_638 : i32
        %add3A_640 = arith.constant 0 : i32
        %add3A_641 = arith.addi %mul3A_631, %add3A_640 : i32
        %get3A_642 = arith.index_cast %add3A_641 : i32 to index
        %get3A_643 = tpu.vector_load %arg8[%get3A_642] {strides = array<i32>} : memref<20800xf32, #tpu.memory_space<vmem>>, vector<16xf32>,
        %add3A_644 = arith.constant 1 : i32
        %add3A_645 = arith.addi %mul3A_586, %add3A_644 : i32
        %add3A_646 = arith.constant 0 : i32
        %add3A_647 = arith.addi %add3A_645, %add3A_646 : i32
        %swap3A_648 = arith.index_cast %add3A_647 : i32 to index
        %swap3A_649 = tpu.vector_load %arg11[%swap3A_648] {strides = array<i32>} : memref<61920xf32, #tpu.memory_space<vmem>>, vector<16xf32>,
        tpu.vector_store %arg11[%swap3A_648], %get3A_643 {strides = array<i32>} : memref<61920xf32, #tpu.memory_space<vmem>>, vector<16xf32>,
        %add3A_650 = arith.constant 16 : i32
        %add3A_651 = arith.addi %mul3A_631, %add3A_650 : i32
        %get3A_652 = arith.index_cast %add3A_651 : i32 to index
        %get3A_653 = tpu.vector_load %arg8[%get3A_652] {strides = array<i32>} : memref<20800xf32, #tpu.memory_space<vmem>>, vector<16xf32>,
        %add3A_654 = arith.constant 1 : i32
        %add3A_655 = arith.addi %mul3A_586, %add3A_654 : i32
        %add3A_656 = arith.constant 16 : i32
        %add3A_657 = arith.addi %add3A_655, %add3A_656 : i32
        %swap3A_658 = arith.index_cast %add3A_657 : i32 to index
        %swap3A_659 = tpu.vector_load %arg11[%swap3A_658] {strides = array<i32>} : memref<61920xf32, #tpu.memory_space<vmem>>, vector<16xf32>,
        tpu.vector_store %arg11[%swap3A_658], %get3A_653 {strides = array<i32>} : memref<61920xf32, #tpu.memory_space<vmem>>, vector<16xf32>,
        %add3A_660 = arith.constant 32 : i32
        %add3A_661 = arith.addi %mul3A_631, %add3A_660 : i32
        %get3A_662 = arith.index_cast %add3A_661 : i32 to index
        %get3A_663 = tpu.vector_load %arg8[%get3A_662] {strides = array<i32>} : memref<20800xf32, #tpu.memory_space<vmem>>, vector<16xf32>,
        %add3A_664 = arith.constant 1 : i32
        %add3A_665 = arith.addi %mul3A_586, %add3A_664 : i32
        %add3A_666 = arith.constant 32 : i32
        %add3A_667 = arith.addi %add3A_665, %add3A_666 : i32
        %swap3A_668 = arith.index_cast %add3A_667 : i32 to index
        %swap3A_669 = tpu.vector_load %arg11[%swap3A_668] {strides = array<i32>} : memref<61920xf32, #tpu.memory_space<vmem>>, vector<16xf32>,
        tpu.vector_store %arg11[%swap3A_668], %get3A_663 {strides = array<i32>} : memref<61920xf32, #tpu.memory_space<vmem>>, vector<16xf32>,
        %add3A_670 = arith.constant 48 : i32
        %add3A_671 = arith.addi %mul3A_631, %add3A_670 : i32
        %get3A_672 = arith.index_cast %add3A_671 : i32 to index
        %get3A_673 = tpu.vector_load %arg8[%get3A_672] {strides = array<i32>} : memref<20800xf32, #tpu.memory_space<vmem>>, vector<16xf32>,
        %add3A_674 = arith.constant 1 : i32
        %add3A_675 = arith.addi %mul3A_586, %add3A_674 : i32
        %add3A_676 = arith.constant 48 : i32
        %add3A_677 = arith.addi %add3A_675, %add3A_676 : i32
        %swap3A_678 = arith.index_cast %add3A_677 : i32 to index
        %swap3A_679 = tpu.vector_load %arg11[%swap3A_678] {strides = array<i32>} : memref<61920xf32, #tpu.memory_space<vmem>>, vector<16xf32>,
        tpu.vector_store %arg11[%swap3A_678], %get3A_673 {strides = array<i32>} : memref<61920xf32, #tpu.memory_space<vmem>>, vector<16xf32>,
        %add3A_680 = arith.constant 0 : i32
        %add3A_681 = arith.addi %mul3A_635, %add3A_680 : i32
        %get3A_682 = arith.index_cast %add3A_681 : i32 to index
        %get3A_683 = tpu.vector_load %arg9[%get3A_682] {strides = array<i32>} : memref<9216xf32, #tpu.memory_space<vmem>>, vector<16xf32>,
        %add3A_684 = arith.constant 65 : i32
        %add3A_685 = arith.addi %mul3A_586, %add3A_684 : i32
        %add3A_686 = arith.constant 0 : i32
        %add3A_687 = arith.addi %add3A_685, %add3A_686 : i32
        %swap3A_688 = arith.index_cast %add3A_687 : i32 to index
        %swap3A_689 = tpu.vector_load %arg11[%swap3A_688] {strides = array<i32>} : memref<61920xf32, #tpu.memory_space<vmem>>, vector<16xf32>,
        tpu.vector_store %arg11[%swap3A_688], %get3A_683 {strides = array<i32>} : memref<61920xf32, #tpu.memory_space<vmem>>, vector<16xf32>,
        %add3A_690 = arith.constant 16 : i32
        %add3A_691 = arith.addi %mul3A_635, %add3A_690 : i32
        %get3A_692 = arith.index_cast %add3A_691 : i32 to index
        %get3A_693 = tpu.vector_load %arg9[%get3A_692] {strides = array<i32>} : memref<9216xf32, #tpu.memory_space<vmem>>, vector<16xf32>,
        %add3A_694 = arith.constant 65 : i32
        %add3A_695 = arith.addi %mul3A_586, %add3A_694 : i32
        %add3A_696 = arith.constant 16 : i32
        %add3A_697 = arith.addi %add3A_695, %add3A_696 : i32
        %swap3A_698 = arith.index_cast %add3A_697 : i32 to index
        %swap3A_699 = tpu.vector_load %arg11[%swap3A_698] {strides = array<i32>} : memref<61920xf32, #tpu.memory_space<vmem>>, vector<16xf32>,
        tpu.vector_store %arg11[%swap3A_698], %get3A_693 {strides = array<i32>} : memref<61920xf32, #tpu.memory_space<vmem>>, vector<16xf32>,
        %add3A_700 = arith.constant 0 : i32
        %add3A_701 = arith.addi %mul3A_639, %add3A_700 : i32
        %get3A_702 = arith.index_cast %add3A_701 : i32 to index
        %get3A_703 = tpu.vector_load %arg10[%get3A_702] {strides = array<i32>} : memref<224xf32, #tpu.memory_space<vmem>>, vector<16xf32>,
        %add3A_704 = arith.constant 97 : i32
        %add3A_705 = arith.addi %mul3A_586, %add3A_704 : i32
        %add3A_706 = arith.constant 0 : i32
        %add3A_707 = arith.addi %add3A_705, %add3A_706 : i32
        %swap3A_708 = arith.index_cast %add3A_707 : i32 to index
        %swap3A_709 = tpu.vector_load %arg11[%swap3A_708] {strides = array<i32>} : memref<61920xf32, #tpu.memory_space<vmem>>, vector<16xf32>,
        tpu.vector_store %arg11[%swap3A_708], %get3A_703 {strides = array<i32>} : memref<61920xf32, #tpu.memory_space<vmem>>, vector<16xf32>,
        %add3A_710 = arith.constant 16 : i32
        %add3A_711 = arith.addi %mul3A_639, %add3A_710 : i32
        %get3A_712 = arith.index_cast %add3A_711 : i32 to index
        %get3A_713 = tpu.vector_load %arg10[%get3A_712] {strides = array<i32>} : memref<224xf32, #tpu.memory_space<vmem>>, vector<16xf32>,
        %add3A_714 = arith.constant 97 : i32
        %add3A_715 = arith.addi %mul3A_586, %add3A_714 : i32
        %add3A_716 = arith.constant 16 : i32
        %add3A_717 = arith.addi %add3A_715, %add3A_716 : i32
        %swap3A_718 = arith.index_cast %add3A_717 : i32 to index
        %swap3A_719 = tpu.vector_load %arg11[%swap3A_718] {strides = array<i32>} : memref<61920xf32, #tpu.memory_space<vmem>>, vector<16xf32>,
        tpu.vector_store %arg11[%swap3A_718], %get3A_713 {strides = array<i32>} : memref<61920xf32, #tpu.memory_space<vmem>>, vector<16xf32>,
        %add3A_720 = arith.constant 5 : i32
        %add3A_721 = arith.addi %mul3A_31, %add3A_720 : i32
        %mul3A_722 = arith.constant 129 : i32
        %mul3A_723 = arith.muli %add3A_721, %mul3A_722 : i32
        %add3A_724 = arith.addi %add3A_18, %mul3A_31 : i32
        %add3A_725 = arith.constant 5 : i32
        %add3A_726 = arith.addi %add3A_724, %add3A_725 : i32
        %jit3A_727 = arith.constant 12 : i32
        %div3A_728 = arith.divsi %add3A_726, %jit3A_727 : i32
        %sign3A_729 = arith.constant 0 : i32
        %sign3A_730 = arith.cmpi sgt, %add3A_726, %sign3A_729 : i32
        %sign3A_731 = arith.extui %sign3A_730 : i1 to i32
        %sign3A_732 = arith.constant 0 : i32
        %sign3A_733 = arith.cmpi slt, %add3A_726, %sign3A_732 : i32
        %sign3A_734 = arith.extui %sign3A_733 : i1 to i32
        %sign3A_735 = arith.subi %sign3A_731, %sign3A_734 : i32
        %sign3A_736 = arith.constant 0 : i32
        %sign3A_737 = arith.cmpi sgt, %jit3A_727, %sign3A_736 : i32
        %sign3A_738 = arith.extui %sign3A_737 : i1 to i32
        %sign3A_739 = arith.constant 0 : i32
        %sign3A_740 = arith.cmpi slt, %jit3A_727, %sign3A_739 : i32
        %sign3A_741 = arith.extui %sign3A_740 : i1 to i32
        %sign3A_742 = arith.subi %sign3A_738, %sign3A_741 : i32
        %ne3A_743 = arith.cmpi ne, %sign3A_735, %sign3A_742 : i32
        %rem3A_744 = arith.remsi %add3A_726, %jit3A_727 : i32
        %ne3A_745 = arith.constant 0 : i32
        %ne3A_746 = arith.cmpi ne, %rem3A_744, %ne3A_745 : i32
        %and3A_747 = arith.andi %ne3A_743, %ne3A_746 : i1
        %sub3A_748 = arith.constant 1 : i32
        %sub3A_749 = arith.subi %div3A_728, %sub3A_748 : i32
        %select_n3A_750 = arith.select %and3A_747, %sub3A_749, %div3A_728 : i32
        %jit3A_751 = arith.constant 325 : i32
        %eq3A_752 = arith.constant 0 : i32
        %eq3A_753 = arith.cmpi eq, %jit3A_751, %eq3A_752 : i32
        %jit3A_754 = arith.constant 1 : i32
        %select_n3A_755 = arith.select %eq3A_753, %jit3A_754, %jit3A_751 : i32
        %rem3A_756 = arith.remsi %select_n3A_750, %select_n3A_755 : i32
        %ne3A_757 = arith.constant 0 : i32
        %ne3A_758 = arith.cmpi ne, %rem3A_756, %ne3A_757 : i32
        %lt3A_759 = arith.constant 0 : i32
        %lt3A_760 = arith.cmpi slt, %rem3A_756, %lt3A_759 : i32
        %lt3A_761 = arith.constant 0 : i32
        %lt3A_762 = arith.cmpi slt, %select_n3A_755, %lt3A_761 : i32
        %ne3A_763 = arith.xori %lt3A_760, %lt3A_762 : i1
        %and3A_764 = arith.andi %ne3A_763, %ne3A_758 : i1
        %add3A_765 = arith.addi %rem3A_756, %select_n3A_755 : i32
        %select_n3A_766 = arith.select %and3A_764, %add3A_765, %rem3A_756 : i32
        %mul3A_767 = arith.constant 64 : i32
        %mul3A_768 = arith.muli %select_n3A_766, %mul3A_767 : i32
        %slice3A_769 = vector.extract_strided_slice %convert_element_type3A {offsets = [5], sizes = [1], strides = [1]} : vector<16xi32> to vector<1xi32>
        %squeeze3A_770 = vector.extract %slice3A_769[0] : i32 from vector<1xi32>
        %mul3A_771 = arith.constant 32 : i32
        %mul3A_772 = arith.muli %squeeze3A_770, %mul3A_771 : i32
        %slice3A_773 = vector.extract_strided_slice %convert_element_type3A_44 {offsets = [5], sizes = [1], strides = [1]} : vector<16xi32> to vector<1xi32>
        %squeeze3A_774 = vector.extract %slice3A_773[0] : i32 from vector<1xi32>
        %mul3A_775 = arith.constant 32 : i32
        %mul3A_776 = arith.muli %squeeze3A_774, %mul3A_775 : i32
        %add3A_777 = arith.constant 0 : i32
        %add3A_778 = arith.addi %mul3A_768, %add3A_777 : i32
        %get3A_779 = arith.index_cast %add3A_778 : i32 to index
        %get3A_780 = tpu.vector_load %arg8[%get3A_779] {strides = array<i32>} : memref<20800xf32, #tpu.memory_space<vmem>>, vector<16xf32>,
        %add3A_781 = arith.constant 1 : i32
        %add3A_782 = arith.addi %mul3A_723, %add3A_781 : i32
        %add3A_783 = arith.constant 0 : i32
        %add3A_784 = arith.addi %add3A_782, %add3A_783 : i32
        %swap3A_785 = arith.index_cast %add3A_784 : i32 to index
        %swap3A_786 = tpu.vector_load %arg11[%swap3A_785] {strides = array<i32>} : memref<61920xf32, #tpu.memory_space<vmem>>, vector<16xf32>,
        tpu.vector_store %arg11[%swap3A_785], %get3A_780 {strides = array<i32>} : memref<61920xf32, #tpu.memory_space<vmem>>, vector<16xf32>,
        %add3A_787 = arith.constant 16 : i32
        %add3A_788 = arith.addi %mul3A_768, %add3A_787 : i32
        %get3A_789 = arith.index_cast %add3A_788 : i32 to index
        %get3A_790 = tpu.vector_load %arg8[%get3A_789] {strides = array<i32>} : memref<20800xf32, #tpu.memory_space<vmem>>, vector<16xf32>,
        %add3A_791 = arith.constant 1 : i32
        %add3A_792 = arith.addi %mul3A_723, %add3A_791 : i32
        %add3A_793 = arith.constant 16 : i32
        %add3A_794 = arith.addi %add3A_792, %add3A_793 : i32
        %swap3A_795 = arith.index_cast %add3A_794 : i32 to index
        %swap3A_796 = tpu.vector_load %arg11[%swap3A_795] {strides = array<i32>} : memref<61920xf32, #tpu.memory_space<vmem>>, vector<16xf32>,
        tpu.vector_store %arg11[%swap3A_795], %get3A_790 {strides = array<i32>} : memref<61920xf32, #tpu.memory_space<vmem>>, vector<16xf32>,
        %add3A_797 = arith.constant 32 : i32
        %add3A_798 = arith.addi %mul3A_768, %add3A_797 : i32
        %get3A_799 = arith.index_cast %add3A_798 : i32 to index
        %get3A_800 = tpu.vector_load %arg8[%get3A_799] {strides = array<i32>} : memref<20800xf32, #tpu.memory_space<vmem>>, vector<16xf32>,
        %add3A_801 = arith.constant 1 : i32
        %add3A_802 = arith.addi %mul3A_723, %add3A_801 : i32
        %add3A_803 = arith.constant 32 : i32
        %add3A_804 = arith.addi %add3A_802, %add3A_803 : i32
        %swap3A_805 = arith.index_cast %add3A_804 : i32 to index
        %swap3A_806 = tpu.vector_load %arg11[%swap3A_805] {strides = array<i32>} : memref<61920xf32, #tpu.memory_space<vmem>>, vector<16xf32>,
        tpu.vector_store %arg11[%swap3A_805], %get3A_800 {strides = array<i32>} : memref<61920xf32, #tpu.memory_space<vmem>>, vector<16xf32>,
        %add3A_807 = arith.constant 48 : i32
        %add3A_808 = arith.addi %mul3A_768, %add3A_807 : i32
        %get3A_809 = arith.index_cast %add3A_808 : i32 to index
        %get3A_810 = tpu.vector_load %arg8[%get3A_809] {strides = array<i32>} : memref<20800xf32, #tpu.memory_space<vmem>>, vector<16xf32>,
        %add3A_811 = arith.constant 1 : i32
        %add3A_812 = arith.addi %mul3A_723, %add3A_811 : i32
        %add3A_813 = arith.constant 48 : i32
        %add3A_814 = arith.addi %add3A_812, %add3A_813 : i32
        %swap3A_815 = arith.index_cast %add3A_814 : i32 to index
        %swap3A_816 = tpu.vector_load %arg11[%swap3A_815] {strides = array<i32>} : memref<61920xf32, #tpu.memory_space<vmem>>, vector<16xf32>,
        tpu.vector_store %arg11[%swap3A_815], %get3A_810 {strides = array<i32>} : memref<61920xf32, #tpu.memory_space<vmem>>, vector<16xf32>,
        %add3A_817 = arith.constant 0 : i32
        %add3A_818 = arith.addi %mul3A_772, %add3A_817 : i32
        %get3A_819 = arith.index_cast %add3A_818 : i32 to index
        %get3A_820 = tpu.vector_load %arg9[%get3A_819] {strides = array<i32>} : memref<9216xf32, #tpu.memory_space<vmem>>, vector<16xf32>,
        %add3A_821 = arith.constant 65 : i32
        %add3A_822 = arith.addi %mul3A_723, %add3A_821 : i32
        %add3A_823 = arith.constant 0 : i32
        %add3A_824 = arith.addi %add3A_822, %add3A_823 : i32
        %swap3A_825 = arith.index_cast %add3A_824 : i32 to index
        %swap3A_826 = tpu.vector_load %arg11[%swap3A_825] {strides = array<i32>} : memref<61920xf32, #tpu.memory_space<vmem>>, vector<16xf32>,
        tpu.vector_store %arg11[%swap3A_825], %get3A_820 {strides = array<i32>} : memref<61920xf32, #tpu.memory_space<vmem>>, vector<16xf32>,
        %add3A_827 = arith.constant 16 : i32
        %add3A_828 = arith.addi %mul3A_772, %add3A_827 : i32
        %get3A_829 = arith.index_cast %add3A_828 : i32 to index
        %get3A_830 = tpu.vector_load %arg9[%get3A_829] {strides = array<i32>} : memref<9216xf32, #tpu.memory_space<vmem>>, vector<16xf32>,
        %add3A_831 = arith.constant 65 : i32
        %add3A_832 = arith.addi %mul3A_723, %add3A_831 : i32
        %add3A_833 = arith.constant 16 : i32
        %add3A_834 = arith.addi %add3A_832, %add3A_833 : i32
        %swap3A_835 = arith.index_cast %add3A_834 : i32 to index
        %swap3A_836 = tpu.vector_load %arg11[%swap3A_835] {strides = array<i32>} : memref<61920xf32, #tpu.memory_space<vmem>>, vector<16xf32>,
        tpu.vector_store %arg11[%swap3A_835], %get3A_830 {strides = array<i32>} : memref<61920xf32, #tpu.memory_space<vmem>>, vector<16xf32>,
        %add3A_837 = arith.constant 0 : i32
        %add3A_838 = arith.addi %mul3A_776, %add3A_837 : i32
        %get3A_839 = arith.index_cast %add3A_838 : i32 to index
        %get3A_840 = tpu.vector_load %arg10[%get3A_839] {strides = array<i32>} : memref<224xf32, #tpu.memory_space<vmem>>, vector<16xf32>,
        %add3A_841 = arith.constant 97 : i32
        %add3A_842 = arith.addi %mul3A_723, %add3A_841 : i32
        %add3A_843 = arith.constant 0 : i32
        %add3A_844 = arith.addi %add3A_842, %add3A_843 : i32
        %swap3A_845 = arith.index_cast %add3A_844 : i32 to index
        %swap3A_846 = tpu.vector_load %arg11[%swap3A_845] {strides = array<i32>} : memref<61920xf32, #tpu.memory_space<vmem>>, vector<16xf32>,
        tpu.vector_store %arg11[%swap3A_845], %get3A_840 {strides = array<i32>} : memref<61920xf32, #tpu.memory_space<vmem>>, vector<16xf32>,
        %add3A_847 = arith.constant 16 : i32
        %add3A_848 = arith.addi %mul3A_776, %add3A_847 : i32
        %get3A_849 = arith.index_cast %add3A_848 : i32 to index
        %get3A_850 = tpu.vector_load %arg10[%get3A_849] {strides = array<i32>} : memref<224xf32, #tpu.memory_space<vmem>>, vector<16xf32>,
        %add3A_851 = arith.constant 97 : i32
        %add3A_852 = arith.addi %mul3A_723, %add3A_851 : i32
        %add3A_853 = arith.constant 16 : i32
        %add3A_854 = arith.addi %add3A_852, %add3A_853 : i32
        %swap3A_855 = arith.index_cast %add3A_854 : i32 to index
        %swap3A_856 = tpu.vector_load %arg11[%swap3A_855] {strides = array<i32>} : memref<61920xf32, #tpu.memory_space<vmem>>, vector<16xf32>,
        tpu.vector_store %arg11[%swap3A_855], %get3A_850 {strides = array<i32>} : memref<61920xf32, #tpu.memory_space<vmem>>, vector<16xf32>,
        %add3A_857 = arith.constant 6 : i32
        %add3A_858 = arith.addi %mul3A_31, %add3A_857 : i32
        %mul3A_859 = arith.constant 129 : i32
        %mul3A_860 = arith.muli %add3A_858, %mul3A_859 : i32
        %add3A_861 = arith.addi %add3A_18, %mul3A_31 : i32
        %add3A_862 = arith.constant 6 : i32
        %add3A_863 = arith.addi %add3A_861, %add3A_862 : i32
        %jit3A_864 = arith.constant 12 : i32
        %div3A_865 = arith.divsi %add3A_863, %jit3A_864 : i32
        %sign3A_866 = arith.constant 0 : i32
        %sign3A_867 = arith.cmpi sgt, %add3A_863, %sign3A_866 : i32
        %sign3A_868 = arith.extui %sign3A_867 : i1 to i32
        %sign3A_869 = arith.constant 0 : i32
        %sign3A_870 = arith.cmpi slt, %add3A_863, %sign3A_869 : i32
        %sign3A_871 = arith.extui %sign3A_870 : i1 to i32
        %sign3A_872 = arith.subi %sign3A_868, %sign3A_871 : i32
        %sign3A_873 = arith.constant 0 : i32
        %sign3A_874 = arith.cmpi sgt, %jit3A_864, %sign3A_873 : i32
        %sign3A_875 = arith.extui %sign3A_874 : i1 to i32
        %sign3A_876 = arith.constant 0 : i32
        %sign3A_877 = arith.cmpi slt, %jit3A_864, %sign3A_876 : i32
        %sign3A_878 = arith.extui %sign3A_877 : i1 to i32
        %sign3A_879 = arith.subi %sign3A_875, %sign3A_878 : i32
        %ne3A_880 = arith.cmpi ne, %sign3A_872, %sign3A_879 : i32
        %rem3A_881 = arith.remsi %add3A_863, %jit3A_864 : i32
        %ne3A_882 = arith.constant 0 : i32
        %ne3A_883 = arith.cmpi ne, %rem3A_881, %ne3A_882 : i32
        %and3A_884 = arith.andi %ne3A_880, %ne3A_883 : i1
        %sub3A_885 = arith.constant 1 : i32
        %sub3A_886 = arith.subi %div3A_865, %sub3A_885 : i32
        %select_n3A_887 = arith.select %and3A_884, %sub3A_886, %div3A_865 : i32
        %jit3A_888 = arith.constant 325 : i32
        %eq3A_889 = arith.constant 0 : i32
        %eq3A_890 = arith.cmpi eq, %jit3A_888, %eq3A_889 : i32
        %jit3A_891 = arith.constant 1 : i32
        %select_n3A_892 = arith.select %eq3A_890, %jit3A_891, %jit3A_888 : i32
        %rem3A_893 = arith.remsi %select_n3A_887, %select_n3A_892 : i32
        %ne3A_894 = arith.constant 0 : i32
        %ne3A_895 = arith.cmpi ne, %rem3A_893, %ne3A_894 : i32
        %lt3A_896 = arith.constant 0 : i32
        %lt3A_897 = arith.cmpi slt, %rem3A_893, %lt3A_896 : i32
        %lt3A_898 = arith.constant 0 : i32
        %lt3A_899 = arith.cmpi slt, %select_n3A_892, %lt3A_898 : i32
        %ne3A_900 = arith.xori %lt3A_897, %lt3A_899 : i1
        %and3A_901 = arith.andi %ne3A_900, %ne3A_895 : i1
        %add3A_902 = arith.addi %rem3A_893, %select_n3A_892 : i32
        %select_n3A_903 = arith.select %and3A_901, %add3A_902, %rem3A_893 : i32
        %mul3A_904 = arith.constant 64 : i32
        %mul3A_905 = arith.muli %select_n3A_903, %mul3A_904 : i32
        %slice3A_906 = vector.extract_strided_slice %convert_element_type3A {offsets = [6], sizes = [1], strides = [1]} : vector<16xi32> to vector<1xi32>
        %squeeze3A_907 = vector.extract %slice3A_906[0] : i32 from vector<1xi32>
        %mul3A_908 = arith.constant 32 : i32
        %mul3A_909 = arith.muli %squeeze3A_907, %mul3A_908 : i32
        %slice3A_910 = vector.extract_strided_slice %convert_element_type3A_44 {offsets = [6], sizes = [1], strides = [1]} : vector<16xi32> to vector<1xi32>
        %squeeze3A_911 = vector.extract %slice3A_910[0] : i32 from vector<1xi32>
        %mul3A_912 = arith.constant 32 : i32
        %mul3A_913 = arith.muli %squeeze3A_911, %mul3A_912 : i32
        %add3A_914 = arith.constant 0 : i32
        %add3A_915 = arith.addi %mul3A_905, %add3A_914 : i32
        %get3A_916 = arith.index_cast %add3A_915 : i32 to index
        %get3A_917 = tpu.vector_load %arg8[%get3A_916] {strides = array<i32>} : memref<20800xf32, #tpu.memory_space<vmem>>, vector<16xf32>,
        %add3A_918 = arith.constant 1 : i32
        %add3A_919 = arith.addi %mul3A_860, %add3A_918 : i32
        %add3A_920 = arith.constant 0 : i32
        %add3A_921 = arith.addi %add3A_919, %add3A_920 : i32
        %swap3A_922 = arith.index_cast %add3A_921 : i32 to index
        %swap3A_923 = tpu.vector_load %arg11[%swap3A_922] {strides = array<i32>} : memref<61920xf32, #tpu.memory_space<vmem>>, vector<16xf32>,
        tpu.vector_store %arg11[%swap3A_922], %get3A_917 {strides = array<i32>} : memref<61920xf32, #tpu.memory_space<vmem>>, vector<16xf32>,
        %add3A_924 = arith.constant 16 : i32
        %add3A_925 = arith.addi %mul3A_905, %add3A_924 : i32
        %get3A_926 = arith.index_cast %add3A_925 : i32 to index
        %get3A_927 = tpu.vector_load %arg8[%get3A_926] {strides = array<i32>} : memref<20800xf32, #tpu.memory_space<vmem>>, vector<16xf32>,
        %add3A_928 = arith.constant 1 : i32
        %add3A_929 = arith.addi %mul3A_860, %add3A_928 : i32
        %add3A_930 = arith.constant 16 : i32
        %add3A_931 = arith.addi %add3A_929, %add3A_930 : i32
        %swap3A_932 = arith.index_cast %add3A_931 : i32 to index
        %swap3A_933 = tpu.vector_load %arg11[%swap3A_932] {strides = array<i32>} : memref<61920xf32, #tpu.memory_space<vmem>>, vector<16xf32>,
        tpu.vector_store %arg11[%swap3A_932], %get3A_927 {strides = array<i32>} : memref<61920xf32, #tpu.memory_space<vmem>>, vector<16xf32>,
        %add3A_934 = arith.constant 32 : i32
        %add3A_935 = arith.addi %mul3A_905, %add3A_934 : i32
        %get3A_936 = arith.index_cast %add3A_935 : i32 to index
        %get3A_937 = tpu.vector_load %arg8[%get3A_936] {strides = array<i32>} : memref<20800xf32, #tpu.memory_space<vmem>>, vector<16xf32>,
        %add3A_938 = arith.constant 1 : i32
        %add3A_939 = arith.addi %mul3A_860, %add3A_938 : i32
        %add3A_940 = arith.constant 32 : i32
        %add3A_941 = arith.addi %add3A_939, %add3A_940 : i32
        %swap3A_942 = arith.index_cast %add3A_941 : i32 to index
        %swap3A_943 = tpu.vector_load %arg11[%swap3A_942] {strides = array<i32>} : memref<61920xf32, #tpu.memory_space<vmem>>, vector<16xf32>,
        tpu.vector_store %arg11[%swap3A_942], %get3A_937 {strides = array<i32>} : memref<61920xf32, #tpu.memory_space<vmem>>, vector<16xf32>,
        %add3A_944 = arith.constant 48 : i32
        %add3A_945 = arith.addi %mul3A_905, %add3A_944 : i32
        %get3A_946 = arith.index_cast %add3A_945 : i32 to index
        %get3A_947 = tpu.vector_load %arg8[%get3A_946] {strides = array<i32>} : memref<20800xf32, #tpu.memory_space<vmem>>, vector<16xf32>,
        %add3A_948 = arith.constant 1 : i32
        %add3A_949 = arith.addi %mul3A_860, %add3A_948 : i32
        %add3A_950 = arith.constant 48 : i32
        %add3A_951 = arith.addi %add3A_949, %add3A_950 : i32
        %swap3A_952 = arith.index_cast %add3A_951 : i32 to index
        %swap3A_953 = tpu.vector_load %arg11[%swap3A_952] {strides = array<i32>} : memref<61920xf32, #tpu.memory_space<vmem>>, vector<16xf32>,
        tpu.vector_store %arg11[%swap3A_952], %get3A_947 {strides = array<i32>} : memref<61920xf32, #tpu.memory_space<vmem>>, vector<16xf32>,
        %add3A_954 = arith.constant 0 : i32
        %add3A_955 = arith.addi %mul3A_909, %add3A_954 : i32
        %get3A_956 = arith.index_cast %add3A_955 : i32 to index
        %get3A_957 = tpu.vector_load %arg9[%get3A_956] {strides = array<i32>} : memref<9216xf32, #tpu.memory_space<vmem>>, vector<16xf32>,
        %add3A_958 = arith.constant 65 : i32
        %add3A_959 = arith.addi %mul3A_860, %add3A_958 : i32
        %add3A_960 = arith.constant 0 : i32
        %add3A_961 = arith.addi %add3A_959, %add3A_960 : i32
        %swap3A_962 = arith.index_cast %add3A_961 : i32 to index
        %swap3A_963 = tpu.vector_load %arg11[%swap3A_962] {strides = array<i32>} : memref<61920xf32, #tpu.memory_space<vmem>>, vector<16xf32>,
        tpu.vector_store %arg11[%swap3A_962], %get3A_957 {strides = array<i32>} : memref<61920xf32, #tpu.memory_space<vmem>>, vector<16xf32>,
        %add3A_964 = arith.constant 16 : i32
        %add3A_965 = arith.addi %mul3A_909, %add3A_964 : i32
        %get3A_966 = arith.index_cast %add3A_965 : i32 to index
        %get3A_967 = tpu.vector_load %arg9[%get3A_966] {strides = array<i32>} : memref<9216xf32, #tpu.memory_space<vmem>>, vector<16xf32>,
        %add3A_968 = arith.constant 65 : i32
        %add3A_969 = arith.addi %mul3A_860, %add3A_968 : i32
        %add3A_970 = arith.constant 16 : i32
        %add3A_971 = arith.addi %add3A_969, %add3A_970 : i32
        %swap3A_972 = arith.index_cast %add3A_971 : i32 to index
        %swap3A_973 = tpu.vector_load %arg11[%swap3A_972] {strides = array<i32>} : memref<61920xf32, #tpu.memory_space<vmem>>, vector<16xf32>,
        tpu.vector_store %arg11[%swap3A_972], %get3A_967 {strides = array<i32>} : memref<61920xf32, #tpu.memory_space<vmem>>, vector<16xf32>,
        %add3A_974 = arith.constant 0 : i32
        %add3A_975 = arith.addi %mul3A_913, %add3A_974 : i32
        %get3A_976 = arith.index_cast %add3A_975 : i32 to index
        %get3A_977 = tpu.vector_load %arg10[%get3A_976] {strides = array<i32>} : memref<224xf32, #tpu.memory_space<vmem>>, vector<16xf32>,
        %add3A_978 = arith.constant 97 : i32
        %add3A_979 = arith.addi %mul3A_860, %add3A_978 : i32
        %add3A_980 = arith.constant 0 : i32
        %add3A_981 = arith.addi %add3A_979, %add3A_980 : i32
        %swap3A_982 = arith.index_cast %add3A_981 : i32 to index
        %swap3A_983 = tpu.vector_load %arg11[%swap3A_982] {strides = array<i32>} : memref<61920xf32, #tpu.memory_space<vmem>>, vector<16xf32>,
        tpu.vector_store %arg11[%swap3A_982], %get3A_977 {strides = array<i32>} : memref<61920xf32, #tpu.memory_space<vmem>>, vector<16xf32>,
        %add3A_984 = arith.constant 16 : i32
        %add3A_985 = arith.addi %mul3A_913, %add3A_984 : i32
        %get3A_986 = arith.index_cast %add3A_985 : i32 to index
        %get3A_987 = tpu.vector_load %arg10[%get3A_986] {strides = array<i32>} : memref<224xf32, #tpu.memory_space<vmem>>, vector<16xf32>,
        %add3A_988 = arith.constant 97 : i32
        %add3A_989 = arith.addi %mul3A_860, %add3A_988 : i32
        %add3A_990 = arith.constant 16 : i32
        %add3A_991 = arith.addi %add3A_989, %add3A_990 : i32
        %swap3A_992 = arith.index_cast %add3A_991 : i32 to index
        %swap3A_993 = tpu.vector_load %arg11[%swap3A_992] {strides = array<i32>} : memref<61920xf32, #tpu.memory_space<vmem>>, vector<16xf32>,
        tpu.vector_store %arg11[%swap3A_992], %get3A_987 {strides = array<i32>} : memref<61920xf32, #tpu.memory_space<vmem>>, vector<16xf32>,
        %add3A_994 = arith.constant 7 : i32
        %add3A_995 = arith.addi %mul3A_31, %add3A_994 : i32
        %mul3A_996 = arith.constant 129 : i32
        %mul3A_997 = arith.muli %add3A_995, %mul3A_996 : i32
        %add3A_998 = arith.addi %add3A_18, %mul3A_31 : i32
        %add3A_999 = arith.constant 7 : i32
        %add3A_1000 = arith.addi %add3A_998, %add3A_999 : i32
        %jit3A_1001 = arith.constant 12 : i32
        %div3A_1002 = arith.divsi %add3A_1000, %jit3A_1001 : i32
        %sign3A_1003 = arith.constant 0 : i32
        %sign3A_1004 = arith.cmpi sgt, %add3A_1000, %sign3A_1003 : i32
        %sign3A_1005 = arith.extui %sign3A_1004 : i1 to i32
        %sign3A_1006 = arith.constant 0 : i32
        %sign3A_1007 = arith.cmpi slt, %add3A_1000, %sign3A_1006 : i32
        %sign3A_1008 = arith.extui %sign3A_1007 : i1 to i32
        %sign3A_1009 = arith.subi %sign3A_1005, %sign3A_1008 : i32
        %sign3A_1010 = arith.constant 0 : i32
        %sign3A_1011 = arith.cmpi sgt, %jit3A_1001, %sign3A_1010 : i32
        %sign3A_1012 = arith.extui %sign3A_1011 : i1 to i32
        %sign3A_1013 = arith.constant 0 : i32
        %sign3A_1014 = arith.cmpi slt, %jit3A_1001, %sign3A_1013 : i32
        %sign3A_1015 = arith.extui %sign3A_1014 : i1 to i32
        %sign3A_1016 = arith.subi %sign3A_1012, %sign3A_1015 : i32
        %ne3A_1017 = arith.cmpi ne, %sign3A_1009, %sign3A_1016 : i32
        %rem3A_1018 = arith.remsi %add3A_1000, %jit3A_1001 : i32
        %ne3A_1019 = arith.constant 0 : i32
        %ne3A_1020 = arith.cmpi ne, %rem3A_1018, %ne3A_1019 : i32
        %and3A_1021 = arith.andi %ne3A_1017, %ne3A_1020 : i1
        %sub3A_1022 = arith.constant 1 : i32
        %sub3A_1023 = arith.subi %div3A_1002, %sub3A_1022 : i32
        %select_n3A_1024 = arith.select %and3A_1021, %sub3A_1023, %div3A_1002 : i32
        %jit3A_1025 = arith.constant 325 : i32
        %eq3A_1026 = arith.constant 0 : i32
        %eq3A_1027 = arith.cmpi eq, %jit3A_1025, %eq3A_1026 : i32
        %jit3A_1028 = arith.constant 1 : i32
        %select_n3A_1029 = arith.select %eq3A_1027, %jit3A_1028, %jit3A_1025 : i32
        %rem3A_1030 = arith.remsi %select_n3A_1024, %select_n3A_1029 : i32
        %ne3A_1031 = arith.constant 0 : i32
        %ne3A_1032 = arith.cmpi ne, %rem3A_1030, %ne3A_1031 : i32
        %lt3A_1033 = arith.constant 0 : i32
        %lt3A_1034 = arith.cmpi slt, %rem3A_1030, %lt3A_1033 : i32
        %lt3A_1035 = arith.constant 0 : i32
        %lt3A_1036 = arith.cmpi slt, %select_n3A_1029, %lt3A_1035 : i32
        %ne3A_1037 = arith.xori %lt3A_1034, %lt3A_1036 : i1
        %and3A_1038 = arith.andi %ne3A_1037, %ne3A_1032 : i1
        %add3A_1039 = arith.addi %rem3A_1030, %select_n3A_1029 : i32
        %select_n3A_1040 = arith.select %and3A_1038, %add3A_1039, %rem3A_1030 : i32
        %mul3A_1041 = arith.constant 64 : i32
        %mul3A_1042 = arith.muli %select_n3A_1040, %mul3A_1041 : i32
        %slice3A_1043 = vector.extract_strided_slice %convert_element_type3A {offsets = [7], sizes = [1], strides = [1]} : vector<16xi32> to vector<1xi32>
        %squeeze3A_1044 = vector.extract %slice3A_1043[0] : i32 from vector<1xi32>
        %mul3A_1045 = arith.constant 32 : i32
        %mul3A_1046 = arith.muli %squeeze3A_1044, %mul3A_1045 : i32
        %slice3A_1047 = vector.extract_strided_slice %convert_element_type3A_44 {offsets = [7], sizes = [1], strides = [1]} : vector<16xi32> to vector<1xi32>
        %squeeze3A_1048 = vector.extract %slice3A_1047[0] : i32 from vector<1xi32>
        %mul3A_1049 = arith.constant 32 : i32
        %mul3A_1050 = arith.muli %squeeze3A_1048, %mul3A_1049 : i32
        %add3A_1051 = arith.constant 0 : i32
        %add3A_1052 = arith.addi %mul3A_1042, %add3A_1051 : i32
        %get3A_1053 = arith.index_cast %add3A_1052 : i32 to index
        %get3A_1054 = tpu.vector_load %arg8[%get3A_1053] {strides = array<i32>} : memref<20800xf32, #tpu.memory_space<vmem>>, vector<16xf32>,
        %add3A_1055 = arith.constant 1 : i32
        %add3A_1056 = arith.addi %mul3A_997, %add3A_1055 : i32
        %add3A_1057 = arith.constant 0 : i32
        %add3A_1058 = arith.addi %add3A_1056, %add3A_1057 : i32
        %swap3A_1059 = arith.index_cast %add3A_1058 : i32 to index
        %swap3A_1060 = tpu.vector_load %arg11[%swap3A_1059] {strides = array<i32>} : memref<61920xf32, #tpu.memory_space<vmem>>, vector<16xf32>,
        tpu.vector_store %arg11[%swap3A_1059], %get3A_1054 {strides = array<i32>} : memref<61920xf32, #tpu.memory_space<vmem>>, vector<16xf32>,
        %add3A_1061 = arith.constant 16 : i32
        %add3A_1062 = arith.addi %mul3A_1042, %add3A_1061 : i32
        %get3A_1063 = arith.index_cast %add3A_1062 : i32 to index
        %get3A_1064 = tpu.vector_load %arg8[%get3A_1063] {strides = array<i32>} : memref<20800xf32, #tpu.memory_space<vmem>>, vector<16xf32>,
        %add3A_1065 = arith.constant 1 : i32
        %add3A_1066 = arith.addi %mul3A_997, %add3A_1065 : i32
        %add3A_1067 = arith.constant 16 : i32
        %add3A_1068 = arith.addi %add3A_1066, %add3A_1067 : i32
        %swap3A_1069 = arith.index_cast %add3A_1068 : i32 to index
        %swap3A_1070 = tpu.vector_load %arg11[%swap3A_1069] {strides = array<i32>} : memref<61920xf32, #tpu.memory_space<vmem>>, vector<16xf32>,
        tpu.vector_store %arg11[%swap3A_1069], %get3A_1064 {strides = array<i32>} : memref<61920xf32, #tpu.memory_space<vmem>>, vector<16xf32>,
        %add3A_1071 = arith.constant 32 : i32
        %add3A_1072 = arith.addi %mul3A_1042, %add3A_1071 : i32
        %get3A_1073 = arith.index_cast %add3A_1072 : i32 to index
        %get3A_1074 = tpu.vector_load %arg8[%get3A_1073] {strides = array<i32>} : memref<20800xf32, #tpu.memory_space<vmem>>, vector<16xf32>,
        %add3A_1075 = arith.constant 1 : i32
        %add3A_1076 = arith.addi %mul3A_997, %add3A_1075 : i32
        %add3A_1077 = arith.constant 32 : i32
        %add3A_1078 = arith.addi %add3A_1076, %add3A_1077 : i32
        %swap3A_1079 = arith.index_cast %add3A_1078 : i32 to index
        %swap3A_1080 = tpu.vector_load %arg11[%swap3A_1079] {strides = array<i32>} : memref<61920xf32, #tpu.memory_space<vmem>>, vector<16xf32>,
        tpu.vector_store %arg11[%swap3A_1079], %get3A_1074 {strides = array<i32>} : memref<61920xf32, #tpu.memory_space<vmem>>, vector<16xf32>,
        %add3A_1081 = arith.constant 48 : i32
        %add3A_1082 = arith.addi %mul3A_1042, %add3A_1081 : i32
        %get3A_1083 = arith.index_cast %add3A_1082 : i32 to index
        %get3A_1084 = tpu.vector_load %arg8[%get3A_1083] {strides = array<i32>} : memref<20800xf32, #tpu.memory_space<vmem>>, vector<16xf32>,
        %add3A_1085 = arith.constant 1 : i32
        %add3A_1086 = arith.addi %mul3A_997, %add3A_1085 : i32
        %add3A_1087 = arith.constant 48 : i32
        %add3A_1088 = arith.addi %add3A_1086, %add3A_1087 : i32
        %swap3A_1089 = arith.index_cast %add3A_1088 : i32 to index
        %swap3A_1090 = tpu.vector_load %arg11[%swap3A_1089] {strides = array<i32>} : memref<61920xf32, #tpu.memory_space<vmem>>, vector<16xf32>,
        tpu.vector_store %arg11[%swap3A_1089], %get3A_1084 {strides = array<i32>} : memref<61920xf32, #tpu.memory_space<vmem>>, vector<16xf32>,
        %add3A_1091 = arith.constant 0 : i32
        %add3A_1092 = arith.addi %mul3A_1046, %add3A_1091 : i32
        %get3A_1093 = arith.index_cast %add3A_1092 : i32 to index
        %get3A_1094 = tpu.vector_load %arg9[%get3A_1093] {strides = array<i32>} : memref<9216xf32, #tpu.memory_space<vmem>>, vector<16xf32>,
        %add3A_1095 = arith.constant 65 : i32
        %add3A_1096 = arith.addi %mul3A_997, %add3A_1095 : i32
        %add3A_1097 = arith.constant 0 : i32
        %add3A_1098 = arith.addi %add3A_1096, %add3A_1097 : i32
        %swap3A_1099 = arith.index_cast %add3A_1098 : i32 to index
        %swap3A_1100 = tpu.vector_load %arg11[%swap3A_1099] {strides = array<i32>} : memref<61920xf32, #tpu.memory_space<vmem>>, vector<16xf32>,
        tpu.vector_store %arg11[%swap3A_1099], %get3A_1094 {strides = array<i32>} : memref<61920xf32, #tpu.memory_space<vmem>>, vector<16xf32>,
        %add3A_1101 = arith.constant 16 : i32
        %add3A_1102 = arith.addi %mul3A_1046, %add3A_1101 : i32
        %get3A_1103 = arith.index_cast %add3A_1102 : i32 to index
        %get3A_1104 = tpu.vector_load %arg9[%get3A_1103] {strides = array<i32>} : memref<9216xf32, #tpu.memory_space<vmem>>, vector<16xf32>,
        %add3A_1105 = arith.constant 65 : i32
        %add3A_1106 = arith.addi %mul3A_997, %add3A_1105 : i32
        %add3A_1107 = arith.constant 16 : i32
        %add3A_1108 = arith.addi %add3A_1106, %add3A_1107 : i32
        %swap3A_1109 = arith.index_cast %add3A_1108 : i32 to index
        %swap3A_1110 = tpu.vector_load %arg11[%swap3A_1109] {strides = array<i32>} : memref<61920xf32, #tpu.memory_space<vmem>>, vector<16xf32>,
        tpu.vector_store %arg11[%swap3A_1109], %get3A_1104 {strides = array<i32>} : memref<61920xf32, #tpu.memory_space<vmem>>, vector<16xf32>,
        %add3A_1111 = arith.constant 0 : i32
        %add3A_1112 = arith.addi %mul3A_1050, %add3A_1111 : i32
        %get3A_1113 = arith.index_cast %add3A_1112 : i32 to index
        %get3A_1114 = tpu.vector_load %arg10[%get3A_1113] {strides = array<i32>} : memref<224xf32, #tpu.memory_space<vmem>>, vector<16xf32>,
        %add3A_1115 = arith.constant 97 : i32
        %add3A_1116 = arith.addi %mul3A_997, %add3A_1115 : i32
        %add3A_1117 = arith.constant 0 : i32
        %add3A_1118 = arith.addi %add3A_1116, %add3A_1117 : i32
        %swap3A_1119 = arith.index_cast %add3A_1118 : i32 to index
        %swap3A_1120 = tpu.vector_load %arg11[%swap3A_1119] {strides = array<i32>} : memref<61920xf32, #tpu.memory_space<vmem>>, vector<16xf32>,
        tpu.vector_store %arg11[%swap3A_1119], %get3A_1114 {strides = array<i32>} : memref<61920xf32, #tpu.memory_space<vmem>>, vector<16xf32>,
        %add3A_1121 = arith.constant 16 : i32
        %add3A_1122 = arith.addi %mul3A_1050, %add3A_1121 : i32
        %get3A_1123 = arith.index_cast %add3A_1122 : i32 to index
        %get3A_1124 = tpu.vector_load %arg10[%get3A_1123] {strides = array<i32>} : memref<224xf32, #tpu.memory_space<vmem>>, vector<16xf32>,
        %add3A_1125 = arith.constant 97 : i32
        %add3A_1126 = arith.addi %mul3A_997, %add3A_1125 : i32
        %add3A_1127 = arith.constant 16 : i32
        %add3A_1128 = arith.addi %add3A_1126, %add3A_1127 : i32
        %swap3A_1129 = arith.index_cast %add3A_1128 : i32 to index
        %swap3A_1130 = tpu.vector_load %arg11[%swap3A_1129] {strides = array<i32>} : memref<61920xf32, #tpu.memory_space<vmem>>, vector<16xf32>,
        tpu.vector_store %arg11[%swap3A_1129], %get3A_1124 {strides = array<i32>} : memref<61920xf32, #tpu.memory_space<vmem>>, vector<16xf32>,
        %add3A_1131 = arith.constant 8 : i32
        %add3A_1132 = arith.addi %mul3A_31, %add3A_1131 : i32
        %mul3A_1133 = arith.constant 129 : i32
        %mul3A_1134 = arith.muli %add3A_1132, %mul3A_1133 : i32
        %add3A_1135 = arith.addi %add3A_18, %mul3A_31 : i32
        %add3A_1136 = arith.constant 8 : i32
        %add3A_1137 = arith.addi %add3A_1135, %add3A_1136 : i32
        %jit3A_1138 = arith.constant 12 : i32
        %div3A_1139 = arith.divsi %add3A_1137, %jit3A_1138 : i32
        %sign3A_1140 = arith.constant 0 : i32
        %sign3A_1141 = arith.cmpi sgt, %add3A_1137, %sign3A_1140 : i32
        %sign3A_1142 = arith.extui %sign3A_1141 : i1 to i32
        %sign3A_1143 = arith.constant 0 : i32
        %sign3A_1144 = arith.cmpi slt, %add3A_1137, %sign3A_1143 : i32
        %sign3A_1145 = arith.extui %sign3A_1144 : i1 to i32
        %sign3A_1146 = arith.subi %sign3A_1142, %sign3A_1145 : i32
        %sign3A_1147 = arith.constant 0 : i32
        %sign3A_1148 = arith.cmpi sgt, %jit3A_1138, %sign3A_1147 : i32
        %sign3A_1149 = arith.extui %sign3A_1148 : i1 to i32
        %sign3A_1150 = arith.constant 0 : i32
        %sign3A_1151 = arith.cmpi slt, %jit3A_1138, %sign3A_1150 : i32
        %sign3A_1152 = arith.extui %sign3A_1151 : i1 to i32
        %sign3A_1153 = arith.subi %sign3A_1149, %sign3A_1152 : i32
        %ne3A_1154 = arith.cmpi ne, %sign3A_1146, %sign3A_1153 : i32
        %rem3A_1155 = arith.remsi %add3A_1137, %jit3A_1138 : i32
        %ne3A_1156 = arith.constant 0 : i32
        %ne3A_1157 = arith.cmpi ne, %rem3A_1155, %ne3A_1156 : i32
        %and3A_1158 = arith.andi %ne3A_1154, %ne3A_1157 : i1
        %sub3A_1159 = arith.constant 1 : i32
        %sub3A_1160 = arith.subi %div3A_1139, %sub3A_1159 : i32
        %select_n3A_1161 = arith.select %and3A_1158, %sub3A_1160, %div3A_1139 : i32
        %jit3A_1162 = arith.constant 325 : i32
        %eq3A_1163 = arith.constant 0 : i32
        %eq3A_1164 = arith.cmpi eq, %jit3A_1162, %eq3A_1163 : i32
        %jit3A_1165 = arith.constant 1 : i32
        %select_n3A_1166 = arith.select %eq3A_1164, %jit3A_1165, %jit3A_1162 : i32
        %rem3A_1167 = arith.remsi %select_n3A_1161, %select_n3A_1166 : i32
        %ne3A_1168 = arith.constant 0 : i32
        %ne3A_1169 = arith.cmpi ne, %rem3A_1167, %ne3A_1168 : i32
        %lt3A_1170 = arith.constant 0 : i32
        %lt3A_1171 = arith.cmpi slt, %rem3A_1167, %lt3A_1170 : i32
        %lt3A_1172 = arith.constant 0 : i32
        %lt3A_1173 = arith.cmpi slt, %select_n3A_1166, %lt3A_1172 : i32
        %ne3A_1174 = arith.xori %lt3A_1171, %lt3A_1173 : i1
        %and3A_1175 = arith.andi %ne3A_1174, %ne3A_1169 : i1
        %add3A_1176 = arith.addi %rem3A_1167, %select_n3A_1166 : i32
        %select_n3A_1177 = arith.select %and3A_1175, %add3A_1176, %rem3A_1167 : i32
        %mul3A_1178 = arith.constant 64 : i32
        %mul3A_1179 = arith.muli %select_n3A_1177, %mul3A_1178 : i32
        %slice3A_1180 = vector.extract_strided_slice %convert_element_type3A {offsets = [8], sizes = [1], strides = [1]} : vector<16xi32> to vector<1xi32>
        %squeeze3A_1181 = vector.extract %slice3A_1180[0] : i32 from vector<1xi32>
        %mul3A_1182 = arith.constant 32 : i32
        %mul3A_1183 = arith.muli %squeeze3A_1181, %mul3A_1182 : i32
        %slice3A_1184 = vector.extract_strided_slice %convert_element_type3A_44 {offsets = [8], sizes = [1], strides = [1]} : vector<16xi32> to vector<1xi32>
        %squeeze3A_1185 = vector.extract %slice3A_1184[0] : i32 from vector<1xi32>
        %mul3A_1186 = arith.constant 32 : i32
        %mul3A_1187 = arith.muli %squeeze3A_1185, %mul3A_1186 : i32
        %add3A_1188 = arith.constant 0 : i32
        %add3A_1189 = arith.addi %mul3A_1179, %add3A_1188 : i32
        %get3A_1190 = arith.index_cast %add3A_1189 : i32 to index
        %get3A_1191 = tpu.vector_load %arg8[%get3A_1190] {strides = array<i32>} : memref<20800xf32, #tpu.memory_space<vmem>>, vector<16xf32>,
        %add3A_1192 = arith.constant 1 : i32
        %add3A_1193 = arith.addi %mul3A_1134, %add3A_1192 : i32
        %add3A_1194 = arith.constant 0 : i32
        %add3A_1195 = arith.addi %add3A_1193, %add3A_1194 : i32
        %swap3A_1196 = arith.index_cast %add3A_1195 : i32 to index
        %swap3A_1197 = tpu.vector_load %arg11[%swap3A_1196] {strides = array<i32>} : memref<61920xf32, #tpu.memory_space<vmem>>, vector<16xf32>,
        tpu.vector_store %arg11[%swap3A_1196], %get3A_1191 {strides = array<i32>} : memref<61920xf32, #tpu.memory_space<vmem>>, vector<16xf32>,
        %add3A_1198 = arith.constant 16 : i32
        %add3A_1199 = arith.addi %mul3A_1179, %add3A_1198 : i32
        %get3A_1200 = arith.index_cast %add3A_1199 : i32 to index
        %get3A_1201 = tpu.vector_load %arg8[%get3A_1200] {strides = array<i32>} : memref<20800xf32, #tpu.memory_space<vmem>>, vector<16xf32>,
        %add3A_1202 = arith.constant 1 : i32
        %add3A_1203 = arith.addi %mul3A_1134, %add3A_1202 : i32
        %add3A_1204 = arith.constant 16 : i32
        %add3A_1205 = arith.addi %add3A_1203, %add3A_1204 : i32
        %swap3A_1206 = arith.index_cast %add3A_1205 : i32 to index
        %swap3A_1207 = tpu.vector_load %arg11[%swap3A_1206] {strides = array<i32>} : memref<61920xf32, #tpu.memory_space<vmem>>, vector<16xf32>,
        tpu.vector_store %arg11[%swap3A_1206], %get3A_1201 {strides = array<i32>} : memref<61920xf32, #tpu.memory_space<vmem>>, vector<16xf32>,
        %add3A_1208 = arith.constant 32 : i32
        %add3A_1209 = arith.addi %mul3A_1179, %add3A_1208 : i32
        %get3A_1210 = arith.index_cast %add3A_1209 : i32 to index
        %get3A_1211 = tpu.vector_load %arg8[%get3A_1210] {strides = array<i32>} : memref<20800xf32, #tpu.memory_space<vmem>>, vector<16xf32>,
        %add3A_1212 = arith.constant 1 : i32
        %add3A_1213 = arith.addi %mul3A_1134, %add3A_1212 : i32
        %add3A_1214 = arith.constant 32 : i32
        %add3A_1215 = arith.addi %add3A_1213, %add3A_1214 : i32
        %swap3A_1216 = arith.index_cast %add3A_1215 : i32 to index
        %swap3A_1217 = tpu.vector_load %arg11[%swap3A_1216] {strides = array<i32>} : memref<61920xf32, #tpu.memory_space<vmem>>, vector<16xf32>,
        tpu.vector_store %arg11[%swap3A_1216], %get3A_1211 {strides = array<i32>} : memref<61920xf32, #tpu.memory_space<vmem>>, vector<16xf32>,
        %add3A_1218 = arith.constant 48 : i32
        %add3A_1219 = arith.addi %mul3A_1179, %add3A_1218 : i32
        %get3A_1220 = arith.index_cast %add3A_1219 : i32 to index
        %get3A_1221 = tpu.vector_load %arg8[%get3A_1220] {strides = array<i32>} : memref<20800xf32, #tpu.memory_space<vmem>>, vector<16xf32>,
        %add3A_1222 = arith.constant 1 : i32
        %add3A_1223 = arith.addi %mul3A_1134, %add3A_1222 : i32
        %add3A_1224 = arith.constant 48 : i32
        %add3A_1225 = arith.addi %add3A_1223, %add3A_1224 : i32
        %swap3A_1226 = arith.index_cast %add3A_1225 : i32 to index
        %swap3A_1227 = tpu.vector_load %arg11[%swap3A_1226] {strides = array<i32>} : memref<61920xf32, #tpu.memory_space<vmem>>, vector<16xf32>,
        tpu.vector_store %arg11[%swap3A_1226], %get3A_1221 {strides = array<i32>} : memref<61920xf32, #tpu.memory_space<vmem>>, vector<16xf32>,
        %add3A_1228 = arith.constant 0 : i32
        %add3A_1229 = arith.addi %mul3A_1183, %add3A_1228 : i32
        %get3A_1230 = arith.index_cast %add3A_1229 : i32 to index
        %get3A_1231 = tpu.vector_load %arg9[%get3A_1230] {strides = array<i32>} : memref<9216xf32, #tpu.memory_space<vmem>>, vector<16xf32>,
        %add3A_1232 = arith.constant 65 : i32
        %add3A_1233 = arith.addi %mul3A_1134, %add3A_1232 : i32
        %add3A_1234 = arith.constant 0 : i32
        %add3A_1235 = arith.addi %add3A_1233, %add3A_1234 : i32
        %swap3A_1236 = arith.index_cast %add3A_1235 : i32 to index
        %swap3A_1237 = tpu.vector_load %arg11[%swap3A_1236] {strides = array<i32>} : memref<61920xf32, #tpu.memory_space<vmem>>, vector<16xf32>,
        tpu.vector_store %arg11[%swap3A_1236], %get3A_1231 {strides = array<i32>} : memref<61920xf32, #tpu.memory_space<vmem>>, vector<16xf32>,
        %add3A_1238 = arith.constant 16 : i32
        %add3A_1239 = arith.addi %mul3A_1183, %add3A_1238 : i32
        %get3A_1240 = arith.index_cast %add3A_1239 : i32 to index
        %get3A_1241 = tpu.vector_load %arg9[%get3A_1240] {strides = array<i32>} : memref<9216xf32, #tpu.memory_space<vmem>>, vector<16xf32>,
        %add3A_1242 = arith.constant 65 : i32
        %add3A_1243 = arith.addi %mul3A_1134, %add3A_1242 : i32
        %add3A_1244 = arith.constant 16 : i32
        %add3A_1245 = arith.addi %add3A_1243, %add3A_1244 : i32
        %swap3A_1246 = arith.index_cast %add3A_1245 : i32 to index
        %swap3A_1247 = tpu.vector_load %arg11[%swap3A_1246] {strides = array<i32>} : memref<61920xf32, #tpu.memory_space<vmem>>, vector<16xf32>,
        tpu.vector_store %arg11[%swap3A_1246], %get3A_1241 {strides = array<i32>} : memref<61920xf32, #tpu.memory_space<vmem>>, vector<16xf32>,
        %add3A_1248 = arith.constant 0 : i32
        %add3A_1249 = arith.addi %mul3A_1187, %add3A_1248 : i32
        %get3A_1250 = arith.index_cast %add3A_1249 : i32 to index
        %get3A_1251 = tpu.vector_load %arg10[%get3A_1250] {strides = array<i32>} : memref<224xf32, #tpu.memory_space<vmem>>, vector<16xf32>,
        %add3A_1252 = arith.constant 97 : i32
        %add3A_1253 = arith.addi %mul3A_1134, %add3A_1252 : i32
        %add3A_1254 = arith.constant 0 : i32
        %add3A_1255 = arith.addi %add3A_1253, %add3A_1254 : i32
        %swap3A_1256 = arith.index_cast %add3A_1255 : i32 to index
        %swap3A_1257 = tpu.vector_load %arg11[%swap3A_1256] {strides = array<i32>} : memref<61920xf32, #tpu.memory_space<vmem>>, vector<16xf32>,
        tpu.vector_store %arg11[%swap3A_1256], %get3A_1251 {strides = array<i32>} : memref<61920xf32, #tpu.memory_space<vmem>>, vector<16xf32>,
        %add3A_1258 = arith.constant 16 : i32
        %add3A_1259 = arith.addi %mul3A_1187, %add3A_1258 : i32
        %get3A_1260 = arith.index_cast %add3A_1259 : i32 to index
        %get3A_1261 = tpu.vector_load %arg10[%get3A_1260] {strides = array<i32>} : memref<224xf32, #tpu.memory_space<vmem>>, vector<16xf32>,
        %add3A_1262 = arith.constant 97 : i32
        %add3A_1263 = arith.addi %mul3A_1134, %add3A_1262 : i32
        %add3A_1264 = arith.constant 16 : i32
        %add3A_1265 = arith.addi %add3A_1263, %add3A_1264 : i32
        %swap3A_1266 = arith.index_cast %add3A_1265 : i32 to index
        %swap3A_1267 = tpu.vector_load %arg11[%swap3A_1266] {strides = array<i32>} : memref<61920xf32, #tpu.memory_space<vmem>>, vector<16xf32>,
        tpu.vector_store %arg11[%swap3A_1266], %get3A_1261 {strides = array<i32>} : memref<61920xf32, #tpu.memory_space<vmem>>, vector<16xf32>,
        %add3A_1268 = arith.constant 9 : i32
        %add3A_1269 = arith.addi %mul3A_31, %add3A_1268 : i32
        %mul3A_1270 = arith.constant 129 : i32
        %mul3A_1271 = arith.muli %add3A_1269, %mul3A_1270 : i32
        %add3A_1272 = arith.addi %add3A_18, %mul3A_31 : i32
        %add3A_1273 = arith.constant 9 : i32
        %add3A_1274 = arith.addi %add3A_1272, %add3A_1273 : i32
        %jit3A_1275 = arith.constant 12 : i32
        %div3A_1276 = arith.divsi %add3A_1274, %jit3A_1275 : i32
        %sign3A_1277 = arith.constant 0 : i32
        %sign3A_1278 = arith.cmpi sgt, %add3A_1274, %sign3A_1277 : i32
        %sign3A_1279 = arith.extui %sign3A_1278 : i1 to i32
        %sign3A_1280 = arith.constant 0 : i32
        %sign3A_1281 = arith.cmpi slt, %add3A_1274, %sign3A_1280 : i32
        %sign3A_1282 = arith.extui %sign3A_1281 : i1 to i32
        %sign3A_1283 = arith.subi %sign3A_1279, %sign3A_1282 : i32
        %sign3A_1284 = arith.constant 0 : i32
        %sign3A_1285 = arith.cmpi sgt, %jit3A_1275, %sign3A_1284 : i32
        %sign3A_1286 = arith.extui %sign3A_1285 : i1 to i32
        %sign3A_1287 = arith.constant 0 : i32
        %sign3A_1288 = arith.cmpi slt, %jit3A_1275, %sign3A_1287 : i32
        %sign3A_1289 = arith.extui %sign3A_1288 : i1 to i32
        %sign3A_1290 = arith.subi %sign3A_1286, %sign3A_1289 : i32
        %ne3A_1291 = arith.cmpi ne, %sign3A_1283, %sign3A_1290 : i32
        %rem3A_1292 = arith.remsi %add3A_1274, %jit3A_1275 : i32
        %ne3A_1293 = arith.constant 0 : i32
        %ne3A_1294 = arith.cmpi ne, %rem3A_1292, %ne3A_1293 : i32
        %and3A_1295 = arith.andi %ne3A_1291, %ne3A_1294 : i1
        %sub3A_1296 = arith.constant 1 : i32
        %sub3A_1297 = arith.subi %div3A_1276, %sub3A_1296 : i32
        %select_n3A_1298 = arith.select %and3A_1295, %sub3A_1297, %div3A_1276 : i32
        %jit3A_1299 = arith.constant 325 : i32
        %eq3A_1300 = arith.constant 0 : i32
        %eq3A_1301 = arith.cmpi eq, %jit3A_1299, %eq3A_1300 : i32
        %jit3A_1302 = arith.constant 1 : i32
        %select_n3A_1303 = arith.select %eq3A_1301, %jit3A_1302, %jit3A_1299 : i32
        %rem3A_1304 = arith.remsi %select_n3A_1298, %select_n3A_1303 : i32
        %ne3A_1305 = arith.constant 0 : i32
        %ne3A_1306 = arith.cmpi ne, %rem3A_1304, %ne3A_1305 : i32
        %lt3A_1307 = arith.constant 0 : i32
        %lt3A_1308 = arith.cmpi slt, %rem3A_1304, %lt3A_1307 : i32
        %lt3A_1309 = arith.constant 0 : i32
        %lt3A_1310 = arith.cmpi slt, %select_n3A_1303, %lt3A_1309 : i32
        %ne3A_1311 = arith.xori %lt3A_1308, %lt3A_1310 : i1
        %and3A_1312 = arith.andi %ne3A_1311, %ne3A_1306 : i1
        %add3A_1313 = arith.addi %rem3A_1304, %select_n3A_1303 : i32
        %select_n3A_1314 = arith.select %and3A_1312, %add3A_1313, %rem3A_1304 : i32
        %mul3A_1315 = arith.constant 64 : i32
        %mul3A_1316 = arith.muli %select_n3A_1314, %mul3A_1315 : i32
        %slice3A_1317 = vector.extract_strided_slice %convert_element_type3A {offsets = [9], sizes = [1], strides = [1]} : vector<16xi32> to vector<1xi32>
        %squeeze3A_1318 = vector.extract %slice3A_1317[0] : i32 from vector<1xi32>
        %mul3A_1319 = arith.constant 32 : i32
        %mul3A_1320 = arith.muli %squeeze3A_1318, %mul3A_1319 : i32
        %slice3A_1321 = vector.extract_strided_slice %convert_element_type3A_44 {offsets = [9], sizes = [1], strides = [1]} : vector<16xi32> to vector<1xi32>
        %squeeze3A_1322 = vector.extract %slice3A_1321[0] : i32 from vector<1xi32>
        %mul3A_1323 = arith.constant 32 : i32
        %mul3A_1324 = arith.muli %squeeze3A_1322, %mul3A_1323 : i32
        %add3A_1325 = arith.constant 0 : i32
        %add3A_1326 = arith.addi %mul3A_1316, %add3A_1325 : i32
        %get3A_1327 = arith.index_cast %add3A_1326 : i32 to index
        %get3A_1328 = tpu.vector_load %arg8[%get3A_1327] {strides = array<i32>} : memref<20800xf32, #tpu.memory_space<vmem>>, vector<16xf32>,
        %add3A_1329 = arith.constant 1 : i32
        %add3A_1330 = arith.addi %mul3A_1271, %add3A_1329 : i32
        %add3A_1331 = arith.constant 0 : i32
        %add3A_1332 = arith.addi %add3A_1330, %add3A_1331 : i32
        %swap3A_1333 = arith.index_cast %add3A_1332 : i32 to index
        %swap3A_1334 = tpu.vector_load %arg11[%swap3A_1333] {strides = array<i32>} : memref<61920xf32, #tpu.memory_space<vmem>>, vector<16xf32>,
        tpu.vector_store %arg11[%swap3A_1333], %get3A_1328 {strides = array<i32>} : memref<61920xf32, #tpu.memory_space<vmem>>, vector<16xf32>,
        %add3A_1335 = arith.constant 16 : i32
        %add3A_1336 = arith.addi %mul3A_1316, %add3A_1335 : i32
        %get3A_1337 = arith.index_cast %add3A_1336 : i32 to index
        %get3A_1338 = tpu.vector_load %arg8[%get3A_1337] {strides = array<i32>} : memref<20800xf32, #tpu.memory_space<vmem>>, vector<16xf32>,
        %add3A_1339 = arith.constant 1 : i32
        %add3A_1340 = arith.addi %mul3A_1271, %add3A_1339 : i32
        %add3A_1341 = arith.constant 16 : i32
        %add3A_1342 = arith.addi %add3A_1340, %add3A_1341 : i32
        %swap3A_1343 = arith.index_cast %add3A_1342 : i32 to index
        %swap3A_1344 = tpu.vector_load %arg11[%swap3A_1343] {strides = array<i32>} : memref<61920xf32, #tpu.memory_space<vmem>>, vector<16xf32>,
        tpu.vector_store %arg11[%swap3A_1343], %get3A_1338 {strides = array<i32>} : memref<61920xf32, #tpu.memory_space<vmem>>, vector<16xf32>,
        %add3A_1345 = arith.constant 32 : i32
        %add3A_1346 = arith.addi %mul3A_1316, %add3A_1345 : i32
        %get3A_1347 = arith.index_cast %add3A_1346 : i32 to index
        %get3A_1348 = tpu.vector_load %arg8[%get3A_1347] {strides = array<i32>} : memref<20800xf32, #tpu.memory_space<vmem>>, vector<16xf32>,
        %add3A_1349 = arith.constant 1 : i32
        %add3A_1350 = arith.addi %mul3A_1271, %add3A_1349 : i32
        %add3A_1351 = arith.constant 32 : i32
        %add3A_1352 = arith.addi %add3A_1350, %add3A_1351 : i32
        %swap3A_1353 = arith.index_cast %add3A_1352 : i32 to index
        %swap3A_1354 = tpu.vector_load %arg11[%swap3A_1353] {strides = array<i32>} : memref<61920xf32, #tpu.memory_space<vmem>>, vector<16xf32>,
        tpu.vector_store %arg11[%swap3A_1353], %get3A_1348 {strides = array<i32>} : memref<61920xf32, #tpu.memory_space<vmem>>, vector<16xf32>,
        %add3A_1355 = arith.constant 48 : i32
        %add3A_1356 = arith.addi %mul3A_1316, %add3A_1355 : i32
        %get3A_1357 = arith.index_cast %add3A_1356 : i32 to index
        %get3A_1358 = tpu.vector_load %arg8[%get3A_1357] {strides = array<i32>} : memref<20800xf32, #tpu.memory_space<vmem>>, vector<16xf32>,
        %add3A_1359 = arith.constant 1 : i32
        %add3A_1360 = arith.addi %mul3A_1271, %add3A_1359 : i32
        %add3A_1361 = arith.constant 48 : i32
        %add3A_1362 = arith.addi %add3A_1360, %add3A_1361 : i32
        %swap3A_1363 = arith.index_cast %add3A_1362 : i32 to index
        %swap3A_1364 = tpu.vector_load %arg11[%swap3A_1363] {strides = array<i32>} : memref<61920xf32, #tpu.memory_space<vmem>>, vector<16xf32>,
        tpu.vector_store %arg11[%swap3A_1363], %get3A_1358 {strides = array<i32>} : memref<61920xf32, #tpu.memory_space<vmem>>, vector<16xf32>,
        %add3A_1365 = arith.constant 0 : i32
        %add3A_1366 = arith.addi %mul3A_1320, %add3A_1365 : i32
        %get3A_1367 = arith.index_cast %add3A_1366 : i32 to index
        %get3A_1368 = tpu.vector_load %arg9[%get3A_1367] {strides = array<i32>} : memref<9216xf32, #tpu.memory_space<vmem>>, vector<16xf32>,
        %add3A_1369 = arith.constant 65 : i32
        %add3A_1370 = arith.addi %mul3A_1271, %add3A_1369 : i32
        %add3A_1371 = arith.constant 0 : i32
        %add3A_1372 = arith.addi %add3A_1370, %add3A_1371 : i32
        %swap3A_1373 = arith.index_cast %add3A_1372 : i32 to index
        %swap3A_1374 = tpu.vector_load %arg11[%swap3A_1373] {strides = array<i32>} : memref<61920xf32, #tpu.memory_space<vmem>>, vector<16xf32>,
        tpu.vector_store %arg11[%swap3A_1373], %get3A_1368 {strides = array<i32>} : memref<61920xf32, #tpu.memory_space<vmem>>, vector<16xf32>,
        %add3A_1375 = arith.constant 16 : i32
        %add3A_1376 = arith.addi %mul3A_1320, %add3A_1375 : i32
        %get3A_1377 = arith.index_cast %add3A_1376 : i32 to index
        %get3A_1378 = tpu.vector_load %arg9[%get3A_1377] {strides = array<i32>} : memref<9216xf32, #tpu.memory_space<vmem>>, vector<16xf32>,
        %add3A_1379 = arith.constant 65 : i32
        %add3A_1380 = arith.addi %mul3A_1271, %add3A_1379 : i32
        %add3A_1381 = arith.constant 16 : i32
        %add3A_1382 = arith.addi %add3A_1380, %add3A_1381 : i32
        %swap3A_1383 = arith.index_cast %add3A_1382 : i32 to index
        %swap3A_1384 = tpu.vector_load %arg11[%swap3A_1383] {strides = array<i32>} : memref<61920xf32, #tpu.memory_space<vmem>>, vector<16xf32>,
        tpu.vector_store %arg11[%swap3A_1383], %get3A_1378 {strides = array<i32>} : memref<61920xf32, #tpu.memory_space<vmem>>, vector<16xf32>,
        %add3A_1385 = arith.constant 0 : i32
        %add3A_1386 = arith.addi %mul3A_1324, %add3A_1385 : i32
        %get3A_1387 = arith.index_cast %add3A_1386 : i32 to index
        %get3A_1388 = tpu.vector_load %arg10[%get3A_1387] {strides = array<i32>} : memref<224xf32, #tpu.memory_space<vmem>>, vector<16xf32>,
        %add3A_1389 = arith.constant 97 : i32
        %add3A_1390 = arith.addi %mul3A_1271, %add3A_1389 : i32
        %add3A_1391 = arith.constant 0 : i32
        %add3A_1392 = arith.addi %add3A_1390, %add3A_1391 : i32
        %swap3A_1393 = arith.index_cast %add3A_1392 : i32 to index
        %swap3A_1394 = tpu.vector_load %arg11[%swap3A_1393] {strides = array<i32>} : memref<61920xf32, #tpu.memory_space<vmem>>, vector<16xf32>,
        tpu.vector_store %arg11[%swap3A_1393], %get3A_1388 {strides = array<i32>} : memref<61920xf32, #tpu.memory_space<vmem>>, vector<16xf32>,
        %add3A_1395 = arith.constant 16 : i32
        %add3A_1396 = arith.addi %mul3A_1324, %add3A_1395 : i32
        %get3A_1397 = arith.index_cast %add3A_1396 : i32 to index
        %get3A_1398 = tpu.vector_load %arg10[%get3A_1397] {strides = array<i32>} : memref<224xf32, #tpu.memory_space<vmem>>, vector<16xf32>,
        %add3A_1399 = arith.constant 97 : i32
        %add3A_1400 = arith.addi %mul3A_1271, %add3A_1399 : i32
        %add3A_1401 = arith.constant 16 : i32
        %add3A_1402 = arith.addi %add3A_1400, %add3A_1401 : i32
        %swap3A_1403 = arith.index_cast %add3A_1402 : i32 to index
        %swap3A_1404 = tpu.vector_load %arg11[%swap3A_1403] {strides = array<i32>} : memref<61920xf32, #tpu.memory_space<vmem>>, vector<16xf32>,
        tpu.vector_store %arg11[%swap3A_1403], %get3A_1398 {strides = array<i32>} : memref<61920xf32, #tpu.memory_space<vmem>>, vector<16xf32>,
        %add3A_1405 = arith.constant 10 : i32
        %add3A_1406 = arith.addi %mul3A_31, %add3A_1405 : i32
        %mul3A_1407 = arith.constant 129 : i32
        %mul3A_1408 = arith.muli %add3A_1406, %mul3A_1407 : i32
        %add3A_1409 = arith.addi %add3A_18, %mul3A_31 : i32
        %add3A_1410 = arith.constant 10 : i32
        %add3A_1411 = arith.addi %add3A_1409, %add3A_1410 : i32
        %jit3A_1412 = arith.constant 12 : i32
        %div3A_1413 = arith.divsi %add3A_1411, %jit3A_1412 : i32
        %sign3A_1414 = arith.constant 0 : i32
        %sign3A_1415 = arith.cmpi sgt, %add3A_1411, %sign3A_1414 : i32
        %sign3A_1416 = arith.extui %sign3A_1415 : i1 to i32
        %sign3A_1417 = arith.constant 0 : i32
        %sign3A_1418 = arith.cmpi slt, %add3A_1411, %sign3A_1417 : i32
        %sign3A_1419 = arith.extui %sign3A_1418 : i1 to i32
        %sign3A_1420 = arith.subi %sign3A_1416, %sign3A_1419 : i32
        %sign3A_1421 = arith.constant 0 : i32
        %sign3A_1422 = arith.cmpi sgt, %jit3A_1412, %sign3A_1421 : i32
        %sign3A_1423 = arith.extui %sign3A_1422 : i1 to i32
        %sign3A_1424 = arith.constant 0 : i32
        %sign3A_1425 = arith.cmpi slt, %jit3A_1412, %sign3A_1424 : i32
        %sign3A_1426 = arith.extui %sign3A_1425 : i1 to i32
        %sign3A_1427 = arith.subi %sign3A_1423, %sign3A_1426 : i32
        %ne3A_1428 = arith.cmpi ne, %sign3A_1420, %sign3A_1427 : i32
        %rem3A_1429 = arith.remsi %add3A_1411, %jit3A_1412 : i32
        %ne3A_1430 = arith.constant 0 : i32
        %ne3A_1431 = arith.cmpi ne, %rem3A_1429, %ne3A_1430 : i32
        %and3A_1432 = arith.andi %ne3A_1428, %ne3A_1431 : i1
        %sub3A_1433 = arith.constant 1 : i32
        %sub3A_1434 = arith.subi %div3A_1413, %sub3A_1433 : i32
        %select_n3A_1435 = arith.select %and3A_1432, %sub3A_1434, %div3A_1413 : i32
        %jit3A_1436 = arith.constant 325 : i32
        %eq3A_1437 = arith.constant 0 : i32
        %eq3A_1438 = arith.cmpi eq, %jit3A_1436, %eq3A_1437 : i32
        %jit3A_1439 = arith.constant 1 : i32
        %select_n3A_1440 = arith.select %eq3A_1438, %jit3A_1439, %jit3A_1436 : i32
        %rem3A_1441 = arith.remsi %select_n3A_1435, %select_n3A_1440 : i32
        %ne3A_1442 = arith.constant 0 : i32
        %ne3A_1443 = arith.cmpi ne, %rem3A_1441, %ne3A_1442 : i32
        %lt3A_1444 = arith.constant 0 : i32
        %lt3A_1445 = arith.cmpi slt, %rem3A_1441, %lt3A_1444 : i32
        %lt3A_1446 = arith.constant 0 : i32
        %lt3A_1447 = arith.cmpi slt, %select_n3A_1440, %lt3A_1446 : i32
        %ne3A_1448 = arith.xori %lt3A_1445, %lt3A_1447 : i1
        %and3A_1449 = arith.andi %ne3A_1448, %ne3A_1443 : i1
        %add3A_1450 = arith.addi %rem3A_1441, %select_n3A_1440 : i32
        %select_n3A_1451 = arith.select %and3A_1449, %add3A_1450, %rem3A_1441 : i32
        %mul3A_1452 = arith.constant 64 : i32
        %mul3A_1453 = arith.muli %select_n3A_1451, %mul3A_1452 : i32
        %slice3A_1454 = vector.extract_strided_slice %convert_element_type3A {offsets = [10], sizes = [1], strides = [1]} : vector<16xi32> to vector<1xi32>
        %squeeze3A_1455 = vector.extract %slice3A_1454[0] : i32 from vector<1xi32>
        %mul3A_1456 = arith.constant 32 : i32
        %mul3A_1457 = arith.muli %squeeze3A_1455, %mul3A_1456 : i32
        %slice3A_1458 = vector.extract_strided_slice %convert_element_type3A_44 {offsets = [10], sizes = [1], strides = [1]} : vector<16xi32> to vector<1xi32>
        %squeeze3A_1459 = vector.extract %slice3A_1458[0] : i32 from vector<1xi32>
        %mul3A_1460 = arith.constant 32 : i32
        %mul3A_1461 = arith.muli %squeeze3A_1459, %mul3A_1460 : i32
        %add3A_1462 = arith.constant 0 : i32
        %add3A_1463 = arith.addi %mul3A_1453, %add3A_1462 : i32
        %get3A_1464 = arith.index_cast %add3A_1463 : i32 to index
        %get3A_1465 = tpu.vector_load %arg8[%get3A_1464] {strides = array<i32>} : memref<20800xf32, #tpu.memory_space<vmem>>, vector<16xf32>,
        %add3A_1466 = arith.constant 1 : i32
        %add3A_1467 = arith.addi %mul3A_1408, %add3A_1466 : i32
        %add3A_1468 = arith.constant 0 : i32
        %add3A_1469 = arith.addi %add3A_1467, %add3A_1468 : i32
        %swap3A_1470 = arith.index_cast %add3A_1469 : i32 to index
        %swap3A_1471 = tpu.vector_load %arg11[%swap3A_1470] {strides = array<i32>} : memref<61920xf32, #tpu.memory_space<vmem>>, vector<16xf32>,
        tpu.vector_store %arg11[%swap3A_1470], %get3A_1465 {strides = array<i32>} : memref<61920xf32, #tpu.memory_space<vmem>>, vector<16xf32>,
        %add3A_1472 = arith.constant 16 : i32
        %add3A_1473 = arith.addi %mul3A_1453, %add3A_1472 : i32
        %get3A_1474 = arith.index_cast %add3A_1473 : i32 to index
        %get3A_1475 = tpu.vector_load %arg8[%get3A_1474] {strides = array<i32>} : memref<20800xf32, #tpu.memory_space<vmem>>, vector<16xf32>,
        %add3A_1476 = arith.constant 1 : i32
        %add3A_1477 = arith.addi %mul3A_1408, %add3A_1476 : i32
        %add3A_1478 = arith.constant 16 : i32
        %add3A_1479 = arith.addi %add3A_1477, %add3A_1478 : i32
        %swap3A_1480 = arith.index_cast %add3A_1479 : i32 to index
        %swap3A_1481 = tpu.vector_load %arg11[%swap3A_1480] {strides = array<i32>} : memref<61920xf32, #tpu.memory_space<vmem>>, vector<16xf32>,
        tpu.vector_store %arg11[%swap3A_1480], %get3A_1475 {strides = array<i32>} : memref<61920xf32, #tpu.memory_space<vmem>>, vector<16xf32>,
        %add3A_1482 = arith.constant 32 : i32
        %add3A_1483 = arith.addi %mul3A_1453, %add3A_1482 : i32
        %get3A_1484 = arith.index_cast %add3A_1483 : i32 to index
        %get3A_1485 = tpu.vector_load %arg8[%get3A_1484] {strides = array<i32>} : memref<20800xf32, #tpu.memory_space<vmem>>, vector<16xf32>,
        %add3A_1486 = arith.constant 1 : i32
        %add3A_1487 = arith.addi %mul3A_1408, %add3A_1486 : i32
        %add3A_1488 = arith.constant 32 : i32
        %add3A_1489 = arith.addi %add3A_1487, %add3A_1488 : i32
        %swap3A_1490 = arith.index_cast %add3A_1489 : i32 to index
        %swap3A_1491 = tpu.vector_load %arg11[%swap3A_1490] {strides = array<i32>} : memref<61920xf32, #tpu.memory_space<vmem>>, vector<16xf32>,
        tpu.vector_store %arg11[%swap3A_1490], %get3A_1485 {strides = array<i32>} : memref<61920xf32, #tpu.memory_space<vmem>>, vector<16xf32>,
        %add3A_1492 = arith.constant 48 : i32
        %add3A_1493 = arith.addi %mul3A_1453, %add3A_1492 : i32
        %get3A_1494 = arith.index_cast %add3A_1493 : i32 to index
        %get3A_1495 = tpu.vector_load %arg8[%get3A_1494] {strides = array<i32>} : memref<20800xf32, #tpu.memory_space<vmem>>, vector<16xf32>,
        %add3A_1496 = arith.constant 1 : i32
        %add3A_1497 = arith.addi %mul3A_1408, %add3A_1496 : i32
        %add3A_1498 = arith.constant 48 : i32
        %add3A_1499 = arith.addi %add3A_1497, %add3A_1498 : i32
        %swap3A_1500 = arith.index_cast %add3A_1499 : i32 to index
        %swap3A_1501 = tpu.vector_load %arg11[%swap3A_1500] {strides = array<i32>} : memref<61920xf32, #tpu.memory_space<vmem>>, vector<16xf32>,
        tpu.vector_store %arg11[%swap3A_1500], %get3A_1495 {strides = array<i32>} : memref<61920xf32, #tpu.memory_space<vmem>>, vector<16xf32>,
        %add3A_1502 = arith.constant 0 : i32
        %add3A_1503 = arith.addi %mul3A_1457, %add3A_1502 : i32
        %get3A_1504 = arith.index_cast %add3A_1503 : i32 to index
        %get3A_1505 = tpu.vector_load %arg9[%get3A_1504] {strides = array<i32>} : memref<9216xf32, #tpu.memory_space<vmem>>, vector<16xf32>,
        %add3A_1506 = arith.constant 65 : i32
        %add3A_1507 = arith.addi %mul3A_1408, %add3A_1506 : i32
        %add3A_1508 = arith.constant 0 : i32
        %add3A_1509 = arith.addi %add3A_1507, %add3A_1508 : i32
        %swap3A_1510 = arith.index_cast %add3A_1509 : i32 to index
        %swap3A_1511 = tpu.vector_load %arg11[%swap3A_1510] {strides = array<i32>} : memref<61920xf32, #tpu.memory_space<vmem>>, vector<16xf32>,
        tpu.vector_store %arg11[%swap3A_1510], %get3A_1505 {strides = array<i32>} : memref<61920xf32, #tpu.memory_space<vmem>>, vector<16xf32>,
        %add3A_1512 = arith.constant 16 : i32
        %add3A_1513 = arith.addi %mul3A_1457, %add3A_1512 : i32
        %get3A_1514 = arith.index_cast %add3A_1513 : i32 to index
        %get3A_1515 = tpu.vector_load %arg9[%get3A_1514] {strides = array<i32>} : memref<9216xf32, #tpu.memory_space<vmem>>, vector<16xf32>,
        %add3A_1516 = arith.constant 65 : i32
        %add3A_1517 = arith.addi %mul3A_1408, %add3A_1516 : i32
        %add3A_1518 = arith.constant 16 : i32
        %add3A_1519 = arith.addi %add3A_1517, %add3A_1518 : i32
        %swap3A_1520 = arith.index_cast %add3A_1519 : i32 to index
        %swap3A_1521 = tpu.vector_load %arg11[%swap3A_1520] {strides = array<i32>} : memref<61920xf32, #tpu.memory_space<vmem>>, vector<16xf32>,
        tpu.vector_store %arg11[%swap3A_1520], %get3A_1515 {strides = array<i32>} : memref<61920xf32, #tpu.memory_space<vmem>>, vector<16xf32>,
        %add3A_1522 = arith.constant 0 : i32
        %add3A_1523 = arith.addi %mul3A_1461, %add3A_1522 : i32
        %get3A_1524 = arith.index_cast %add3A_1523 : i32 to index
        %get3A_1525 = tpu.vector_load %arg10[%get3A_1524] {strides = array<i32>} : memref<224xf32, #tpu.memory_space<vmem>>, vector<16xf32>,
        %add3A_1526 = arith.constant 97 : i32
        %add3A_1527 = arith.addi %mul3A_1408, %add3A_1526 : i32
        %add3A_1528 = arith.constant 0 : i32
        %add3A_1529 = arith.addi %add3A_1527, %add3A_1528 : i32
        %swap3A_1530 = arith.index_cast %add3A_1529 : i32 to index
        %swap3A_1531 = tpu.vector_load %arg11[%swap3A_1530] {strides = array<i32>} : memref<61920xf32, #tpu.memory_space<vmem>>, vector<16xf32>,
        tpu.vector_store %arg11[%swap3A_1530], %get3A_1525 {strides = array<i32>} : memref<61920xf32, #tpu.memory_space<vmem>>, vector<16xf32>,
        %add3A_1532 = arith.constant 16 : i32
        %add3A_1533 = arith.addi %mul3A_1461, %add3A_1532 : i32
        %get3A_1534 = arith.index_cast %add3A_1533 : i32 to index
        %get3A_1535 = tpu.vector_load %arg10[%get3A_1534] {strides = array<i32>} : memref<224xf32, #tpu.memory_space<vmem>>, vector<16xf32>,
        %add3A_1536 = arith.constant 97 : i32
        %add3A_1537 = arith.addi %mul3A_1408, %add3A_1536 : i32
        %add3A_1538 = arith.constant 16 : i32
        %add3A_1539 = arith.addi %add3A_1537, %add3A_1538 : i32
        %swap3A_1540 = arith.index_cast %add3A_1539 : i32 to index
        %swap3A_1541 = tpu.vector_load %arg11[%swap3A_1540] {strides = array<i32>} : memref<61920xf32, #tpu.memory_space<vmem>>, vector<16xf32>,
        tpu.vector_store %arg11[%swap3A_1540], %get3A_1535 {strides = array<i32>} : memref<61920xf32, #tpu.memory_space<vmem>>, vector<16xf32>,
        %add3A_1542 = arith.constant 11 : i32
        %add3A_1543 = arith.addi %mul3A_31, %add3A_1542 : i32
        %mul3A_1544 = arith.constant 129 : i32
        %mul3A_1545 = arith.muli %add3A_1543, %mul3A_1544 : i32
        %add3A_1546 = arith.addi %add3A_18, %mul3A_31 : i32
        %add3A_1547 = arith.constant 11 : i32
        %add3A_1548 = arith.addi %add3A_1546, %add3A_1547 : i32
        %jit3A_1549 = arith.constant 12 : i32
        %div3A_1550 = arith.divsi %add3A_1548, %jit3A_1549 : i32
        %sign3A_1551 = arith.constant 0 : i32
        %sign3A_1552 = arith.cmpi sgt, %add3A_1548, %sign3A_1551 : i32
        %sign3A_1553 = arith.extui %sign3A_1552 : i1 to i32
        %sign3A_1554 = arith.constant 0 : i32
        %sign3A_1555 = arith.cmpi slt, %add3A_1548, %sign3A_1554 : i32
        %sign3A_1556 = arith.extui %sign3A_1555 : i1 to i32
        %sign3A_1557 = arith.subi %sign3A_1553, %sign3A_1556 : i32
        %sign3A_1558 = arith.constant 0 : i32
        %sign3A_1559 = arith.cmpi sgt, %jit3A_1549, %sign3A_1558 : i32
        %sign3A_1560 = arith.extui %sign3A_1559 : i1 to i32
        %sign3A_1561 = arith.constant 0 : i32
        %sign3A_1562 = arith.cmpi slt, %jit3A_1549, %sign3A_1561 : i32
        %sign3A_1563 = arith.extui %sign3A_1562 : i1 to i32
        %sign3A_1564 = arith.subi %sign3A_1560, %sign3A_1563 : i32
        %ne3A_1565 = arith.cmpi ne, %sign3A_1557, %sign3A_1564 : i32
        %rem3A_1566 = arith.remsi %add3A_1548, %jit3A_1549 : i32
        %ne3A_1567 = arith.constant 0 : i32
        %ne3A_1568 = arith.cmpi ne, %rem3A_1566, %ne3A_1567 : i32
        %and3A_1569 = arith.andi %ne3A_1565, %ne3A_1568 : i1
        %sub3A_1570 = arith.constant 1 : i32
        %sub3A_1571 = arith.subi %div3A_1550, %sub3A_1570 : i32
        %select_n3A_1572 = arith.select %and3A_1569, %sub3A_1571, %div3A_1550 : i32
        %jit3A_1573 = arith.constant 325 : i32
        %eq3A_1574 = arith.constant 0 : i32
        %eq3A_1575 = arith.cmpi eq, %jit3A_1573, %eq3A_1574 : i32
        %jit3A_1576 = arith.constant 1 : i32
        %select_n3A_1577 = arith.select %eq3A_1575, %jit3A_1576, %jit3A_1573 : i32
        %rem3A_1578 = arith.remsi %select_n3A_1572, %select_n3A_1577 : i32
        %ne3A_1579 = arith.constant 0 : i32
        %ne3A_1580 = arith.cmpi ne, %rem3A_1578, %ne3A_1579 : i32
        %lt3A_1581 = arith.constant 0 : i32
        %lt3A_1582 = arith.cmpi slt, %rem3A_1578, %lt3A_1581 : i32
        %lt3A_1583 = arith.constant 0 : i32
        %lt3A_1584 = arith.cmpi slt, %select_n3A_1577, %lt3A_1583 : i32
        %ne3A_1585 = arith.xori %lt3A_1582, %lt3A_1584 : i1
        %and3A_1586 = arith.andi %ne3A_1585, %ne3A_1580 : i1
        %add3A_1587 = arith.addi %rem3A_1578, %select_n3A_1577 : i32
        %select_n3A_1588 = arith.select %and3A_1586, %add3A_1587, %rem3A_1578 : i32
        %mul3A_1589 = arith.constant 64 : i32
        %mul3A_1590 = arith.muli %select_n3A_1588, %mul3A_1589 : i32
        %slice3A_1591 = vector.extract_strided_slice %convert_element_type3A {offsets = [11], sizes = [1], strides = [1]} : vector<16xi32> to vector<1xi32>
        %squeeze3A_1592 = vector.extract %slice3A_1591[0] : i32 from vector<1xi32>
        %mul3A_1593 = arith.constant 32 : i32
        %mul3A_1594 = arith.muli %squeeze3A_1592, %mul3A_1593 : i32
        %slice3A_1595 = vector.extract_strided_slice %convert_element_type3A_44 {offsets = [11], sizes = [1], strides = [1]} : vector<16xi32> to vector<1xi32>
        %squeeze3A_1596 = vector.extract %slice3A_1595[0] : i32 from vector<1xi32>
        %mul3A_1597 = arith.constant 32 : i32
        %mul3A_1598 = arith.muli %squeeze3A_1596, %mul3A_1597 : i32
        %add3A_1599 = arith.constant 0 : i32
        %add3A_1600 = arith.addi %mul3A_1590, %add3A_1599 : i32
        %get3A_1601 = arith.index_cast %add3A_1600 : i32 to index
        %get3A_1602 = tpu.vector_load %arg8[%get3A_1601] {strides = array<i32>} : memref<20800xf32, #tpu.memory_space<vmem>>, vector<16xf32>,
        %add3A_1603 = arith.constant 1 : i32
        %add3A_1604 = arith.addi %mul3A_1545, %add3A_1603 : i32
        %add3A_1605 = arith.constant 0 : i32
        %add3A_1606 = arith.addi %add3A_1604, %add3A_1605 : i32
        %swap3A_1607 = arith.index_cast %add3A_1606 : i32 to index
        %swap3A_1608 = tpu.vector_load %arg11[%swap3A_1607] {strides = array<i32>} : memref<61920xf32, #tpu.memory_space<vmem>>, vector<16xf32>,
        tpu.vector_store %arg11[%swap3A_1607], %get3A_1602 {strides = array<i32>} : memref<61920xf32, #tpu.memory_space<vmem>>, vector<16xf32>,
        %add3A_1609 = arith.constant 16 : i32
        %add3A_1610 = arith.addi %mul3A_1590, %add3A_1609 : i32
        %get3A_1611 = arith.index_cast %add3A_1610 : i32 to index
        %get3A_1612 = tpu.vector_load %arg8[%get3A_1611] {strides = array<i32>} : memref<20800xf32, #tpu.memory_space<vmem>>, vector<16xf32>,
        %add3A_1613 = arith.constant 1 : i32
        %add3A_1614 = arith.addi %mul3A_1545, %add3A_1613 : i32
        %add3A_1615 = arith.constant 16 : i32
        %add3A_1616 = arith.addi %add3A_1614, %add3A_1615 : i32
        %swap3A_1617 = arith.index_cast %add3A_1616 : i32 to index
        %swap3A_1618 = tpu.vector_load %arg11[%swap3A_1617] {strides = array<i32>} : memref<61920xf32, #tpu.memory_space<vmem>>, vector<16xf32>,
        tpu.vector_store %arg11[%swap3A_1617], %get3A_1612 {strides = array<i32>} : memref<61920xf32, #tpu.memory_space<vmem>>, vector<16xf32>,
        %add3A_1619 = arith.constant 32 : i32
        %add3A_1620 = arith.addi %mul3A_1590, %add3A_1619 : i32
        %get3A_1621 = arith.index_cast %add3A_1620 : i32 to index
        %get3A_1622 = tpu.vector_load %arg8[%get3A_1621] {strides = array<i32>} : memref<20800xf32, #tpu.memory_space<vmem>>, vector<16xf32>,
        %add3A_1623 = arith.constant 1 : i32
        %add3A_1624 = arith.addi %mul3A_1545, %add3A_1623 : i32
        %add3A_1625 = arith.constant 32 : i32
        %add3A_1626 = arith.addi %add3A_1624, %add3A_1625 : i32
        %swap3A_1627 = arith.index_cast %add3A_1626 : i32 to index
        %swap3A_1628 = tpu.vector_load %arg11[%swap3A_1627] {strides = array<i32>} : memref<61920xf32, #tpu.memory_space<vmem>>, vector<16xf32>,
        tpu.vector_store %arg11[%swap3A_1627], %get3A_1622 {strides = array<i32>} : memref<61920xf32, #tpu.memory_space<vmem>>, vector<16xf32>,
        %add3A_1629 = arith.constant 48 : i32
        %add3A_1630 = arith.addi %mul3A_1590, %add3A_1629 : i32
        %get3A_1631 = arith.index_cast %add3A_1630 : i32 to index
        %get3A_1632 = tpu.vector_load %arg8[%get3A_1631] {strides = array<i32>} : memref<20800xf32, #tpu.memory_space<vmem>>, vector<16xf32>,
        %add3A_1633 = arith.constant 1 : i32
        %add3A_1634 = arith.addi %mul3A_1545, %add3A_1633 : i32
        %add3A_1635 = arith.constant 48 : i32
        %add3A_1636 = arith.addi %add3A_1634, %add3A_1635 : i32
        %swap3A_1637 = arith.index_cast %add3A_1636 : i32 to index
        %swap3A_1638 = tpu.vector_load %arg11[%swap3A_1637] {strides = array<i32>} : memref<61920xf32, #tpu.memory_space<vmem>>, vector<16xf32>,
        tpu.vector_store %arg11[%swap3A_1637], %get3A_1632 {strides = array<i32>} : memref<61920xf32, #tpu.memory_space<vmem>>, vector<16xf32>,
        %add3A_1639 = arith.constant 0 : i32
        %add3A_1640 = arith.addi %mul3A_1594, %add3A_1639 : i32
        %get3A_1641 = arith.index_cast %add3A_1640 : i32 to index
        %get3A_1642 = tpu.vector_load %arg9[%get3A_1641] {strides = array<i32>} : memref<9216xf32, #tpu.memory_space<vmem>>, vector<16xf32>,
        %add3A_1643 = arith.constant 65 : i32
        %add3A_1644 = arith.addi %mul3A_1545, %add3A_1643 : i32
        %add3A_1645 = arith.constant 0 : i32
        %add3A_1646 = arith.addi %add3A_1644, %add3A_1645 : i32
        %swap3A_1647 = arith.index_cast %add3A_1646 : i32 to index
        %swap3A_1648 = tpu.vector_load %arg11[%swap3A_1647] {strides = array<i32>} : memref<61920xf32, #tpu.memory_space<vmem>>, vector<16xf32>,
        tpu.vector_store %arg11[%swap3A_1647], %get3A_1642 {strides = array<i32>} : memref<61920xf32, #tpu.memory_space<vmem>>, vector<16xf32>,
        %add3A_1649 = arith.constant 16 : i32
        %add3A_1650 = arith.addi %mul3A_1594, %add3A_1649 : i32
        %get3A_1651 = arith.index_cast %add3A_1650 : i32 to index
        %get3A_1652 = tpu.vector_load %arg9[%get3A_1651] {strides = array<i32>} : memref<9216xf32, #tpu.memory_space<vmem>>, vector<16xf32>,
        %add3A_1653 = arith.constant 65 : i32
        %add3A_1654 = arith.addi %mul3A_1545, %add3A_1653 : i32
        %add3A_1655 = arith.constant 16 : i32
        %add3A_1656 = arith.addi %add3A_1654, %add3A_1655 : i32
        %swap3A_1657 = arith.index_cast %add3A_1656 : i32 to index
        %swap3A_1658 = tpu.vector_load %arg11[%swap3A_1657] {strides = array<i32>} : memref<61920xf32, #tpu.memory_space<vmem>>, vector<16xf32>,
        tpu.vector_store %arg11[%swap3A_1657], %get3A_1652 {strides = array<i32>} : memref<61920xf32, #tpu.memory_space<vmem>>, vector<16xf32>,
        %add3A_1659 = arith.constant 0 : i32
        %add3A_1660 = arith.addi %mul3A_1598, %add3A_1659 : i32
        %get3A_1661 = arith.index_cast %add3A_1660 : i32 to index
        %get3A_1662 = tpu.vector_load %arg10[%get3A_1661] {strides = array<i32>} : memref<224xf32, #tpu.memory_space<vmem>>, vector<16xf32>,
        %add3A_1663 = arith.constant 97 : i32
        %add3A_1664 = arith.addi %mul3A_1545, %add3A_1663 : i32
        %add3A_1665 = arith.constant 0 : i32
        %add3A_1666 = arith.addi %add3A_1664, %add3A_1665 : i32
        %swap3A_1667 = arith.index_cast %add3A_1666 : i32 to index
        %swap3A_1668 = tpu.vector_load %arg11[%swap3A_1667] {strides = array<i32>} : memref<61920xf32, #tpu.memory_space<vmem>>, vector<16xf32>,
        tpu.vector_store %arg11[%swap3A_1667], %get3A_1662 {strides = array<i32>} : memref<61920xf32, #tpu.memory_space<vmem>>, vector<16xf32>,
        %add3A_1669 = arith.constant 16 : i32
        %add3A_1670 = arith.addi %mul3A_1598, %add3A_1669 : i32
        %get3A_1671 = arith.index_cast %add3A_1670 : i32 to index
        %get3A_1672 = tpu.vector_load %arg10[%get3A_1671] {strides = array<i32>} : memref<224xf32, #tpu.memory_space<vmem>>, vector<16xf32>,
        %add3A_1673 = arith.constant 97 : i32
        %add3A_1674 = arith.addi %mul3A_1545, %add3A_1673 : i32
        %add3A_1675 = arith.constant 16 : i32
        %add3A_1676 = arith.addi %add3A_1674, %add3A_1675 : i32
        %swap3A_1677 = arith.index_cast %add3A_1676 : i32 to index
        %swap3A_1678 = tpu.vector_load %arg11[%swap3A_1677] {strides = array<i32>} : memref<61920xf32, #tpu.memory_space<vmem>>, vector<16xf32>,
        tpu.vector_store %arg11[%swap3A_1677], %get3A_1672 {strides = array<i32>} : memref<61920xf32, #tpu.memory_space<vmem>>, vector<16xf32>,
        %add3A_1679 = arith.constant 12 : i32
        %add3A_1680 = arith.addi %mul3A_31, %add3A_1679 : i32
        %mul3A_1681 = arith.constant 129 : i32
        %mul3A_1682 = arith.muli %add3A_1680, %mul3A_1681 : i32
        %add3A_1683 = arith.addi %add3A_18, %mul3A_31 : i32
        %add3A_1684 = arith.constant 12 : i32
        %add3A_1685 = arith.addi %add3A_1683, %add3A_1684 : i32
        %jit3A_1686 = arith.constant 12 : i32
        %div3A_1687 = arith.divsi %add3A_1685, %jit3A_1686 : i32
        %sign3A_1688 = arith.constant 0 : i32
        %sign3A_1689 = arith.cmpi sgt, %add3A_1685, %sign3A_1688 : i32
        %sign3A_1690 = arith.extui %sign3A_1689 : i1 to i32
        %sign3A_1691 = arith.constant 0 : i32
        %sign3A_1692 = arith.cmpi slt, %add3A_1685, %sign3A_1691 : i32
        %sign3A_1693 = arith.extui %sign3A_1692 : i1 to i32
        %sign3A_1694 = arith.subi %sign3A_1690, %sign3A_1693 : i32
        %sign3A_1695 = arith.constant 0 : i32
        %sign3A_1696 = arith.cmpi sgt, %jit3A_1686, %sign3A_1695 : i32
        %sign3A_1697 = arith.extui %sign3A_1696 : i1 to i32
        %sign3A_1698 = arith.constant 0 : i32
        %sign3A_1699 = arith.cmpi slt, %jit3A_1686, %sign3A_1698 : i32
        %sign3A_1700 = arith.extui %sign3A_1699 : i1 to i32
        %sign3A_1701 = arith.subi %sign3A_1697, %sign3A_1700 : i32
        %ne3A_1702 = arith.cmpi ne, %sign3A_1694, %sign3A_1701 : i32
        %rem3A_1703 = arith.remsi %add3A_1685, %jit3A_1686 : i32
        %ne3A_1704 = arith.constant 0 : i32
        %ne3A_1705 = arith.cmpi ne, %rem3A_1703, %ne3A_1704 : i32
        %and3A_1706 = arith.andi %ne3A_1702, %ne3A_1705 : i1
        %sub3A_1707 = arith.constant 1 : i32
        %sub3A_1708 = arith.subi %div3A_1687, %sub3A_1707 : i32
        %select_n3A_1709 = arith.select %and3A_1706, %sub3A_1708, %div3A_1687 : i32
        %jit3A_1710 = arith.constant 325 : i32
        %eq3A_1711 = arith.constant 0 : i32
        %eq3A_1712 = arith.cmpi eq, %jit3A_1710, %eq3A_1711 : i32
        %jit3A_1713 = arith.constant 1 : i32
        %select_n3A_1714 = arith.select %eq3A_1712, %jit3A_1713, %jit3A_1710 : i32
        %rem3A_1715 = arith.remsi %select_n3A_1709, %select_n3A_1714 : i32
        %ne3A_1716 = arith.constant 0 : i32
        %ne3A_1717 = arith.cmpi ne, %rem3A_1715, %ne3A_1716 : i32
        %lt3A_1718 = arith.constant 0 : i32
        %lt3A_1719 = arith.cmpi slt, %rem3A_1715, %lt3A_1718 : i32
        %lt3A_1720 = arith.constant 0 : i32
        %lt3A_1721 = arith.cmpi slt, %select_n3A_1714, %lt3A_1720 : i32
        %ne3A_1722 = arith.xori %lt3A_1719, %lt3A_1721 : i1
        %and3A_1723 = arith.andi %ne3A_1722, %ne3A_1717 : i1
        %add3A_1724 = arith.addi %rem3A_1715, %select_n3A_1714 : i32
        %select_n3A_1725 = arith.select %and3A_1723, %add3A_1724, %rem3A_1715 : i32
        %mul3A_1726 = arith.constant 64 : i32
        %mul3A_1727 = arith.muli %select_n3A_1725, %mul3A_1726 : i32
        %slice3A_1728 = vector.extract_strided_slice %convert_element_type3A {offsets = [12], sizes = [1], strides = [1]} : vector<16xi32> to vector<1xi32>
        %squeeze3A_1729 = vector.extract %slice3A_1728[0] : i32 from vector<1xi32>
        %mul3A_1730 = arith.constant 32 : i32
        %mul3A_1731 = arith.muli %squeeze3A_1729, %mul3A_1730 : i32
        %slice3A_1732 = vector.extract_strided_slice %convert_element_type3A_44 {offsets = [12], sizes = [1], strides = [1]} : vector<16xi32> to vector<1xi32>
        %squeeze3A_1733 = vector.extract %slice3A_1732[0] : i32 from vector<1xi32>
        %mul3A_1734 = arith.constant 32 : i32
        %mul3A_1735 = arith.muli %squeeze3A_1733, %mul3A_1734 : i32
        %add3A_1736 = arith.constant 0 : i32
        %add3A_1737 = arith.addi %mul3A_1727, %add3A_1736 : i32
        %get3A_1738 = arith.index_cast %add3A_1737 : i32 to index
        %get3A_1739 = tpu.vector_load %arg8[%get3A_1738] {strides = array<i32>} : memref<20800xf32, #tpu.memory_space<vmem>>, vector<16xf32>,
        %add3A_1740 = arith.constant 1 : i32
        %add3A_1741 = arith.addi %mul3A_1682, %add3A_1740 : i32
        %add3A_1742 = arith.constant 0 : i32
        %add3A_1743 = arith.addi %add3A_1741, %add3A_1742 : i32
        %swap3A_1744 = arith.index_cast %add3A_1743 : i32 to index
        %swap3A_1745 = tpu.vector_load %arg11[%swap3A_1744] {strides = array<i32>} : memref<61920xf32, #tpu.memory_space<vmem>>, vector<16xf32>,
        tpu.vector_store %arg11[%swap3A_1744], %get3A_1739 {strides = array<i32>} : memref<61920xf32, #tpu.memory_space<vmem>>, vector<16xf32>,
        %add3A_1746 = arith.constant 16 : i32
        %add3A_1747 = arith.addi %mul3A_1727, %add3A_1746 : i32
        %get3A_1748 = arith.index_cast %add3A_1747 : i32 to index
        %get3A_1749 = tpu.vector_load %arg8[%get3A_1748] {strides = array<i32>} : memref<20800xf32, #tpu.memory_space<vmem>>, vector<16xf32>,
        %add3A_1750 = arith.constant 1 : i32
        %add3A_1751 = arith.addi %mul3A_1682, %add3A_1750 : i32
        %add3A_1752 = arith.constant 16 : i32
        %add3A_1753 = arith.addi %add3A_1751, %add3A_1752 : i32
        %swap3A_1754 = arith.index_cast %add3A_1753 : i32 to index
        %swap3A_1755 = tpu.vector_load %arg11[%swap3A_1754] {strides = array<i32>} : memref<61920xf32, #tpu.memory_space<vmem>>, vector<16xf32>,
        tpu.vector_store %arg11[%swap3A_1754], %get3A_1749 {strides = array<i32>} : memref<61920xf32, #tpu.memory_space<vmem>>, vector<16xf32>,
        %add3A_1756 = arith.constant 32 : i32
        %add3A_1757 = arith.addi %mul3A_1727, %add3A_1756 : i32
        %get3A_1758 = arith.index_cast %add3A_1757 : i32 to index
        %get3A_1759 = tpu.vector_load %arg8[%get3A_1758] {strides = array<i32>} : memref<20800xf32, #tpu.memory_space<vmem>>, vector<16xf32>,
        %add3A_1760 = arith.constant 1 : i32
        %add3A_1761 = arith.addi %mul3A_1682, %add3A_1760 : i32
        %add3A_1762 = arith.constant 32 : i32
        %add3A_1763 = arith.addi %add3A_1761, %add3A_1762 : i32
        %swap3A_1764 = arith.index_cast %add3A_1763 : i32 to index
        %swap3A_1765 = tpu.vector_load %arg11[%swap3A_1764] {strides = array<i32>} : memref<61920xf32, #tpu.memory_space<vmem>>, vector<16xf32>,
        tpu.vector_store %arg11[%swap3A_1764], %get3A_1759 {strides = array<i32>} : memref<61920xf32, #tpu.memory_space<vmem>>, vector<16xf32>,
        %add3A_1766 = arith.constant 48 : i32
        %add3A_1767 = arith.addi %mul3A_1727, %add3A_1766 : i32
        %get3A_1768 = arith.index_cast %add3A_1767 : i32 to index
        %get3A_1769 = tpu.vector_load %arg8[%get3A_1768] {strides = array<i32>} : memref<20800xf32, #tpu.memory_space<vmem>>, vector<16xf32>,
        %add3A_1770 = arith.constant 1 : i32
        %add3A_1771 = arith.addi %mul3A_1682, %add3A_1770 : i32
        %add3A_1772 = arith.constant 48 : i32
        %add3A_1773 = arith.addi %add3A_1771, %add3A_1772 : i32
        %swap3A_1774 = arith.index_cast %add3A_1773 : i32 to index
        %swap3A_1775 = tpu.vector_load %arg11[%swap3A_1774] {strides = array<i32>} : memref<61920xf32, #tpu.memory_space<vmem>>, vector<16xf32>,
        tpu.vector_store %arg11[%swap3A_1774], %get3A_1769 {strides = array<i32>} : memref<61920xf32, #tpu.memory_space<vmem>>, vector<16xf32>,
        %add3A_1776 = arith.constant 0 : i32
        %add3A_1777 = arith.addi %mul3A_1731, %add3A_1776 : i32
        %get3A_1778 = arith.index_cast %add3A_1777 : i32 to index
        %get3A_1779 = tpu.vector_load %arg9[%get3A_1778] {strides = array<i32>} : memref<9216xf32, #tpu.memory_space<vmem>>, vector<16xf32>,
        %add3A_1780 = arith.constant 65 : i32
        %add3A_1781 = arith.addi %mul3A_1682, %add3A_1780 : i32
        %add3A_1782 = arith.constant 0 : i32
        %add3A_1783 = arith.addi %add3A_1781, %add3A_1782 : i32
        %swap3A_1784 = arith.index_cast %add3A_1783 : i32 to index
        %swap3A_1785 = tpu.vector_load %arg11[%swap3A_1784] {strides = array<i32>} : memref<61920xf32, #tpu.memory_space<vmem>>, vector<16xf32>,
        tpu.vector_store %arg11[%swap3A_1784], %get3A_1779 {strides = array<i32>} : memref<61920xf32, #tpu.memory_space<vmem>>, vector<16xf32>,
        %add3A_1786 = arith.constant 16 : i32
        %add3A_1787 = arith.addi %mul3A_1731, %add3A_1786 : i32
        %get3A_1788 = arith.index_cast %add3A_1787 : i32 to index
        %get3A_1789 = tpu.vector_load %arg9[%get3A_1788] {strides = array<i32>} : memref<9216xf32, #tpu.memory_space<vmem>>, vector<16xf32>,
        %add3A_1790 = arith.constant 65 : i32
        %add3A_1791 = arith.addi %mul3A_1682, %add3A_1790 : i32
        %add3A_1792 = arith.constant 16 : i32
        %add3A_1793 = arith.addi %add3A_1791, %add3A_1792 : i32
        %swap3A_1794 = arith.index_cast %add3A_1793 : i32 to index
        %swap3A_1795 = tpu.vector_load %arg11[%swap3A_1794] {strides = array<i32>} : memref<61920xf32, #tpu.memory_space<vmem>>, vector<16xf32>,
        tpu.vector_store %arg11[%swap3A_1794], %get3A_1789 {strides = array<i32>} : memref<61920xf32, #tpu.memory_space<vmem>>, vector<16xf32>,
        %add3A_1796 = arith.constant 0 : i32
        %add3A_1797 = arith.addi %mul3A_1735, %add3A_1796 : i32
        %get3A_1798 = arith.index_cast %add3A_1797 : i32 to index
        %get3A_1799 = tpu.vector_load %arg10[%get3A_1798] {strides = array<i32>} : memref<224xf32, #tpu.memory_space<vmem>>, vector<16xf32>,
        %add3A_1800 = arith.constant 97 : i32
        %add3A_1801 = arith.addi %mul3A_1682, %add3A_1800 : i32
        %add3A_1802 = arith.constant 0 : i32
        %add3A_1803 = arith.addi %add3A_1801, %add3A_1802 : i32
        %swap3A_1804 = arith.index_cast %add3A_1803 : i32 to index
        %swap3A_1805 = tpu.vector_load %arg11[%swap3A_1804] {strides = array<i32>} : memref<61920xf32, #tpu.memory_space<vmem>>, vector<16xf32>,
        tpu.vector_store %arg11[%swap3A_1804], %get3A_1799 {strides = array<i32>} : memref<61920xf32, #tpu.memory_space<vmem>>, vector<16xf32>,
        %add3A_1806 = arith.constant 16 : i32
        %add3A_1807 = arith.addi %mul3A_1735, %add3A_1806 : i32
        %get3A_1808 = arith.index_cast %add3A_1807 : i32 to index
        %get3A_1809 = tpu.vector_load %arg10[%get3A_1808] {strides = array<i32>} : memref<224xf32, #tpu.memory_space<vmem>>, vector<16xf32>,
        %add3A_1810 = arith.constant 97 : i32
        %add3A_1811 = arith.addi %mul3A_1682, %add3A_1810 : i32
        %add3A_1812 = arith.constant 16 : i32
        %add3A_1813 = arith.addi %add3A_1811, %add3A_1812 : i32
        %swap3A_1814 = arith.index_cast %add3A_1813 : i32 to index
        %swap3A_1815 = tpu.vector_load %arg11[%swap3A_1814] {strides = array<i32>} : memref<61920xf32, #tpu.memory_space<vmem>>, vector<16xf32>,
        tpu.vector_store %arg11[%swap3A_1814], %get3A_1809 {strides = array<i32>} : memref<61920xf32, #tpu.memory_space<vmem>>, vector<16xf32>,
        %add3A_1816 = arith.constant 13 : i32
        %add3A_1817 = arith.addi %mul3A_31, %add3A_1816 : i32
        %mul3A_1818 = arith.constant 129 : i32
        %mul3A_1819 = arith.muli %add3A_1817, %mul3A_1818 : i32
        %add3A_1820 = arith.addi %add3A_18, %mul3A_31 : i32
        %add3A_1821 = arith.constant 13 : i32
        %add3A_1822 = arith.addi %add3A_1820, %add3A_1821 : i32
        %jit3A_1823 = arith.constant 12 : i32
        %div3A_1824 = arith.divsi %add3A_1822, %jit3A_1823 : i32
        %sign3A_1825 = arith.constant 0 : i32
        %sign3A_1826 = arith.cmpi sgt, %add3A_1822, %sign3A_1825 : i32
        %sign3A_1827 = arith.extui %sign3A_1826 : i1 to i32
        %sign3A_1828 = arith.constant 0 : i32
        %sign3A_1829 = arith.cmpi slt, %add3A_1822, %sign3A_1828 : i32
        %sign3A_1830 = arith.extui %sign3A_1829 : i1 to i32
        %sign3A_1831 = arith.subi %sign3A_1827, %sign3A_1830 : i32
        %sign3A_1832 = arith.constant 0 : i32
        %sign3A_1833 = arith.cmpi sgt, %jit3A_1823, %sign3A_1832 : i32
        %sign3A_1834 = arith.extui %sign3A_1833 : i1 to i32
        %sign3A_1835 = arith.constant 0 : i32
        %sign3A_1836 = arith.cmpi slt, %jit3A_1823, %sign3A_1835 : i32
        %sign3A_1837 = arith.extui %sign3A_1836 : i1 to i32
        %sign3A_1838 = arith.subi %sign3A_1834, %sign3A_1837 : i32
        %ne3A_1839 = arith.cmpi ne, %sign3A_1831, %sign3A_1838 : i32
        %rem3A_1840 = arith.remsi %add3A_1822, %jit3A_1823 : i32
        %ne3A_1841 = arith.constant 0 : i32
        %ne3A_1842 = arith.cmpi ne, %rem3A_1840, %ne3A_1841 : i32
        %and3A_1843 = arith.andi %ne3A_1839, %ne3A_1842 : i1
        %sub3A_1844 = arith.constant 1 : i32
        %sub3A_1845 = arith.subi %div3A_1824, %sub3A_1844 : i32
        %select_n3A_1846 = arith.select %and3A_1843, %sub3A_1845, %div3A_1824 : i32
        %jit3A_1847 = arith.constant 325 : i32
        %eq3A_1848 = arith.constant 0 : i32
        %eq3A_1849 = arith.cmpi eq, %jit3A_1847, %eq3A_1848 : i32
        %jit3A_1850 = arith.constant 1 : i32
        %select_n3A_1851 = arith.select %eq3A_1849, %jit3A_1850, %jit3A_1847 : i32
        %rem3A_1852 = arith.remsi %select_n3A_1846, %select_n3A_1851 : i32
        %ne3A_1853 = arith.constant 0 : i32
        %ne3A_1854 = arith.cmpi ne, %rem3A_1852, %ne3A_1853 : i32
        %lt3A_1855 = arith.constant 0 : i32
        %lt3A_1856 = arith.cmpi slt, %rem3A_1852, %lt3A_1855 : i32
        %lt3A_1857 = arith.constant 0 : i32
        %lt3A_1858 = arith.cmpi slt, %select_n3A_1851, %lt3A_1857 : i32
        %ne3A_1859 = arith.xori %lt3A_1856, %lt3A_1858 : i1
        %and3A_1860 = arith.andi %ne3A_1859, %ne3A_1854 : i1
        %add3A_1861 = arith.addi %rem3A_1852, %select_n3A_1851 : i32
        %select_n3A_1862 = arith.select %and3A_1860, %add3A_1861, %rem3A_1852 : i32
        %mul3A_1863 = arith.constant 64 : i32
        %mul3A_1864 = arith.muli %select_n3A_1862, %mul3A_1863 : i32
        %slice3A_1865 = vector.extract_strided_slice %convert_element_type3A {offsets = [13], sizes = [1], strides = [1]} : vector<16xi32> to vector<1xi32>
        %squeeze3A_1866 = vector.extract %slice3A_1865[0] : i32 from vector<1xi32>
        %mul3A_1867 = arith.constant 32 : i32
        %mul3A_1868 = arith.muli %squeeze3A_1866, %mul3A_1867 : i32
        %slice3A_1869 = vector.extract_strided_slice %convert_element_type3A_44 {offsets = [13], sizes = [1], strides = [1]} : vector<16xi32> to vector<1xi32>
        %squeeze3A_1870 = vector.extract %slice3A_1869[0] : i32 from vector<1xi32>
        %mul3A_1871 = arith.constant 32 : i32
        %mul3A_1872 = arith.muli %squeeze3A_1870, %mul3A_1871 : i32
        %add3A_1873 = arith.constant 0 : i32
        %add3A_1874 = arith.addi %mul3A_1864, %add3A_1873 : i32
        %get3A_1875 = arith.index_cast %add3A_1874 : i32 to index
        %get3A_1876 = tpu.vector_load %arg8[%get3A_1875] {strides = array<i32>} : memref<20800xf32, #tpu.memory_space<vmem>>, vector<16xf32>,
        %add3A_1877 = arith.constant 1 : i32
        %add3A_1878 = arith.addi %mul3A_1819, %add3A_1877 : i32
        %add3A_1879 = arith.constant 0 : i32
        %add3A_1880 = arith.addi %add3A_1878, %add3A_1879 : i32
        %swap3A_1881 = arith.index_cast %add3A_1880 : i32 to index
        %swap3A_1882 = tpu.vector_load %arg11[%swap3A_1881] {strides = array<i32>} : memref<61920xf32, #tpu.memory_space<vmem>>, vector<16xf32>,
        tpu.vector_store %arg11[%swap3A_1881], %get3A_1876 {strides = array<i32>} : memref<61920xf32, #tpu.memory_space<vmem>>, vector<16xf32>,
        %add3A_1883 = arith.constant 16 : i32
        %add3A_1884 = arith.addi %mul3A_1864, %add3A_1883 : i32
        %get3A_1885 = arith.index_cast %add3A_1884 : i32 to index
        %get3A_1886 = tpu.vector_load %arg8[%get3A_1885] {strides = array<i32>} : memref<20800xf32, #tpu.memory_space<vmem>>, vector<16xf32>,
        %add3A_1887 = arith.constant 1 : i32
        %add3A_1888 = arith.addi %mul3A_1819, %add3A_1887 : i32
        %add3A_1889 = arith.constant 16 : i32
        %add3A_1890 = arith.addi %add3A_1888, %add3A_1889 : i32
        %swap3A_1891 = arith.index_cast %add3A_1890 : i32 to index
        %swap3A_1892 = tpu.vector_load %arg11[%swap3A_1891] {strides = array<i32>} : memref<61920xf32, #tpu.memory_space<vmem>>, vector<16xf32>,
        tpu.vector_store %arg11[%swap3A_1891], %get3A_1886 {strides = array<i32>} : memref<61920xf32, #tpu.memory_space<vmem>>, vector<16xf32>,
        %add3A_1893 = arith.constant 32 : i32
        %add3A_1894 = arith.addi %mul3A_1864, %add3A_1893 : i32
        %get3A_1895 = arith.index_cast %add3A_1894 : i32 to index
        %get3A_1896 = tpu.vector_load %arg8[%get3A_1895] {strides = array<i32>} : memref<20800xf32, #tpu.memory_space<vmem>>, vector<16xf32>,
        %add3A_1897 = arith.constant 1 : i32
        %add3A_1898 = arith.addi %mul3A_1819, %add3A_1897 : i32
        %add3A_1899 = arith.constant 32 : i32
        %add3A_1900 = arith.addi %add3A_1898, %add3A_1899 : i32
        %swap3A_1901 = arith.index_cast %add3A_1900 : i32 to index
        %swap3A_1902 = tpu.vector_load %arg11[%swap3A_1901] {strides = array<i32>} : memref<61920xf32, #tpu.memory_space<vmem>>, vector<16xf32>,
        tpu.vector_store %arg11[%swap3A_1901], %get3A_1896 {strides = array<i32>} : memref<61920xf32, #tpu.memory_space<vmem>>, vector<16xf32>,
        %add3A_1903 = arith.constant 48 : i32
        %add3A_1904 = arith.addi %mul3A_1864, %add3A_1903 : i32
        %get3A_1905 = arith.index_cast %add3A_1904 : i32 to index
        %get3A_1906 = tpu.vector_load %arg8[%get3A_1905] {strides = array<i32>} : memref<20800xf32, #tpu.memory_space<vmem>>, vector<16xf32>,
        %add3A_1907 = arith.constant 1 : i32
        %add3A_1908 = arith.addi %mul3A_1819, %add3A_1907 : i32
        %add3A_1909 = arith.constant 48 : i32
        %add3A_1910 = arith.addi %add3A_1908, %add3A_1909 : i32
        %swap3A_1911 = arith.index_cast %add3A_1910 : i32 to index
        %swap3A_1912 = tpu.vector_load %arg11[%swap3A_1911] {strides = array<i32>} : memref<61920xf32, #tpu.memory_space<vmem>>, vector<16xf32>,
        tpu.vector_store %arg11[%swap3A_1911], %get3A_1906 {strides = array<i32>} : memref<61920xf32, #tpu.memory_space<vmem>>, vector<16xf32>,
        %add3A_1913 = arith.constant 0 : i32
        %add3A_1914 = arith.addi %mul3A_1868, %add3A_1913 : i32
        %get3A_1915 = arith.index_cast %add3A_1914 : i32 to index
        %get3A_1916 = tpu.vector_load %arg9[%get3A_1915] {strides = array<i32>} : memref<9216xf32, #tpu.memory_space<vmem>>, vector<16xf32>,
        %add3A_1917 = arith.constant 65 : i32
        %add3A_1918 = arith.addi %mul3A_1819, %add3A_1917 : i32
        %add3A_1919 = arith.constant 0 : i32
        %add3A_1920 = arith.addi %add3A_1918, %add3A_1919 : i32
        %swap3A_1921 = arith.index_cast %add3A_1920 : i32 to index
        %swap3A_1922 = tpu.vector_load %arg11[%swap3A_1921] {strides = array<i32>} : memref<61920xf32, #tpu.memory_space<vmem>>, vector<16xf32>,
        tpu.vector_store %arg11[%swap3A_1921], %get3A_1916 {strides = array<i32>} : memref<61920xf32, #tpu.memory_space<vmem>>, vector<16xf32>,
        %add3A_1923 = arith.constant 16 : i32
        %add3A_1924 = arith.addi %mul3A_1868, %add3A_1923 : i32
        %get3A_1925 = arith.index_cast %add3A_1924 : i32 to index
        %get3A_1926 = tpu.vector_load %arg9[%get3A_1925] {strides = array<i32>} : memref<9216xf32, #tpu.memory_space<vmem>>, vector<16xf32>,
        %add3A_1927 = arith.constant 65 : i32
        %add3A_1928 = arith.addi %mul3A_1819, %add3A_1927 : i32
        %add3A_1929 = arith.constant 16 : i32
        %add3A_1930 = arith.addi %add3A_1928, %add3A_1929 : i32
        %swap3A_1931 = arith.index_cast %add3A_1930 : i32 to index
        %swap3A_1932 = tpu.vector_load %arg11[%swap3A_1931] {strides = array<i32>} : memref<61920xf32, #tpu.memory_space<vmem>>, vector<16xf32>,
        tpu.vector_store %arg11[%swap3A_1931], %get3A_1926 {strides = array<i32>} : memref<61920xf32, #tpu.memory_space<vmem>>, vector<16xf32>,
        %add3A_1933 = arith.constant 0 : i32
        %add3A_1934 = arith.addi %mul3A_1872, %add3A_1933 : i32
        %get3A_1935 = arith.index_cast %add3A_1934 : i32 to index
        %get3A_1936 = tpu.vector_load %arg10[%get3A_1935] {strides = array<i32>} : memref<224xf32, #tpu.memory_space<vmem>>, vector<16xf32>,
        %add3A_1937 = arith.constant 97 : i32
        %add3A_1938 = arith.addi %mul3A_1819, %add3A_1937 : i32
        %add3A_1939 = arith.constant 0 : i32
        %add3A_1940 = arith.addi %add3A_1938, %add3A_1939 : i32
        %swap3A_1941 = arith.index_cast %add3A_1940 : i32 to index
        %swap3A_1942 = tpu.vector_load %arg11[%swap3A_1941] {strides = array<i32>} : memref<61920xf32, #tpu.memory_space<vmem>>, vector<16xf32>,
        tpu.vector_store %arg11[%swap3A_1941], %get3A_1936 {strides = array<i32>} : memref<61920xf32, #tpu.memory_space<vmem>>, vector<16xf32>,
        %add3A_1943 = arith.constant 16 : i32
        %add3A_1944 = arith.addi %mul3A_1872, %add3A_1943 : i32
        %get3A_1945 = arith.index_cast %add3A_1944 : i32 to index
        %get3A_1946 = tpu.vector_load %arg10[%get3A_1945] {strides = array<i32>} : memref<224xf32, #tpu.memory_space<vmem>>, vector<16xf32>,
        %add3A_1947 = arith.constant 97 : i32
        %add3A_1948 = arith.addi %mul3A_1819, %add3A_1947 : i32
        %add3A_1949 = arith.constant 16 : i32
        %add3A_1950 = arith.addi %add3A_1948, %add3A_1949 : i32
        %swap3A_1951 = arith.index_cast %add3A_1950 : i32 to index
        %swap3A_1952 = tpu.vector_load %arg11[%swap3A_1951] {strides = array<i32>} : memref<61920xf32, #tpu.memory_space<vmem>>, vector<16xf32>,
        tpu.vector_store %arg11[%swap3A_1951], %get3A_1946 {strides = array<i32>} : memref<61920xf32, #tpu.memory_space<vmem>>, vector<16xf32>,
        %add3A_1953 = arith.constant 14 : i32
        %add3A_1954 = arith.addi %mul3A_31, %add3A_1953 : i32
        %mul3A_1955 = arith.constant 129 : i32
        %mul3A_1956 = arith.muli %add3A_1954, %mul3A_1955 : i32
        %add3A_1957 = arith.addi %add3A_18, %mul3A_31 : i32
        %add3A_1958 = arith.constant 14 : i32
        %add3A_1959 = arith.addi %add3A_1957, %add3A_1958 : i32
        %jit3A_1960 = arith.constant 12 : i32
        %div3A_1961 = arith.divsi %add3A_1959, %jit3A_1960 : i32
        %sign3A_1962 = arith.constant 0 : i32
        %sign3A_1963 = arith.cmpi sgt, %add3A_1959, %sign3A_1962 : i32
        %sign3A_1964 = arith.extui %sign3A_1963 : i1 to i32
        %sign3A_1965 = arith.constant 0 : i32
        %sign3A_1966 = arith.cmpi slt, %add3A_1959, %sign3A_1965 : i32
        %sign3A_1967 = arith.extui %sign3A_1966 : i1 to i32
        %sign3A_1968 = arith.subi %sign3A_1964, %sign3A_1967 : i32
        %sign3A_1969 = arith.constant 0 : i32
        %sign3A_1970 = arith.cmpi sgt, %jit3A_1960, %sign3A_1969 : i32
        %sign3A_1971 = arith.extui %sign3A_1970 : i1 to i32
        %sign3A_1972 = arith.constant 0 : i32
        %sign3A_1973 = arith.cmpi slt, %jit3A_1960, %sign3A_1972 : i32
        %sign3A_1974 = arith.extui %sign3A_1973 : i1 to i32
        %sign3A_1975 = arith.subi %sign3A_1971, %sign3A_1974 : i32
        %ne3A_1976 = arith.cmpi ne, %sign3A_1968, %sign3A_1975 : i32
        %rem3A_1977 = arith.remsi %add3A_1959, %jit3A_1960 : i32
        %ne3A_1978 = arith.constant 0 : i32
        %ne3A_1979 = arith.cmpi ne, %rem3A_1977, %ne3A_1978 : i32
        %and3A_1980 = arith.andi %ne3A_1976, %ne3A_1979 : i1
        %sub3A_1981 = arith.constant 1 : i32
        %sub3A_1982 = arith.subi %div3A_1961, %sub3A_1981 : i32
        %select_n3A_1983 = arith.select %and3A_1980, %sub3A_1982, %div3A_1961 : i32
        %jit3A_1984 = arith.constant 325 : i32
        %eq3A_1985 = arith.constant 0 : i32
        %eq3A_1986 = arith.cmpi eq, %jit3A_1984, %eq3A_1985 : i32
        %jit3A_1987 = arith.constant 1 : i32
        %select_n3A_1988 = arith.select %eq3A_1986, %jit3A_1987, %jit3A_1984 : i32
        %rem3A_1989 = arith.remsi %select_n3A_1983, %select_n3A_1988 : i32
        %ne3A_1990 = arith.constant 0 : i32
        %ne3A_1991 = arith.cmpi ne, %rem3A_1989, %ne3A_1990 : i32
        %lt3A_1992 = arith.constant 0 : i32
        %lt3A_1993 = arith.cmpi slt, %rem3A_1989, %lt3A_1992 : i32
        %lt3A_1994 = arith.constant 0 : i32
        %lt3A_1995 = arith.cmpi slt, %select_n3A_1988, %lt3A_1994 : i32
        %ne3A_1996 = arith.xori %lt3A_1993, %lt3A_1995 : i1
        %and3A_1997 = arith.andi %ne3A_1996, %ne3A_1991 : i1
        %add3A_1998 = arith.addi %rem3A_1989, %select_n3A_1988 : i32
        %select_n3A_1999 = arith.select %and3A_1997, %add3A_1998, %rem3A_1989 : i32
        %mul3A_2000 = arith.constant 64 : i32
        %mul3A_2001 = arith.muli %select_n3A_1999, %mul3A_2000 : i32
        %slice3A_2002 = vector.extract_strided_slice %convert_element_type3A {offsets = [14], sizes = [1], strides = [1]} : vector<16xi32> to vector<1xi32>
        %squeeze3A_2003 = vector.extract %slice3A_2002[0] : i32 from vector<1xi32>
        %mul3A_2004 = arith.constant 32 : i32
        %mul3A_2005 = arith.muli %squeeze3A_2003, %mul3A_2004 : i32
        %slice3A_2006 = vector.extract_strided_slice %convert_element_type3A_44 {offsets = [14], sizes = [1], strides = [1]} : vector<16xi32> to vector<1xi32>
        %squeeze3A_2007 = vector.extract %slice3A_2006[0] : i32 from vector<1xi32>
        %mul3A_2008 = arith.constant 32 : i32
        %mul3A_2009 = arith.muli %squeeze3A_2007, %mul3A_2008 : i32
        %add3A_2010 = arith.constant 0 : i32
        %add3A_2011 = arith.addi %mul3A_2001, %add3A_2010 : i32
        %get3A_2012 = arith.index_cast %add3A_2011 : i32 to index
        %get3A_2013 = tpu.vector_load %arg8[%get3A_2012] {strides = array<i32>} : memref<20800xf32, #tpu.memory_space<vmem>>, vector<16xf32>,
        %add3A_2014 = arith.constant 1 : i32
        %add3A_2015 = arith.addi %mul3A_1956, %add3A_2014 : i32
        %add3A_2016 = arith.constant 0 : i32
        %add3A_2017 = arith.addi %add3A_2015, %add3A_2016 : i32
        %swap3A_2018 = arith.index_cast %add3A_2017 : i32 to index
        %swap3A_2019 = tpu.vector_load %arg11[%swap3A_2018] {strides = array<i32>} : memref<61920xf32, #tpu.memory_space<vmem>>, vector<16xf32>,
        tpu.vector_store %arg11[%swap3A_2018], %get3A_2013 {strides = array<i32>} : memref<61920xf32, #tpu.memory_space<vmem>>, vector<16xf32>,
        %add3A_2020 = arith.constant 16 : i32
        %add3A_2021 = arith.addi %mul3A_2001, %add3A_2020 : i32
        %get3A_2022 = arith.index_cast %add3A_2021 : i32 to index
        %get3A_2023 = tpu.vector_load %arg8[%get3A_2022] {strides = array<i32>} : memref<20800xf32, #tpu.memory_space<vmem>>, vector<16xf32>,
        %add3A_2024 = arith.constant 1 : i32
        %add3A_2025 = arith.addi %mul3A_1956, %add3A_2024 : i32
        %add3A_2026 = arith.constant 16 : i32
        %add3A_2027 = arith.addi %add3A_2025, %add3A_2026 : i32
        %swap3A_2028 = arith.index_cast %add3A_2027 : i32 to index
        %swap3A_2029 = tpu.vector_load %arg11[%swap3A_2028] {strides = array<i32>} : memref<61920xf32, #tpu.memory_space<vmem>>, vector<16xf32>,
        tpu.vector_store %arg11[%swap3A_2028], %get3A_2023 {strides = array<i32>} : memref<61920xf32, #tpu.memory_space<vmem>>, vector<16xf32>,
        %add3A_2030 = arith.constant 32 : i32
        %add3A_2031 = arith.addi %mul3A_2001, %add3A_2030 : i32
        %get3A_2032 = arith.index_cast %add3A_2031 : i32 to index
        %get3A_2033 = tpu.vector_load %arg8[%get3A_2032] {strides = array<i32>} : memref<20800xf32, #tpu.memory_space<vmem>>, vector<16xf32>,
        %add3A_2034 = arith.constant 1 : i32
        %add3A_2035 = arith.addi %mul3A_1956, %add3A_2034 : i32
        %add3A_2036 = arith.constant 32 : i32
        %add3A_2037 = arith.addi %add3A_2035, %add3A_2036 : i32
        %swap3A_2038 = arith.index_cast %add3A_2037 : i32 to index
        %swap3A_2039 = tpu.vector_load %arg11[%swap3A_2038] {strides = array<i32>} : memref<61920xf32, #tpu.memory_space<vmem>>, vector<16xf32>,
        tpu.vector_store %arg11[%swap3A_2038], %get3A_2033 {strides = array<i32>} : memref<61920xf32, #tpu.memory_space<vmem>>, vector<16xf32>,
        %add3A_2040 = arith.constant 48 : i32
        %add3A_2041 = arith.addi %mul3A_2001, %add3A_2040 : i32
        %get3A_2042 = arith.index_cast %add3A_2041 : i32 to index
        %get3A_2043 = tpu.vector_load %arg8[%get3A_2042] {strides = array<i32>} : memref<20800xf32, #tpu.memory_space<vmem>>, vector<16xf32>,
        %add3A_2044 = arith.constant 1 : i32
        %add3A_2045 = arith.addi %mul3A_1956, %add3A_2044 : i32
        %add3A_2046 = arith.constant 48 : i32
        %add3A_2047 = arith.addi %add3A_2045, %add3A_2046 : i32
        %swap3A_2048 = arith.index_cast %add3A_2047 : i32 to index
        %swap3A_2049 = tpu.vector_load %arg11[%swap3A_2048] {strides = array<i32>} : memref<61920xf32, #tpu.memory_space<vmem>>, vector<16xf32>,
        tpu.vector_store %arg11[%swap3A_2048], %get3A_2043 {strides = array<i32>} : memref<61920xf32, #tpu.memory_space<vmem>>, vector<16xf32>,
        %add3A_2050 = arith.constant 0 : i32
        %add3A_2051 = arith.addi %mul3A_2005, %add3A_2050 : i32
        %get3A_2052 = arith.index_cast %add3A_2051 : i32 to index
        %get3A_2053 = tpu.vector_load %arg9[%get3A_2052] {strides = array<i32>} : memref<9216xf32, #tpu.memory_space<vmem>>, vector<16xf32>,
        %add3A_2054 = arith.constant 65 : i32
        %add3A_2055 = arith.addi %mul3A_1956, %add3A_2054 : i32
        %add3A_2056 = arith.constant 0 : i32
        %add3A_2057 = arith.addi %add3A_2055, %add3A_2056 : i32
        %swap3A_2058 = arith.index_cast %add3A_2057 : i32 to index
        %swap3A_2059 = tpu.vector_load %arg11[%swap3A_2058] {strides = array<i32>} : memref<61920xf32, #tpu.memory_space<vmem>>, vector<16xf32>,
        tpu.vector_store %arg11[%swap3A_2058], %get3A_2053 {strides = array<i32>} : memref<61920xf32, #tpu.memory_space<vmem>>, vector<16xf32>,
        %add3A_2060 = arith.constant 16 : i32
        %add3A_2061 = arith.addi %mul3A_2005, %add3A_2060 : i32
        %get3A_2062 = arith.index_cast %add3A_2061 : i32 to index
        %get3A_2063 = tpu.vector_load %arg9[%get3A_2062] {strides = array<i32>} : memref<9216xf32, #tpu.memory_space<vmem>>, vector<16xf32>,
        %add3A_2064 = arith.constant 65 : i32
        %add3A_2065 = arith.addi %mul3A_1956, %add3A_2064 : i32
        %add3A_2066 = arith.constant 16 : i32
        %add3A_2067 = arith.addi %add3A_2065, %add3A_2066 : i32
        %swap3A_2068 = arith.index_cast %add3A_2067 : i32 to index
        %swap3A_2069 = tpu.vector_load %arg11[%swap3A_2068] {strides = array<i32>} : memref<61920xf32, #tpu.memory_space<vmem>>, vector<16xf32>,
        tpu.vector_store %arg11[%swap3A_2068], %get3A_2063 {strides = array<i32>} : memref<61920xf32, #tpu.memory_space<vmem>>, vector<16xf32>,
        %add3A_2070 = arith.constant 0 : i32
        %add3A_2071 = arith.addi %mul3A_2009, %add3A_2070 : i32
        %get3A_2072 = arith.index_cast %add3A_2071 : i32 to index
        %get3A_2073 = tpu.vector_load %arg10[%get3A_2072] {strides = array<i32>} : memref<224xf32, #tpu.memory_space<vmem>>, vector<16xf32>,
        %add3A_2074 = arith.constant 97 : i32
        %add3A_2075 = arith.addi %mul3A_1956, %add3A_2074 : i32
        %add3A_2076 = arith.constant 0 : i32
        %add3A_2077 = arith.addi %add3A_2075, %add3A_2076 : i32
        %swap3A_2078 = arith.index_cast %add3A_2077 : i32 to index
        %swap3A_2079 = tpu.vector_load %arg11[%swap3A_2078] {strides = array<i32>} : memref<61920xf32, #tpu.memory_space<vmem>>, vector<16xf32>,
        tpu.vector_store %arg11[%swap3A_2078], %get3A_2073 {strides = array<i32>} : memref<61920xf32, #tpu.memory_space<vmem>>, vector<16xf32>,
        %add3A_2080 = arith.constant 16 : i32
        %add3A_2081 = arith.addi %mul3A_2009, %add3A_2080 : i32
        %get3A_2082 = arith.index_cast %add3A_2081 : i32 to index
        %get3A_2083 = tpu.vector_load %arg10[%get3A_2082] {strides = array<i32>} : memref<224xf32, #tpu.memory_space<vmem>>, vector<16xf32>,
        %add3A_2084 = arith.constant 97 : i32
        %add3A_2085 = arith.addi %mul3A_1956, %add3A_2084 : i32
        %add3A_2086 = arith.constant 16 : i32
        %add3A_2087 = arith.addi %add3A_2085, %add3A_2086 : i32
        %swap3A_2088 = arith.index_cast %add3A_2087 : i32 to index
        %swap3A_2089 = tpu.vector_load %arg11[%swap3A_2088] {strides = array<i32>} : memref<61920xf32, #tpu.memory_space<vmem>>, vector<16xf32>,
        tpu.vector_store %arg11[%swap3A_2088], %get3A_2083 {strides = array<i32>} : memref<61920xf32, #tpu.memory_space<vmem>>, vector<16xf32>,
        %add3A_2090 = arith.constant 15 : i32
        %add3A_2091 = arith.addi %mul3A_31, %add3A_2090 : i32
        %mul3A_2092 = arith.constant 129 : i32
        %mul3A_2093 = arith.muli %add3A_2091, %mul3A_2092 : i32
        %add3A_2094 = arith.addi %add3A_18, %mul3A_31 : i32
        %add3A_2095 = arith.constant 15 : i32
        %add3A_2096 = arith.addi %add3A_2094, %add3A_2095 : i32
        %jit3A_2097 = arith.constant 12 : i32
        %div3A_2098 = arith.divsi %add3A_2096, %jit3A_2097 : i32
        %sign3A_2099 = arith.constant 0 : i32
        %sign3A_2100 = arith.cmpi sgt, %add3A_2096, %sign3A_2099 : i32
        %sign3A_2101 = arith.extui %sign3A_2100 : i1 to i32
        %sign3A_2102 = arith.constant 0 : i32
        %sign3A_2103 = arith.cmpi slt, %add3A_2096, %sign3A_2102 : i32
        %sign3A_2104 = arith.extui %sign3A_2103 : i1 to i32
        %sign3A_2105 = arith.subi %sign3A_2101, %sign3A_2104 : i32
        %sign3A_2106 = arith.constant 0 : i32
        %sign3A_2107 = arith.cmpi sgt, %jit3A_2097, %sign3A_2106 : i32
        %sign3A_2108 = arith.extui %sign3A_2107 : i1 to i32
        %sign3A_2109 = arith.constant 0 : i32
        %sign3A_2110 = arith.cmpi slt, %jit3A_2097, %sign3A_2109 : i32
        %sign3A_2111 = arith.extui %sign3A_2110 : i1 to i32
        %sign3A_2112 = arith.subi %sign3A_2108, %sign3A_2111 : i32
        %ne3A_2113 = arith.cmpi ne, %sign3A_2105, %sign3A_2112 : i32
        %rem3A_2114 = arith.remsi %add3A_2096, %jit3A_2097 : i32
        %ne3A_2115 = arith.constant 0 : i32
        %ne3A_2116 = arith.cmpi ne, %rem3A_2114, %ne3A_2115 : i32
        %and3A_2117 = arith.andi %ne3A_2113, %ne3A_2116 : i1
        %sub3A_2118 = arith.constant 1 : i32
        %sub3A_2119 = arith.subi %div3A_2098, %sub3A_2118 : i32
        %select_n3A_2120 = arith.select %and3A_2117, %sub3A_2119, %div3A_2098 : i32
        %jit3A_2121 = arith.constant 325 : i32
        %eq3A_2122 = arith.constant 0 : i32
        %eq3A_2123 = arith.cmpi eq, %jit3A_2121, %eq3A_2122 : i32
        %jit3A_2124 = arith.constant 1 : i32
        %select_n3A_2125 = arith.select %eq3A_2123, %jit3A_2124, %jit3A_2121 : i32
        %rem3A_2126 = arith.remsi %select_n3A_2120, %select_n3A_2125 : i32
        %ne3A_2127 = arith.constant 0 : i32
        %ne3A_2128 = arith.cmpi ne, %rem3A_2126, %ne3A_2127 : i32
        %lt3A_2129 = arith.constant 0 : i32
        %lt3A_2130 = arith.cmpi slt, %rem3A_2126, %lt3A_2129 : i32
        %lt3A_2131 = arith.constant 0 : i32
        %lt3A_2132 = arith.cmpi slt, %select_n3A_2125, %lt3A_2131 : i32
        %ne3A_2133 = arith.xori %lt3A_2130, %lt3A_2132 : i1
        %and3A_2134 = arith.andi %ne3A_2133, %ne3A_2128 : i1
        %add3A_2135 = arith.addi %rem3A_2126, %select_n3A_2125 : i32
        %select_n3A_2136 = arith.select %and3A_2134, %add3A_2135, %rem3A_2126 : i32
        %mul3A_2137 = arith.constant 64 : i32
        %mul3A_2138 = arith.muli %select_n3A_2136, %mul3A_2137 : i32
        %slice3A_2139 = vector.extract_strided_slice %convert_element_type3A {offsets = [15], sizes = [1], strides = [1]} : vector<16xi32> to vector<1xi32>
        %squeeze3A_2140 = vector.extract %slice3A_2139[0] : i32 from vector<1xi32>
        %mul3A_2141 = arith.constant 32 : i32
        %mul3A_2142 = arith.muli %squeeze3A_2140, %mul3A_2141 : i32
        %slice3A_2143 = vector.extract_strided_slice %convert_element_type3A_44 {offsets = [15], sizes = [1], strides = [1]} : vector<16xi32> to vector<1xi32>
        %squeeze3A_2144 = vector.extract %slice3A_2143[0] : i32 from vector<1xi32>
        %mul3A_2145 = arith.constant 32 : i32
        %mul3A_2146 = arith.muli %squeeze3A_2144, %mul3A_2145 : i32
        %add3A_2147 = arith.constant 0 : i32
        %add3A_2148 = arith.addi %mul3A_2138, %add3A_2147 : i32
        %get3A_2149 = arith.index_cast %add3A_2148 : i32 to index
        %get3A_2150 = tpu.vector_load %arg8[%get3A_2149] {strides = array<i32>} : memref<20800xf32, #tpu.memory_space<vmem>>, vector<16xf32>,
        %add3A_2151 = arith.constant 1 : i32
        %add3A_2152 = arith.addi %mul3A_2093, %add3A_2151 : i32
        %add3A_2153 = arith.constant 0 : i32
        %add3A_2154 = arith.addi %add3A_2152, %add3A_2153 : i32
        %swap3A_2155 = arith.index_cast %add3A_2154 : i32 to index
        %swap3A_2156 = tpu.vector_load %arg11[%swap3A_2155] {strides = array<i32>} : memref<61920xf32, #tpu.memory_space<vmem>>, vector<16xf32>,
        tpu.vector_store %arg11[%swap3A_2155], %get3A_2150 {strides = array<i32>} : memref<61920xf32, #tpu.memory_space<vmem>>, vector<16xf32>,
        %add3A_2157 = arith.constant 16 : i32
        %add3A_2158 = arith.addi %mul3A_2138, %add3A_2157 : i32
        %get3A_2159 = arith.index_cast %add3A_2158 : i32 to index
        %get3A_2160 = tpu.vector_load %arg8[%get3A_2159] {strides = array<i32>} : memref<20800xf32, #tpu.memory_space<vmem>>, vector<16xf32>,
        %add3A_2161 = arith.constant 1 : i32
        %add3A_2162 = arith.addi %mul3A_2093, %add3A_2161 : i32
        %add3A_2163 = arith.constant 16 : i32
        %add3A_2164 = arith.addi %add3A_2162, %add3A_2163 : i32
        %swap3A_2165 = arith.index_cast %add3A_2164 : i32 to index
        %swap3A_2166 = tpu.vector_load %arg11[%swap3A_2165] {strides = array<i32>} : memref<61920xf32, #tpu.memory_space<vmem>>, vector<16xf32>,
        tpu.vector_store %arg11[%swap3A_2165], %get3A_2160 {strides = array<i32>} : memref<61920xf32, #tpu.memory_space<vmem>>, vector<16xf32>,
        %add3A_2167 = arith.constant 32 : i32
        %add3A_2168 = arith.addi %mul3A_2138, %add3A_2167 : i32
        %get3A_2169 = arith.index_cast %add3A_2168 : i32 to index
        %get3A_2170 = tpu.vector_load %arg8[%get3A_2169] {strides = array<i32>} : memref<20800xf32, #tpu.memory_space<vmem>>, vector<16xf32>,
        %add3A_2171 = arith.constant 1 : i32
        %add3A_2172 = arith.addi %mul3A_2093, %add3A_2171 : i32
        %add3A_2173 = arith.constant 32 : i32
        %add3A_2174 = arith.addi %add3A_2172, %add3A_2173 : i32
        %swap3A_2175 = arith.index_cast %add3A_2174 : i32 to index
        %swap3A_2176 = tpu.vector_load %arg11[%swap3A_2175] {strides = array<i32>} : memref<61920xf32, #tpu.memory_space<vmem>>, vector<16xf32>,
        tpu.vector_store %arg11[%swap3A_2175], %get3A_2170 {strides = array<i32>} : memref<61920xf32, #tpu.memory_space<vmem>>, vector<16xf32>,
        %add3A_2177 = arith.constant 48 : i32
        %add3A_2178 = arith.addi %mul3A_2138, %add3A_2177 : i32
        %get3A_2179 = arith.index_cast %add3A_2178 : i32 to index
        %get3A_2180 = tpu.vector_load %arg8[%get3A_2179] {strides = array<i32>} : memref<20800xf32, #tpu.memory_space<vmem>>, vector<16xf32>,
        %add3A_2181 = arith.constant 1 : i32
        %add3A_2182 = arith.addi %mul3A_2093, %add3A_2181 : i32
        %add3A_2183 = arith.constant 48 : i32
        %add3A_2184 = arith.addi %add3A_2182, %add3A_2183 : i32
        %swap3A_2185 = arith.index_cast %add3A_2184 : i32 to index
        %swap3A_2186 = tpu.vector_load %arg11[%swap3A_2185] {strides = array<i32>} : memref<61920xf32, #tpu.memory_space<vmem>>, vector<16xf32>,
        tpu.vector_store %arg11[%swap3A_2185], %get3A_2180 {strides = array<i32>} : memref<61920xf32, #tpu.memory_space<vmem>>, vector<16xf32>,
        %add3A_2187 = arith.constant 0 : i32
        %add3A_2188 = arith.addi %mul3A_2142, %add3A_2187 : i32
        %get3A_2189 = arith.index_cast %add3A_2188 : i32 to index
        %get3A_2190 = tpu.vector_load %arg9[%get3A_2189] {strides = array<i32>} : memref<9216xf32, #tpu.memory_space<vmem>>, vector<16xf32>,
        %add3A_2191 = arith.constant 65 : i32
        %add3A_2192 = arith.addi %mul3A_2093, %add3A_2191 : i32
        %add3A_2193 = arith.constant 0 : i32
        %add3A_2194 = arith.addi %add3A_2192, %add3A_2193 : i32
        %swap3A_2195 = arith.index_cast %add3A_2194 : i32 to index
        %swap3A_2196 = tpu.vector_load %arg11[%swap3A_2195] {strides = array<i32>} : memref<61920xf32, #tpu.memory_space<vmem>>, vector<16xf32>,
        tpu.vector_store %arg11[%swap3A_2195], %get3A_2190 {strides = array<i32>} : memref<61920xf32, #tpu.memory_space<vmem>>, vector<16xf32>,
        %add3A_2197 = arith.constant 16 : i32
        %add3A_2198 = arith.addi %mul3A_2142, %add3A_2197 : i32
        %get3A_2199 = arith.index_cast %add3A_2198 : i32 to index
        %get3A_2200 = tpu.vector_load %arg9[%get3A_2199] {strides = array<i32>} : memref<9216xf32, #tpu.memory_space<vmem>>, vector<16xf32>,
        %add3A_2201 = arith.constant 65 : i32
        %add3A_2202 = arith.addi %mul3A_2093, %add3A_2201 : i32
        %add3A_2203 = arith.constant 16 : i32
        %add3A_2204 = arith.addi %add3A_2202, %add3A_2203 : i32
        %swap3A_2205 = arith.index_cast %add3A_2204 : i32 to index
        %swap3A_2206 = tpu.vector_load %arg11[%swap3A_2205] {strides = array<i32>} : memref<61920xf32, #tpu.memory_space<vmem>>, vector<16xf32>,
        tpu.vector_store %arg11[%swap3A_2205], %get3A_2200 {strides = array<i32>} : memref<61920xf32, #tpu.memory_space<vmem>>, vector<16xf32>,
        %add3A_2207 = arith.constant 0 : i32
        %add3A_2208 = arith.addi %mul3A_2146, %add3A_2207 : i32
        %get3A_2209 = arith.index_cast %add3A_2208 : i32 to index
        %get3A_2210 = tpu.vector_load %arg10[%get3A_2209] {strides = array<i32>} : memref<224xf32, #tpu.memory_space<vmem>>, vector<16xf32>,
        %add3A_2211 = arith.constant 97 : i32
        %add3A_2212 = arith.addi %mul3A_2093, %add3A_2211 : i32
        %add3A_2213 = arith.constant 0 : i32
        %add3A_2214 = arith.addi %add3A_2212, %add3A_2213 : i32
        %swap3A_2215 = arith.index_cast %add3A_2214 : i32 to index
        %swap3A_2216 = tpu.vector_load %arg11[%swap3A_2215] {strides = array<i32>} : memref<61920xf32, #tpu.memory_space<vmem>>, vector<16xf32>,
        tpu.vector_store %arg11[%swap3A_2215], %get3A_2210 {strides = array<i32>} : memref<61920xf32, #tpu.memory_space<vmem>>, vector<16xf32>,
        %add3A_2217 = arith.constant 16 : i32
        %add3A_2218 = arith.addi %mul3A_2146, %add3A_2217 : i32
        %get3A_2219 = arith.index_cast %add3A_2218 : i32 to index
        %get3A_2220 = tpu.vector_load %arg10[%get3A_2219] {strides = array<i32>} : memref<224xf32, #tpu.memory_space<vmem>>, vector<16xf32>,
        %add3A_2221 = arith.constant 97 : i32
        %add3A_2222 = arith.addi %mul3A_2093, %add3A_2221 : i32
        %add3A_2223 = arith.constant 16 : i32
        %add3A_2224 = arith.addi %add3A_2222, %add3A_2223 : i32
        %swap3A_2225 = arith.index_cast %add3A_2224 : i32 to index
        %swap3A_2226 = tpu.vector_load %arg11[%swap3A_2225] {strides = array<i32>} : memref<61920xf32, #tpu.memory_space<vmem>>, vector<16xf32>,
        tpu.vector_store %arg11[%swap3A_2225], %get3A_2220 {strides = array<i32>} : memref<61920xf32, #tpu.memory_space<vmem>>, vector<16xf32>,
      }
      %scan3A_26 = arith.constant 30 : i32
      %mul3A_27 = arith.constant 129 : i32
      %mul3A_28 = arith.muli %add3A_18, %mul3A_27 : i32
      "tpu.region"() ({
        %run_scoped3A = tpu.sem_alloc : memref<!tpu.dma_semaphore, #tpu.memory_space<semaphore_mem>>
        %dma_start3A = tpu.memref_slice %arg6[%mul3A_28] : memref<32198400xf32, #tpu.memory_space<hbm>> -> memref<61920xf32, #tpu.memory_space<hbm>>
        %dma_start3A_29 = tpu.memref_slice %arg6[%mul3A_28] : memref<32198400xf32, #tpu.memory_space<hbm>> -> memref<61920xf32, #tpu.memory_space<hbm>>
        tpu.enqueue_dma source(%arg11 : memref<61920xf32, #tpu.memory_space<vmem>>) target(%dma_start3A_29 : memref<61920xf32, #tpu.memory_space<hbm>>) target_semaphore(%run_scoped3A : memref<!tpu.dma_semaphore, #tpu.memory_space<semaphore_mem>>)
        %dma_wait3A = tpu.memref_slice %arg6[%mul3A_28] : memref<32198400xf32, #tpu.memory_space<hbm>> -> memref<61920xf32, #tpu.memory_space<hbm>>
        %dma_wait3A_30 = tpu.memref_slice %arg6[%mul3A_28] : memref<32198400xf32, #tpu.memory_space<hbm>> -> memref<61920xf32, #tpu.memory_space<hbm>>
        tpu.wait_dma2 semaphore(%run_scoped3A : memref<!tpu.dma_semaphore, #tpu.memory_space<semaphore_mem>>) src(%arg11 : memref<61920xf32, #tpu.memory_space<vmem>>) dst(%dma_wait3A_30 : memref<61920xf32, #tpu.memory_space<hbm>>)
        tpu.yield
      }) : () -> ()
    }
    %scan3A_13 = arith.constant 17 : i32
    return
  }
}

</mosaic_0001>

<sc_bundles>
// kernel: kernel.3.cloned.1.call-start
scs
__scs_entry_jumppad:
0x0: {  	(pc) =	sbr.rel $0x88, $3  }
0x1: {  	(tag) =	ssettag $0x0;
	lr =	simm.s32 $0x1  }
0x2: {  	[smem:$0x3F9D] =	sst lr;
	_ =	strace $0xD0000000  }
0x3: {  	_ = 	snop  }
0x4: {  	_ = 	snop  }
0x5: {  	_ = 	snop  }
0x6: {  	_ = 	snop  }
0x7: {  	_ = 	snop  }
__scs_overlays_trampoline_lowered:
0x8: {  	[smem:$0x3FAC] =	sst s0  }
0x9: {  	[smem:$0x3FAD] =	sst s1  }
0xa: {  	[smem:$0x3FAE] =	sst s2  }
0xb: {  	[smem:$0x3FAF] =	sst s3  }
0xc: {  	[smem:$0x3FB0] =	sst s4  }
0xd: {  	[smem:$0x3FB1] =	sst s5  }
0xe: {  	[smem:$0x3FB2] =	sst s6  }
0xf: {  	[smem:$0x3FB3] =	sst s7  }
0x10: {  	[smem:$0x3FB4] =	sst s8  }
0x11: {  	[smem:$0x3FB5] =	sst s9;
	s0 =	simm.s32 @!p0 $0x0  }
0x12: {  	s1 =	sld [smem:$0x3F9B];
	s0 =	simm.s32 @p0 $0x1  }
0x13: {  	[smem:$0x3FB6] =	sst s0;
	s0 =	simm.s32 @!p1 $0x0  }
0x14: {  	s2 =	sld [smem:$0x3F9A];
	s0 =	simm.s32 @p1 $0x1  }
0x15: {  	[smem:$0x3FB7] =	sst s0;
	s0 =	simm.s32 @!p2 $0x0  }
0x16: {  	s3 =	sld [smem:$0x3FDB];
	s0 =	simm.s32 @p2 $0x1  }
0x17: {  	s4 =	simm.s32 $0x1BF5;
	[smem:$0x3FB9] =	sst s0  }
0x18: {  	s0 =	sld [smem:$0x3F9C];
	_ =	swait.ge [sflag:s4], $0x0  }
0x19: {  	s7 =	sld [smem:$0x3F9D]  }
0x1a: {  	s8 =	sadd.s32 $0xFFFFE003, lr  }
0x1b: {  	s9 =	sadd.s32 $0xFFFFFEF7, lr;
	s5 =	simm.s32 $0xFFFFFFFF;
	p2 =	slt.u32 s8, $0xFFFFF086  }
0x1c: {  	p1 =	slt.u32 s9, $0xF7A;
	s5 =	simm.s32 @!p2 $0x0  }
0x1d: {  	s5 =	simm.s32 @p1 $0x1;
	p0 =	seq.s32 s7, s2  }
0x1e: {  	s7 =	smul.u32 @!p0 $0xF7A, s2;
	p2 =	seq.s32 @!p0 s5, $0x0  }
0x1f: {  	s9 =	smul.u32 $0xF7A, s1;
	s8 =	simm.s32 @!p0 $0x1BF5;
	p2 =	por !p2, p0  }
0x20: {  	[sflag:s8] =	ssyncset.s32 @!p0 $0xFFFFF086;
	s6 =	sadd.s32 @!p0 s3, s7;
	s7 =	simm.s32 @!p0 $0x108  }
0x21: {  	s3 =	sadd.s32 s3, s9;
	s6 =	sadd.s32 @!p0 $0x88, s6;
	s7 =	simm.s32 @p2 $0x1082  }
0x22: {  	[simem:s7], [sflag:s8] =	dma.local @!p0 [hbm:s6], $0xF7A  }
0x23: {  	s9 =	sor.u32 $0xD0000000, s2;
	s6 =	simm.s32 $0x108;
	_ =	swait.ge @!p0 [sflag:s8], $0x0  }
0x24: {  	s3 =	sadd.s32 $0x88, s3;
	s6 =	simm.s32 @!p1 $0x1082;
	[sflag:s4] =	ssyncset.s32 $0xFFFFF086  }
0x25: {  	[simem:s6], [sflag:s4] =	dma.local [hbm:s3], $0xF7A  }
0x26: {  	[smem:$0x3F9D] =	sst s1;
	(tag) =	ssettag s2;
	_ =	strace s9  }
0x27: {  	s1 =	sld [smem:$0x3FAD]  }
0x28: {  	s2 =	sld [smem:$0x3FAE]  }
0x29: {  	s4 =	sld [smem:$0x3FB0]  }
0x2a: {  	p0 =	seq.s32 s5, $0x0;
	s5 =	sld [smem:$0x3FB1]  }
0x2b: {  	s6 =	sld [smem:$0x3FB2]  }
0x2c: {  	s7 =	sld [smem:$0x3FB3]  }
0x2d: {  	s3 =	simm.s32 $0x108;
	s8 =	sld [smem:$0x3FB4]  }
0x2e: {  	s3 =	simm.s32 @!p0 $0x1082;
	s9 =	sld [smem:$0x3FB5]  }
0x2f: {  	lr =	sadd.s32 s0, s3;
	s0 =	sld [smem:$0x3FAC]  }
0x30: {  	s3 =	sld [smem:$0x3FAF]  }
0x31: {  	[smem:$0x3FB8] =	sst s10  }
0x32: {  	s10 =	sld [smem:$0x3FB6];
	_ =	sdelay $0x3  }
0x33: {  	p0 =	seq.s32 s10, $0x1;
	s10 =	sld [smem:$0x3FB8];
	_ =	sdelay $0x3  }
0x34: {  	[smem:$0x3FB8] =	sst s10  }
0x35: {  	s10 =	sld [smem:$0x3FB7];
	_ =	sdelay $0x3  }
0x36: {  	p1 =	seq.s32 s10, $0x1;
	s10 =	sld [smem:$0x3FB8];
	_ =	sdelay $0x3  }
0x37: {  	[smem:$0x3FB8] =	sst s10  }
0x38: {  	s10 =	sld [smem:$0x3FB9]  }
0x39: {  	_ = 	snop;
	(pc) =	sbr.ind lr, $3  }
0x3a: {  	_ = 	snop  }
0x3b: {  	_ = 	snop  }
0x3c: {  	p2 =	seq.s32 s10, $0x1;
	s10 =	sld [smem:$0x3FB8]  }
0x3d: {  	_ =	shalt  }
0x3e: {  	_ =	shalt  }
0x3f: {  	_ =	shalt  }
0x40: {  	_ =	shalt  }
0x41: {  	_ =	shalt  }
0x42: {  	_ =	shalt  }
0x43: {  	_ =	shalt  }
0x44: {  	_ =	shalt  }
0x45: {  	_ =	shalt  }
0x46: {  	_ =	shalt  }
0x47: {  	_ =	shalt  }
0x48: {  	_ =	shalt  }
0x49: {  	_ =	shalt  }
0x4a: {  	_ =	shalt  }
0x4b: {  	_ =	shalt  }
0x4c: {  	_ =	shalt  }
0x4d: {  	_ =	shalt  }
0x4e: {  	_ =	shalt  }
0x4f: {  	_ =	shalt  }
0x50: {  	_ =	shalt  }
0x51: {  	_ =	shalt  }
0x52: {  	_ =	shalt  }
0x53: {  	_ =	shalt  }
0x54: {  	_ =	shalt  }
0x55: {  	_ =	shalt  }
0x56: {  	_ =	shalt  }
0x57: {  	_ =	shalt  }
0x58: {  	_ =	shalt  }
0x59: {  	_ =	shalt  }
0x5a: {  	_ =	shalt  }
0x5b: {  	_ =	shalt  }
0x5c: {  	_ =	shalt  }
0x5d: {  	_ =	shalt  }
0x5e: {  	_ =	shalt  }
0x5f: {  	_ =	shalt  }
0x60: {  	_ =	shalt  }
0x61: {  	_ =	shalt  }
0x62: {  	_ =	shalt  }
0x63: {  	_ =	shalt  }
0x64: {  	_ =	shalt  }
0x65: {  	_ =	shalt  }
0x66: {  	_ =	shalt  }
0x67: {  	_ =	shalt  }
0x68: {  	_ =	shalt  }
0x69: {  	_ =	shalt  }
0x6a: {  	_ =	shalt  }
0x6b: {  	_ =	shalt  }
0x6c: {  	_ =	shalt  }
0x6d: {  	_ =	shalt  }
0x6e: {  	_ =	shalt  }
0x6f: {  	_ =	shalt  }
0x70: {  	_ =	shalt  }
0x71: {  	_ =	shalt  }
0x72: {  	_ =	shalt  }
0x73: {  	_ =	shalt  }
0x74: {  	_ =	shalt  }
0x75: {  	_ =	shalt  }
0x76: {  	_ =	shalt  }
0x77: {  	_ =	shalt  }
0x78: {  	_ =	shalt  }
0x79: {  	_ =	shalt  }
0x7a: {  	_ =	shalt  }
0x7b: {  	_ =	shalt  }
0x7c: {  	_ =	shalt  }
0x7d: {  	_ =	shalt  }
0x7e: {  	_ =	shalt  }
0x7f: {  	_ =	shalt  }
0x80: {  	_ =	shalt  }
0x81: {  	_ =	shalt  }
0x82: {  	_ =	shalt  }
0x83: {  	_ =	shalt  }
0x84: {  	_ =	shalt  }
0x85: {  	_ =	shalt  }
0x86: {  	_ =	shalt  }
0x87: {  	_ =	shalt  }
.Lfunc_end0:
.L_simem_size_0:
called_computation.1_lowered:
.L_overlay_start_0:
0x88: {  	s2 =	sld [smem:$0x3FD9]  }
0x89: {  	s3 =	sld [smem:$0x3FFE];
	_ =	sdelay $0x1  }
0x8a: {  	s1 =	srdreg.scid  }
0x8b: {  	s0 =	sand.u32 $0x1, s1  }
0x8c: {  	s17 =	sshll.u32 s0, $0xA;
	s2 =	sadd.s32 s3, s2  }
0x8d: {  	s2 =	sadd.s32 s2, s17  }
0x8e: {  	[smem:$0x3FC4] =	sst s2  }
0x8f: {  	_ = 	snop  }
0x90: {  	s2 =	sld [smem:$0x3FD0];
	(tm) =	ssettm $0x1  }
0x91: {  	s18 =	sld [smem:$0x3FFB];
	_ =	sdelay $0x3  }
0x92: {  	_ =	strace s18  }
0x93: {  	s3 =	sld [smem:$0x3FFC];
	_ =	sdelay $0x3  }
0x94: {  	_ =	strace s3  }
0x95: {  	s3 =	sld [smem:$0x3FFD];
	_ =	sdelay $0x3  }
0x96: {  	_ =	strace s3  }
0x97: {  	_ =	strace $0x8FFFFFFF  }
0x98: {  	s19 =	sld [smem:$0x3FDB];
	_ =	sdelay $0x1  }
0x99: {  	s4 =	simm.s32 $_scs_section_size  }
0x9a: {  	s5 =	simm.s32 $_size__tile_overlayer_lowered;
	s6 =	simm.s32 $_tile_overlayer_lowered  }
0x9b: {  	s22 =	simm.s32 $0x1BFF;
	s21 =	sshll.u32 s6, $0x1;
	s3 =	sadd.s32 s4, s19  }
0x9c: {  	s7 =	simm.s32 $0x0;
	s20 =	sshll.u32 s5, $0x1;
	s5 =	sadd.s32 s21, s3  }
0x9d: {  	[timem:s7], [sflag:s22] =	dma.local [hbm:s5], s20  }
0x9e: {  	_ =	swait.ge [sflag:s22], s20  }
0x9f: {  	s4 =	ssub.s32 $0x0, s20;
	[sflag:s22] =	ssyncset.done $0x0  }
0xa0: {  	[sflag:s22] =	ssyncadd.s32 s4;
	_ =	sdelay $0x1  }
0xa1: {  	s23 =	simm.s32 $0x1B8B  }
0xa2: {  	_ =	swait.ge [sflag:s23], $0x1  }
0xa3: {  	[sflag:s23] =	ssyncset.done $0x0  }
0xa4: {  	s25 =	simm.s32 $0x1B8E;
	s24 =	sld [smem:$0x3FFE];
	[sflag:s23] =	ssyncadd.s32 $0xFFFFFFFF  }
0xa5: {  	s26 =	simm.s32 $execute0_lowered;
	[smem:$0x3FD2] =	sst s25  }
0xa6: {  	s5 =	sshll.u32 s26, $0x1;
	_ =	strace $0x80000046;
	[dreg:$0x1] =	wrdreg $0xFFFFFFFF  }
0xa7: {  	s28 =	simm.s32 $_size_execute0_lowered;
	s3 =	sadd.s32 s3, s5;
	[dreg:$0x0] =	wrdreg $0x0  }
0xa8: {  	s5 =	sshll.u32 s28, $0x1;
	[dreg:$0x2] =	wrdreg s3  }
0xa9: {  	[dreg:$0x3] =	wrdreg s5  }
0xaa: {  	[dreg:$0x4] =	wrdreg $0xC0  }
0xab: {  	_ =	task [dreg:s7], $0x5FFFF  }
0xac: {  	[dreg:$0x1] =	wrdreg $0xFFFFFFFF  }
0xad: {  	[dreg:$0x0] =	wrdreg $0x60  }
0xae: {  	[dreg:$0x2] =	wrdreg s24  }
0xaf: {  	[dreg:$0x3] =	wrdreg s2  }
0xb0: {  	[dreg:$0x4] =	wrdreg $0x9  }
0xb1: {  	_ =	task.clear_ibuf [dreg:s7], $0x5FFFF;
	_ =	strace $0x90000046  }
0xb2: {  	s29 =	simm.s32 $0x9;
	_ =	strace $0x80000048  }
0xb3: {  	_ =	swait.ge [sflag:s29], $0x1  }
0xb4: {  	[sflag:s29] =	ssyncadd.s32 $0xFFFFFFFF  }
0xb5: {  	_ =	strace $0x90000048  }
0xb6: {  	_ =	sfence  }
0xb7: {  	s30 =	sld [smem:$0x0];
	_ =	sdelay $0x2  }
0xb8: {  	s31 =	sshll.u32 s1, $0xD;
	s1 =	sshrl.u32 s1, $0x2  }
0xb9: {  	s3 =	sand.u32 $0x4000, s31;
	s1 =	sadd.s32 s1, s30  }
0xba: {  	s0 =	sor.u32 s3, s0;
	s1 =	sshll.u32 s1, $0x11  }
0xbb: {  	s0 =	sor.u32 s1, s0  }
0xbc: {  	s0 =	sadd.s32 $0x8F2B, s0  }
0xbd: {  	[sflag:s0] =	ssyncadd.remote.s32 $0x1  }
0xbe: {  	_ =	sfence.sel $0xFFFF  }
0xbf: {  	[dreg:$0x0] =	wrdreg $0xFFFFFFFF;
	(pc) =	sbr.abs _section_cstart, $3  }
0xc0: {  	[dreg:$0x1] =	wrdreg $0xFFFFFFFF  }
0xc1: {  	_ =	task.clear_ibuf [dreg:s7], $0x2FFFF;
	_ =	strace $0x9FFFFFFF  }
0xc2: {  	(tm) =	ssettm $0x7FFFFFFF  }
0xc3: {  	_ =	shalt  }
tec
execute0_lowered:
.L_overlay_start_1:
0x0: {  	(tag) =	ssettag $0x1  }
0x1: {  	s7 =	rddreg [dreg:$0x0]  }
0x2: {  	s1 =	rddreg [dreg:$0x1]  }
0x3: {  	s0 =	rddreg [dreg:$0x2];
	s2 =	simm.s32 $0x0;
	s6 =	srdreg.scid  }
0x4: {  	s3 =	stileid.u32;
	s14 =	simm.s32 $0x7B80;
	s15 =	simm.s32 $0x7C80  }
0x5: {  	s16 =	simm.s32 $0x0;
	[smem:$0x7FF] =	sst s2;
	s4 =	sadd.s32 $0x515C00, s7  }
0x6: {  	s5 =	sadd.s32 $0x1000, s7;
	s8 =	sand.u32 $0x1, s6;
	s6 =	sadd.s32 $0xA00, s7  }
0x7: {  	s10 =	smul.u32 $0x3CF0, s3;
	s12 =	sshll.u32 s3, $0x1;
	s7 =	sadd.s32 $0x800, s7  }
0x8: {  	v3 =	vlaneseq.u32;
	_ =	strace $0x80000047;
	s9 =	ssub.s32 $0x2, s8;
	s13 =	smul.u32 $0x1E78, s8  }
0x9: {  	v0 =	vmul.u32 $0x3, v3;
	s8 =	sor.u32 s8, s12;
	s12 =	simm.s32 $0x1;
	s11 =	sshrl.u32 s9, $0x1  }
0xa: {  	s8 =	smul.u32 $0x1E78, s8;
	s9 =	ssub.s32 s9, s11;
	s10 =	sadd.s32 s13, s10  }
0xb: {  	v3 =	vmul.u32 $0x81, v3;
	v1 =	vadd.s32 $0x1, v0;
	v2 =	vadd.s32 $0x2, v0;
	s11 =	simm.s32 $0x600;
	s13 =	simm.s32 $0x5780;
	s9 =	smax.u32 s9, $0x1  }
.LBB2_1:
0xc: {  	[tilespmem:s11], [sflag:$0x1] =	stream.linear.gather [hbm4b:s5+s2], $0x5180, $0x38;
	[tilespmem:$0x16E80] =	vst v63  }
0xd: {  	_ =	swait.ge [sflag:s12], $0x5180  }
0xe: {  	[sflag:s12] =	ssyncset.done $0x0  }
0xf: {  	[sflag:s12] =	ssyncadd.s32 $0xFFFFAE80  }
0x10: {  	[tilespmem:s13], [sflag:$0x1] =	stream.linear.gather [hbm4b:s6+s2], $0x2400, $0x38;
	[tilespmem:$0x16E80] =	vst v63  }
0x11: {  	_ =	swait.ge [sflag:s12], $0x2400  }
0x12: {  	[sflag:s12] =	ssyncset.done $0x0  }
0x13: {  	[sflag:s12] =	ssyncadd.s32 $0xFFFFDC00  }
0x14: {  	[tilespmem:s14], [sflag:$0x1] =	stream.linear.gather [hbm4b:s7+s2], $0x100, $0x38;
	[tilespmem:$0x16E80] =	vst v63  }
0x15: {  	_ =	swait.ge [sflag:s12], $0x100  }
0x16: {  	[sflag:s12] =	ssyncset.done $0x0  }
0x17: {  	s17 =	simm.s32 $0x0;
	s18 =	simm.s32 $0x0;
	[sflag:s12] =	ssyncadd.s32 $0xFFFFFF00  }
.LBB2_2:
0x18: {  	s19 =	smul.u32 $0x1E0, s18;
	_ =	sdelay $0x1  }
0x19: {  	s19 =	smin.u32 s19, $0x1C98  }
0x1a: {  	s19 =	sadd.s32 s8, s19  }
0x1b: {  	s20 =	smul.u32 $0x3, s19  }
0x1c: {  	s21 =	smin.u32 s17, $0x1C98  }
0x1d: {  	s21 =	sadd.s32 s21, s10;
	s20 =	sshrl.u32 s20, $0x3  }
0x1e: {  	[dreg:$0x3] =	wrdreg s21;
	s31 =	sadd.s32 s4, s20;
	s20 =	simm.s32 $0x0  }
0x1f: {  	[tilespmem:s20], [sflag:$0x1] =	stream.linear.gather [hbm4b:s31+s20], $0x5A0, $0x38;
	[tilespmem:$0x16E80] =	vst v63  }
0x20: {  	_ =	swait.ge [sflag:s12], $0x5A0  }
0x21: {  	s22 =	simm.s32 $0x0;
	[sflag:s12] =	ssyncset.done $0x0  }
0x22: {  	s23 =	simm.s32 $0x0;
	s21 =	simm.s32 $0x8078;
	[sflag:s12] =	ssyncadd.s32 $0xFFFFFA60  }
.LBB2_3:
0x23: {  	s24 =	rddreg [dreg:$0x3];
	v4 =	vadd.s32 s20, v0  }
0x24: {  	s24 =	sadd.s32 s23, s24  }
0x25: {  	s25 =	smulhi.u32 $0xAAAAAAAB, s24;
	_ =	sdelay $0x1  }
0x26: {  	v5 =	vadd.s32 s20, v1;
	s25 =	sshrl.u32 s25, $0x3  }
0x27: {  	v6 =	vadd.s32 s20, v2;
	v7 =	vadd.s32 s22, v3;
	v4 =	vld.idx.msk [tilespmem:v4+s2+$0x0], $0xffff;
	s26 =	smulhi.u32 $0xC9A634, s25;
	_ =	sdelay $0x1  }
0x28: {  	s26 =	smul.u32 $0x145, s26;
	_ =	sdelay $0x1  }
0x29: {  	v5 =	vld.idx.msk [tilespmem:v5+s2+$0x0], $0xffff;
	s25 =	ssub.s32 s25, s26  }
0x2a: {  	v6 =	vld.idx.msk [tilespmem:v6+s2+$0x0], $0xffff;
	[tilespmem:v7+s15+$0x0] =	vst.idx.msk $0xffff, v4;
	s25 =	sshll.u32 s25, $0x6  }
0x2b: {  	v4 =	vld [tilespmem:s25+$0x600];
	_ =	sdelay $0x2  }
0x2c: {  	v5 =	vtrunc.f32 v5  }
0x2d: {  	v5 =	vcvt.f32.s32 v5  }
0x2e: {  	[tilespmem:s21+$0xFFFFFC09] =	vst v4  }
0x2f: {  	v4 =	vshll.u32 v5, $0x7;
	v7 =	vld [tilespmem:s25+$0x610]  }
0x30: {  	v4 =	vshra.s32 v4, $0x2  }
0x31: {  	(v2sf) =	vpush v4, $0x0;
	_ =	sdelay $0x2  }
0x32: {  	[tilespmem:s21+$0xFFFFFC19] =	vst v7  }
0x33: {  	v5 =	vld [tilespmem:s25+$0x620];
	_ =	sdelay $0x2  }
0x34: {  	v6 =	vtrunc.f32 v6  }
0x35: {  	v6 =	vcvt.f32.s32 v6  }
0x36: {  	[tilespmem:s21+$0xFFFFFC29] =	vst v5  }
0x37: {  	v5 =	vshll.u32 v6, $0x7;
	v7 =	vld [tilespmem:s25+$0x630]  }
0x38: {  	v5 =	vshra.s32 v5, $0x2  }
0x39: {  	(v2sf) =	vpush v5, $0x0;
	_ =	sdelay $0x2  }
0x3a: {  	s28 =	spop (v2sf);
	[tilespmem:s21+$0xFFFFFC39] =	vst v7  }
0x3b: {  	v63 =	vld [tilespmem:s28+$0x5780];
	_ =	sdelay $0x4  }
0x3c: {  	[tilespmem:s21+$0xFFFFFC49] =	vst v63  }
0x3d: {  	v6 =	vld [tilespmem:s28+$0x5790];
	_ =	sdelay $0x4  }
0x3e: {  	s29 =	spop (v2sf);
	[tilespmem:s21+$0xFFFFFC59] =	vst v6  }
0x3f: {  	v6 =	vld [tilespmem:s29+$0x7B80];
	_ =	sdelay $0x4  }
0x40: {  	[tilespmem:s21+$0xFFFFFC69] =	vst v6  }
0x41: {  	v6 =	vld [tilespmem:s29+$0x7B90];
	_ =	sdelay $0x4  }
0x42: {  	[tilespmem:s21+$0xFFFFFC79] =	vst v6  }
0x43: {  	v6 =	vld [tilespmem:s25+$0x600];
	_ =	sdelay $0x4  }
0x44: {  	[tilespmem:s21+$0xFFFFFC8A] =	vst v6  }
0x45: {  	v6 =	vld [tilespmem:s25+$0x610];
	_ =	sdelay $0x1  }
0x46: {  	(v2sf) =	vpush v4, $0x1;
	_ =	sdelay $0x2  }
0x47: {  	[tilespmem:s21+$0xFFFFFC9A] =	vst v6  }
0x48: {  	v6 =	vld [tilespmem:s25+$0x620];
	_ =	sdelay $0x4  }
0x49: {  	[tilespmem:s21+$0xFFFFFCAA] =	vst v6  }
0x4a: {  	v6 =	vld [tilespmem:s25+$0x630];
	_ =	sdelay $0x1  }
0x4b: {  	(v2sf) =	vpush v5, $0x1;
	_ =	sdelay $0x2  }
0x4c: {  	s30 =	spop (v2sf);
	[tilespmem:s21+$0xFFFFFCBA] =	vst v6  }
0x4d: {  	v6 =	vld [tilespmem:s30+$0x5780];
	_ =	sdelay $0x4  }
0x4e: {  	[tilespmem:s21+$0xFFFFFCCA] =	vst v6  }
0x4f: {  	v6 =	vld [tilespmem:s30+$0x5790];
	_ =	sdelay $0x4  }
0x50: {  	s31 =	spop (v2sf);
	[tilespmem:s21+$0xFFFFFCDA] =	vst v6  }
0x51: {  	v6 =	vld [tilespmem:s31+$0x7B80];
	_ =	sdelay $0x4  }
0x52: {  	[tilespmem:s21+$0xFFFFFCEA] =	vst v6  }
0x53: {  	v6 =	vld [tilespmem:s31+$0x7B90];
	_ =	sdelay $0x4  }
0x54: {  	[tilespmem:s21+$0xFFFFFCFA] =	vst v6  }
0x55: {  	v6 =	vld [tilespmem:s25+$0x600];
	_ =	sdelay $0x4  }
0x56: {  	[tilespmem:s21+$0xFFFFFD0B] =	vst v6  }
0x57: {  	v6 =	vld [tilespmem:s25+$0x610];
	_ =	sdelay $0x1  }
0x58: {  	(v2sf) =	vpush v4, $0x2;
	_ =	sdelay $0x2  }
0x59: {  	[tilespmem:s21+$0xFFFFFD1B] =	vst v6  }
0x5a: {  	v6 =	vld [tilespmem:s25+$0x620];
	_ =	sdelay $0x4  }
0x5b: {  	[tilespmem:s21+$0xFFFFFD2B] =	vst v6  }
0x5c: {  	v6 =	vld [tilespmem:s25+$0x630];
	_ =	sdelay $0x1  }
0x5d: {  	(v2sf) =	vpush v5, $0x2;
	_ =	sdelay $0x2  }
0x5e: {  	s28 =	spop (v2sf);
	[tilespmem:s21+$0xFFFFFD3B] =	vst v6  }
0x5f: {  	v6 =	vld [tilespmem:s28+$0x5780];
	_ =	sdelay $0x4  }
0x60: {  	[tilespmem:s21+$0xFFFFFD4B] =	vst v6  }
0x61: {  	v6 =	vld [tilespmem:s28+$0x5790];
	_ =	sdelay $0x4  }
0x62: {  	s29 =	spop (v2sf);
	[tilespmem:s21+$0xFFFFFD5B] =	vst v6  }
0x63: {  	v6 =	vld [tilespmem:s29+$0x7B80];
	_ =	sdelay $0x4  }
0x64: {  	[tilespmem:s21+$0xFFFFFD6B] =	vst v6  }
0x65: {  	v6 =	vld [tilespmem:s29+$0x7B90];
	_ =	sdelay $0x4  }
0x66: {  	[tilespmem:s21+$0xFFFFFD7B] =	vst v6  }
0x67: {  	v6 =	vld [tilespmem:s25+$0x600];
	_ =	sdelay $0x4  }
0x68: {  	[tilespmem:s21+$0xFFFFFD8C] =	vst v6  }
0x69: {  	v6 =	vld [tilespmem:s25+$0x610];
	_ =	sdelay $0x1  }
0x6a: {  	(v2sf) =	vpush v4, $0x3;
	_ =	sdelay $0x2  }
0x6b: {  	[tilespmem:s21+$0xFFFFFD9C] =	vst v6  }
0x6c: {  	v6 =	vld [tilespmem:s25+$0x620];
	_ =	sdelay $0x4  }
0x6d: {  	[tilespmem:s21+$0xFFFFFDAC] =	vst v6  }
0x6e: {  	v6 =	vld [tilespmem:s25+$0x630];
	_ =	sdelay $0x1  }
0x6f: {  	(v2sf) =	vpush v5, $0x3;
	_ =	sdelay $0x2  }
0x70: {  	s30 =	spop (v2sf);
	[tilespmem:s21+$0xFFFFFDBC] =	vst v6  }
0x71: {  	v6 =	vld [tilespmem:s30+$0x5780];
	_ =	sdelay $0x4  }
0x72: {  	[tilespmem:s21+$0xFFFFFDCC] =	vst v6  }
0x73: {  	v6 =	vld [tilespmem:s30+$0x5790];
	_ =	sdelay $0x4  }
0x74: {  	s31 =	spop (v2sf);
	[tilespmem:s21+$0xFFFFFDDC] =	vst v6  }
0x75: {  	v6 =	vld [tilespmem:s31+$0x7B80];
	_ =	sdelay $0x1  }
0x76: {  	s28 =	sadd.s32 $0x4, s24  }
0x77: {  	s26 =	smulhi.u32 $0xAAAAAAAB, s28;
	_ =	sdelay $0x1  }
0x78: {  	s26 =	sshrl.u32 s26, $0x3;
	[tilespmem:s21+$0xFFFFFDEC] =	vst v6  }
0x79: {  	s29 =	smulhi.u32 $0xC9A634, s26;
	v6 =	vld [tilespmem:s31+$0x7B90];
	_ =	sdelay $0x1  }
0x7a: {  	s25 =	smul.u32 $0x145, s29;
	_ =	sdelay $0x1  }
0x7b: {  	s25 =	ssub.s32 s26, s25  }
0x7c: {  	s25 =	sshll.u32 s25, $0x6;
	[tilespmem:s21+$0xFFFFFDFC] =	vst v6  }
0x7d: {  	v6 =	vld [tilespmem:s25+$0x600];
	_ =	sdelay $0x4  }
0x7e: {  	[tilespmem:s21+$0xFFFFFE0D] =	vst v6  }
0x7f: {  	v6 =	vld [tilespmem:s25+$0x610];
	_ =	sdelay $0x1  }
0x80: {  	(v2sf) =	vpush v4, $0x4;
	_ =	sdelay $0x2  }
0x81: {  	[tilespmem:s21+$0xFFFFFE1D] =	vst v6  }
0x82: {  	v6 =	vld [tilespmem:s25+$0x620];
	_ =	sdelay $0x4  }
0x83: {  	[tilespmem:s21+$0xFFFFFE2D] =	vst v6  }
0x84: {  	v6 =	vld [tilespmem:s25+$0x630];
	_ =	sdelay $0x1  }
0x85: {  	(v2sf) =	vpush v5, $0x4;
	_ =	sdelay $0x2  }
0x86: {  	s30 =	spop (v2sf);
	[tilespmem:s21+$0xFFFFFE3D] =	vst v6  }
0x87: {  	v6 =	vld [tilespmem:s30+$0x5780];
	_ =	sdelay $0x4  }
0x88: {  	[tilespmem:s21+$0xFFFFFE4D] =	vst v6  }
0x89: {  	v6 =	vld [tilespmem:s30+$0x5790];
	_ =	sdelay $0x4  }
0x8a: {  	s31 =	spop (v2sf);
	[tilespmem:s21+$0xFFFFFE5D] =	vst v6  }
0x8b: {  	v6 =	vld [tilespmem:s31+$0x7B80];
	_ =	sdelay $0x4  }
0x8c: {  	[tilespmem:s21+$0xFFFFFE6D] =	vst v6  }
0x8d: {  	v6 =	vld [tilespmem:s31+$0x7B90];
	_ =	sdelay $0x4  }
0x8e: {  	[tilespmem:s21+$0xFFFFFE7D] =	vst v6  }
0x8f: {  	v6 =	vld [tilespmem:s25+$0x600];
	_ =	sdelay $0x4  }
0x90: {  	[tilespmem:s21+$0xFFFFFE8E] =	vst v6  }
0x91: {  	v6 =	vld [tilespmem:s25+$0x610];
	_ =	sdelay $0x1  }
0x92: {  	(v2sf) =	vpush v4, $0x5;
	_ =	sdelay $0x2  }
0x93: {  	[tilespmem:s21+$0xFFFFFE9E] =	vst v6  }
0x94: {  	v6 =	vld [tilespmem:s25+$0x620];
	_ =	sdelay $0x4  }
0x95: {  	[tilespmem:s21+$0xFFFFFEAE] =	vst v6  }
0x96: {  	v6 =	vld [tilespmem:s25+$0x630];
	_ =	sdelay $0x1  }
0x97: {  	(v2sf) =	vpush v5, $0x5;
	_ =	sdelay $0x2  }
0x98: {  	s28 =	spop (v2sf);
	[tilespmem:s21+$0xFFFFFEBE] =	vst v6  }
0x99: {  	v6 =	vld [tilespmem:s28+$0x5780];
	_ =	sdelay $0x4  }
0x9a: {  	[tilespmem:s21+$0xFFFFFECE] =	vst v6  }
0x9b: {  	v6 =	vld [tilespmem:s28+$0x5790];
	_ =	sdelay $0x4  }
0x9c: {  	s29 =	spop (v2sf);
	[tilespmem:s21+$0xFFFFFEDE] =	vst v6  }
0x9d: {  	v6 =	vld [tilespmem:s29+$0x7B80];
	_ =	sdelay $0x4  }
0x9e: {  	[tilespmem:s21+$0xFFFFFEEE] =	vst v6  }
0x9f: {  	v6 =	vld [tilespmem:s29+$0x7B90];
	_ =	sdelay $0x4  }
0xa0: {  	[tilespmem:s21+$0xFFFFFEFE] =	vst v6  }
0xa1: {  	v6 =	vld [tilespmem:s25+$0x600];
	_ =	sdelay $0x4  }
0xa2: {  	[tilespmem:s21+$0xFFFFFF0F] =	vst v6  }
0xa3: {  	v6 =	vld [tilespmem:s25+$0x610];
	_ =	sdelay $0x1  }
0xa4: {  	(v2sf) =	vpush v4, $0x6;
	_ =	sdelay $0x2  }
0xa5: {  	[tilespmem:s21+$0xFFFFFF1F] =	vst v6  }
0xa6: {  	v6 =	vld [tilespmem:s25+$0x620];
	_ =	sdelay $0x4  }
0xa7: {  	[tilespmem:s21+$0xFFFFFF2F] =	vst v6  }
0xa8: {  	v6 =	vld [tilespmem:s25+$0x630];
	_ =	sdelay $0x1  }
0xa9: {  	(v2sf) =	vpush v5, $0x6;
	_ =	sdelay $0x2  }
0xaa: {  	s30 =	spop (v2sf);
	[tilespmem:s21+$0xFFFFFF3F] =	vst v6  }
0xab: {  	v6 =	vld [tilespmem:s30+$0x5780];
	_ =	sdelay $0x4  }
0xac: {  	[tilespmem:s21+$0xFFFFFF4F] =	vst v6  }
0xad: {  	v6 =	vld [tilespmem:s30+$0x5790];
	_ =	sdelay $0x4  }
0xae: {  	s31 =	spop (v2sf);
	[tilespmem:s21+$0xFFFFFF5F] =	vst v6  }
0xaf: {  	v6 =	vld [tilespmem:s31+$0x7B80];
	_ =	sdelay $0x4  }
0xb0: {  	[tilespmem:s21+$0xFFFFFF6F] =	vst v6  }
0xb1: {  	v6 =	vld [tilespmem:s31+$0x7B90];
	_ =	sdelay $0x4  }
0xb2: {  	[tilespmem:s21+$0xFFFFFF7F] =	vst v6  }
0xb3: {  	v6 =	vld [tilespmem:s25+$0x600];
	_ =	sdelay $0x4  }
0xb4: {  	[tilespmem:s21+$0xFFFFFF90] =	vst v6  }
0xb5: {  	v6 =	vld [tilespmem:s25+$0x610];
	_ =	sdelay $0x1  }
0xb6: {  	(v2sf) =	vpush v4, $0x7;
	_ =	sdelay $0x2  }
0xb7: {  	[tilespmem:s21+$0xFFFFFFA0] =	vst v6  }
0xb8: {  	v6 =	vld [tilespmem:s25+$0x620];
	_ =	sdelay $0x4  }
0xb9: {  	[tilespmem:s21+$0xFFFFFFB0] =	vst v6  }
0xba: {  	v6 =	vld [tilespmem:s25+$0x630];
	_ =	sdelay $0x1  }
0xbb: {  	(v2sf) =	vpush v5, $0x7;
	_ =	sdelay $0x2  }
0xbc: {  	s28 =	spop (v2sf);
	[tilespmem:s21+$0xFFFFFFC0] =	vst v6  }
0xbd: {  	v6 =	vld [tilespmem:s28+$0x5780];
	_ =	sdelay $0x4  }
0xbe: {  	[tilespmem:s21+$0xFFFFFFD0] =	vst v6  }
0xbf: {  	v6 =	vld [tilespmem:s28+$0x5790];
	_ =	sdelay $0x4  }
0xc0: {  	s29 =	spop (v2sf);
	[tilespmem:s21+$0xFFFFFFE0] =	vst v6  }
0xc1: {  	v6 =	vld [tilespmem:s29+$0x7B80];
	_ =	sdelay $0x1  }
0xc2: {  	s30 =	sadd.s32 $0x8, s24  }
0xc3: {  	s26 =	smulhi.u32 $0xAAAAAAAB, s30;
	_ =	sdelay $0x1  }
0xc4: {  	s26 =	sshrl.u32 s26, $0x3;
	[tilespmem:s21+$0xFFFFFFF0] =	vst v6  }
0xc5: {  	s31 =	smulhi.u32 $0xC9A634, s26;
	v6 =	vld [tilespmem:s29+$0x7B90];
	_ =	sdelay $0x1  }
0xc6: {  	s25 =	smul.u32 $0x145, s31;
	_ =	sdelay $0x1  }
0xc7: {  	s25 =	ssub.s32 s26, s25  }
0xc8: {  	s25 =	sshll.u32 s25, $0x6;
	[tilespmem:s21+$0x0] =	vst v6  }
0xc9: {  	v6 =	vld [tilespmem:s25+$0x600];
	_ =	sdelay $0x4  }
0xca: {  	[tilespmem:s21+$0x11] =	vst v6  }
0xcb: {  	v6 =	vld [tilespmem:s25+$0x610];
	_ =	sdelay $0x1  }
0xcc: {  	(v2sf) =	vpush v4, $0x8;
	_ =	sdelay $0x2  }
0xcd: {  	[tilespmem:s21+$0x21] =	vst v6  }
0xce: {  	v6 =	vld [tilespmem:s25+$0x620];
	_ =	sdelay $0x4  }
0xcf: {  	[tilespmem:s21+$0x31] =	vst v6  }
0xd0: {  	v6 =	vld [tilespmem:s25+$0x630];
	_ =	sdelay $0x1  }
0xd1: {  	(v2sf) =	vpush v5, $0x8;
	_ =	sdelay $0x2  }
0xd2: {  	s28 =	spop (v2sf);
	[tilespmem:s21+$0x41] =	vst v6  }
0xd3: {  	v6 =	vld [tilespmem:s28+$0x5780];
	_ =	sdelay $0x4  }
0xd4: {  	[tilespmem:s21+$0x51] =	vst v6  }
0xd5: {  	v6 =	vld [tilespmem:s28+$0x5790];
	_ =	sdelay $0x4  }
0xd6: {  	s29 =	spop (v2sf);
	[tilespmem:s21+$0x61] =	vst v6  }
0xd7: {  	v6 =	vld [tilespmem:s29+$0x7B80];
	_ =	sdelay $0x4  }
0xd8: {  	[tilespmem:s21+$0x71] =	vst v6  }
0xd9: {  	v6 =	vld [tilespmem:s29+$0x7B90];
	_ =	sdelay $0x4  }
0xda: {  	[tilespmem:s21+$0x81] =	vst v6  }
0xdb: {  	v6 =	vld [tilespmem:s25+$0x600];
	_ =	sdelay $0x4  }
0xdc: {  	[tilespmem:s21+$0x92] =	vst v6  }
0xdd: {  	v6 =	vld [tilespmem:s25+$0x610];
	_ =	sdelay $0x1  }
0xde: {  	(v2sf) =	vpush v4, $0x9;
	_ =	sdelay $0x2  }
0xdf: {  	[tilespmem:s21+$0xA2] =	vst v6  }
0xe0: {  	v6 =	vld [tilespmem:s25+$0x620];
	_ =	sdelay $0x4  }
0xe1: {  	[tilespmem:s21+$0xB2] =	vst v6  }
0xe2: {  	v6 =	vld [tilespmem:s25+$0x630];
	_ =	sdelay $0x1  }
0xe3: {  	(v2sf) =	vpush v5, $0x9;
	_ =	sdelay $0x2  }
0xe4: {  	s30 =	spop (v2sf);
	[tilespmem:s21+$0xC2] =	vst v6  }
0xe5: {  	v6 =	vld [tilespmem:s30+$0x5780];
	_ =	sdelay $0x4  }
0xe6: {  	[tilespmem:s21+$0xD2] =	vst v6  }
0xe7: {  	v6 =	vld [tilespmem:s30+$0x5790];
	_ =	sdelay $0x4  }
0xe8: {  	s31 =	spop (v2sf);
	[tilespmem:s21+$0xE2] =	vst v6  }
0xe9: {  	v6 =	vld [tilespmem:s31+$0x7B80];
	_ =	sdelay $0x4  }
0xea: {  	[tilespmem:s21+$0xF2] =	vst v6  }
0xeb: {  	v6 =	vld [tilespmem:s31+$0x7B90];
	_ =	sdelay $0x4  }
0xec: {  	[tilespmem:s21+$0x102] =	vst v6  }
0xed: {  	v6 =	vld [tilespmem:s25+$0x600];
	_ =	sdelay $0x4  }
0xee: {  	[tilespmem:s21+$0x113] =	vst v6  }
0xef: {  	v6 =	vld [tilespmem:s25+$0x610];
	_ =	sdelay $0x1  }
0xf0: {  	(v2sf) =	vpush v4, $0xA;
	_ =	sdelay $0x2  }
0xf1: {  	[tilespmem:s21+$0x123] =	vst v6  }
0xf2: {  	v6 =	vld [tilespmem:s25+$0x620];
	_ =	sdelay $0x4  }
0xf3: {  	[tilespmem:s21+$0x133] =	vst v6  }
0xf4: {  	v6 =	vld [tilespmem:s25+$0x630];
	_ =	sdelay $0x1  }
0xf5: {  	(v2sf) =	vpush v5, $0xA;
	_ =	sdelay $0x2  }
0xf6: {  	s28 =	spop (v2sf);
	[tilespmem:s21+$0x143] =	vst v6  }
0xf7: {  	v6 =	vld [tilespmem:s28+$0x5780];
	_ =	sdelay $0x4  }
0xf8: {  	[tilespmem:s21+$0x153] =	vst v6  }
0xf9: {  	v6 =	vld [tilespmem:s28+$0x5790];
	_ =	sdelay $0x4  }
0xfa: {  	s29 =	spop (v2sf);
	[tilespmem:s21+$0x163] =	vst v6  }
0xfb: {  	v6 =	vld [tilespmem:s29+$0x7B80];
	_ =	sdelay $0x4  }
0xfc: {  	[tilespmem:s21+$0x173] =	vst v6  }
0xfd: {  	v6 =	vld [tilespmem:s29+$0x7B90];
	_ =	sdelay $0x4  }
0xfe: {  	[tilespmem:s21+$0x183] =	vst v6  }
0xff: {  	v6 =	vld [tilespmem:s25+$0x600];
	_ =	sdelay $0x4  }
0x100: {  	[tilespmem:s21+$0x194] =	vst v6  }
0x101: {  	v6 =	vld [tilespmem:s25+$0x610];
	_ =	sdelay $0x1  }
0x102: {  	(v2sf) =	vpush v4, $0xB;
	_ =	sdelay $0x2  }
0x103: {  	[tilespmem:s21+$0x1A4] =	vst v6  }
0x104: {  	v6 =	vld [tilespmem:s25+$0x620];
	_ =	sdelay $0x4  }
0x105: {  	[tilespmem:s21+$0x1B4] =	vst v6  }
0x106: {  	v6 =	vld [tilespmem:s25+$0x630];
	_ =	sdelay $0x1  }
0x107: {  	(v2sf) =	vpush v5, $0xB;
	_ =	sdelay $0x2  }
0x108: {  	s30 =	spop (v2sf);
	[tilespmem:s21+$0x1C4] =	vst v6  }
0x109: {  	v6 =	vld [tilespmem:s30+$0x5780];
	_ =	sdelay $0x4  }
0x10a: {  	[tilespmem:s21+$0x1D4] =	vst v6  }
0x10b: {  	v6 =	vld [tilespmem:s30+$0x5790];
	_ =	sdelay $0x4  }
0x10c: {  	s31 =	spop (v2sf);
	[tilespmem:s21+$0x1E4] =	vst v6  }
0x10d: {  	v6 =	vld [tilespmem:s31+$0x7B80];
	_ =	sdelay $0x1  }
0x10e: {  	s24 =	sadd.s32 $0xC, s24  }
0x10f: {  	s24 =	smulhi.u32 $0xAAAAAAAB, s24;
	_ =	sdelay $0x1  }
0x110: {  	s24 =	sshrl.u32 s24, $0x3;
	[tilespmem:s21+$0x1F4] =	vst v6  }
0x111: {  	s26 =	smulhi.u32 $0xC9A634, s24;
	v6 =	vld [tilespmem:s31+$0x7B90];
	_ =	sdelay $0x1  }
0x112: {  	s25 =	smul.u32 $0x145, s26;
	_ =	sdelay $0x1  }
0x113: {  	s24 =	ssub.s32 s24, s25  }
0x114: {  	s24 =	sshll.u32 s24, $0x6;
	[tilespmem:s21+$0x204] =	vst v6  }
0x115: {  	v6 =	vld [tilespmem:s24+$0x600];
	_ =	sdelay $0x4  }
0x116: {  	[tilespmem:s21+$0x215] =	vst v6  }
0x117: {  	v6 =	vld [tilespmem:s24+$0x610];
	_ =	sdelay $0x1  }
0x118: {  	(v2sf) =	vpush v4, $0xC;
	_ =	sdelay $0x2  }
0x119: {  	[tilespmem:s21+$0x225] =	vst v6  }
0x11a: {  	v6 =	vld [tilespmem:s24+$0x620];
	_ =	sdelay $0x4  }
0x11b: {  	[tilespmem:s21+$0x235] =	vst v6  }
0x11c: {  	v6 =	vld [tilespmem:s24+$0x630];
	_ =	sdelay $0x1  }
0x11d: {  	(v2sf) =	vpush v5, $0xC;
	_ =	sdelay $0x2  }
0x11e: {  	s28 =	spop (v2sf);
	[tilespmem:s21+$0x245] =	vst v6  }
0x11f: {  	v6 =	vld [tilespmem:s28+$0x5780];
	_ =	sdelay $0x4  }
0x120: {  	[tilespmem:s21+$0x255] =	vst v6  }
0x121: {  	v6 =	vld [tilespmem:s28+$0x5790];
	_ =	sdelay $0x4  }
0x122: {  	s29 =	spop (v2sf);
	[tilespmem:s21+$0x265] =	vst v6  }
0x123: {  	v6 =	vld [tilespmem:s29+$0x7B80];
	_ =	sdelay $0x4  }
0x124: {  	[tilespmem:s21+$0x275] =	vst v6  }
0x125: {  	v6 =	vld [tilespmem:s29+$0x7B90];
	_ =	sdelay $0x4  }
0x126: {  	[tilespmem:s21+$0x285] =	vst v6  }
0x127: {  	v6 =	vld [tilespmem:s24+$0x600];
	_ =	sdelay $0x4  }
0x128: {  	[tilespmem:s21+$0x296] =	vst v6  }
0x129: {  	v6 =	vld [tilespmem:s24+$0x610];
	_ =	sdelay $0x1  }
0x12a: {  	(v2sf) =	vpush v4, $0xD;
	_ =	sdelay $0x2  }
0x12b: {  	[tilespmem:s21+$0x2A6] =	vst v6  }
0x12c: {  	v6 =	vld [tilespmem:s24+$0x620];
	_ =	sdelay $0x4  }
0x12d: {  	[tilespmem:s21+$0x2B6] =	vst v6  }
0x12e: {  	v6 =	vld [tilespmem:s24+$0x630];
	_ =	sdelay $0x1  }
0x12f: {  	(v2sf) =	vpush v5, $0xD;
	_ =	sdelay $0x2  }
0x130: {  	s30 =	spop (v2sf);
	[tilespmem:s21+$0x2C6] =	vst v6  }
0x131: {  	v6 =	vld [tilespmem:s30+$0x5780];
	_ =	sdelay $0x4  }
0x132: {  	[tilespmem:s21+$0x2D6] =	vst v6  }
0x133: {  	v6 =	vld [tilespmem:s30+$0x5790];
	_ =	sdelay $0x4  }
0x134: {  	s31 =	spop (v2sf);
	[tilespmem:s21+$0x2E6] =	vst v6  }
0x135: {  	v6 =	vld [tilespmem:s31+$0x7B80];
	_ =	sdelay $0x4  }
0x136: {  	[tilespmem:s21+$0x2F6] =	vst v6  }
0x137: {  	v6 =	vld [tilespmem:s31+$0x7B90];
	_ =	sdelay $0x4  }
0x138: {  	[tilespmem:s21+$0x306] =	vst v6  }
0x139: {  	v6 =	vld [tilespmem:s24+$0x600];
	_ =	sdelay $0x4  }
0x13a: {  	[tilespmem:s21+$0x317] =	vst v6  }
0x13b: {  	v6 =	vld [tilespmem:s24+$0x610];
	_ =	sdelay $0x1  }
0x13c: {  	(v2sf) =	vpush v4, $0xE;
	_ =	sdelay $0x2  }
0x13d: {  	[tilespmem:s21+$0x327] =	vst v6  }
0x13e: {  	v6 =	vld [tilespmem:s24+$0x620];
	_ =	sdelay $0x4  }
0x13f: {  	[tilespmem:s21+$0x337] =	vst v6  }
0x140: {  	v6 =	vld [tilespmem:s24+$0x630];
	_ =	sdelay $0x1  }
0x141: {  	(v2sf) =	vpush v5, $0xE;
	_ =	sdelay $0x2  }
0x142: {  	s26 =	spop (v2sf);
	[tilespmem:s21+$0x347] =	vst v6  }
0x143: {  	v6 =	vld [tilespmem:s26+$0x5780];
	_ =	sdelay $0x4  }
0x144: {  	[tilespmem:s21+$0x357] =	vst v6  }
0x145: {  	v6 =	vld [tilespmem:s26+$0x5790];
	_ =	sdelay $0x4  }
0x146: {  	s28 =	spop (v2sf);
	[tilespmem:s21+$0x367] =	vst v6  }
0x147: {  	v6 =	vld [tilespmem:s28+$0x7B80];
	_ =	sdelay $0x4  }
0x148: {  	[tilespmem:s21+$0x377] =	vst v6  }
0x149: {  	v6 =	vld [tilespmem:s28+$0x7B90];
	_ =	sdelay $0x4  }
0x14a: {  	[tilespmem:s21+$0x387] =	vst v6  }
0x14b: {  	v6 =	vld [tilespmem:s24+$0x600];
	_ =	sdelay $0x4  }
0x14c: {  	[tilespmem:s21+$0x398] =	vst v6  }
0x14d: {  	v6 =	vld [tilespmem:s24+$0x610];
	_ =	sdelay $0x1  }
0x14e: {  	(v2sf) =	vpush v4, $0xF;
	_ =	sdelay $0x2  }
0x14f: {  	[tilespmem:s21+$0x3A8] =	vst v6  }
0x150: {  	v4 =	vld [tilespmem:s24+$0x620];
	_ =	sdelay $0x4  }
0x151: {  	[tilespmem:s21+$0x3B8] =	vst v4  }
0x152: {  	v4 =	vld [tilespmem:s24+$0x630];
	_ =	sdelay $0x1  }
0x153: {  	(v2sf) =	vpush v5, $0xF;
	_ =	sdelay $0x2  }
0x154: {  	s29 =	spop (v2sf);
	[tilespmem:s21+$0x3C8] =	vst v4  }
0x155: {  	v4 =	vld [tilespmem:s29+$0x5780];
	_ =	sdelay $0x4  }
0x156: {  	[tilespmem:s21+$0x3D8] =	vst v4  }
0x157: {  	v4 =	vld [tilespmem:s29+$0x5790];
	_ =	sdelay $0x4  }
0x158: {  	s30 =	spop (v2sf);
	[tilespmem:s21+$0x3E8] =	vst v4  }
0x159: {  	v4 =	vld [tilespmem:s30+$0x7B80];
	_ =	sdelay $0x4  }
0x15a: {  	[tilespmem:s21+$0x3F8] =	vst v4  }
0x15b: {  	p0 =	sne.s32 s23, $0x1D0;
	v4 =	vld [tilespmem:s30+$0x7B90]  }
.Ltmp0:
0x15c: {  	_ = 	snop;
	(pc) =	sbr.rel @p0 .LBB2_3-.Ltmp0, $3  }
0x15d: {  	_ =	sdelay $0x1  }
0x15e: {  	s20 =	sadd.s32 $0x30, s20;
	s31 =	sand.u32 $0xFFF0, s22  }
0x15f: {  	s23 =	sadd.s32 $0x10, s23;
	s22 =	sadd.s32 $0x810, s22;
	s21 =	sadd.s32 $0x810, s21;
	[tilespmem:s31+$0x8480] =	vst v4  }
0x160: {  	s19 =	smul.u32 $0x81, s19  }
0x161: {  	s18 =	sadd.s32 $0x1, s18  }
0x162: {  	p0 =	sne.s32 s18, $0x11;
	s19 =	sshrl.u32 s19, $0x3  }
.Ltmp1:
0x163: {  	s19 =	sadd.s32 s1, s19;
	(pc) =	sbr.rel @p0 .LBB2_2-.Ltmp1, $4  }
0x164: {  	[hbm4b:s19+s2] =	stream.linear.scatter [tilespmem:s15], [sflag:$0x1], $0xF1E0, $0x38;
	[tilespmem:$0x16E80] =	vst v63  }
0x165: {  	_ =	swait.ge [sflag:s12], $0xF1E0  }
0x166: {  	[sflag:s12] =	ssyncset.done $0x0  }
0x167: {  	s17 =	sadd.s32 $0x1E0, s17;
	[sflag:s12] =	ssyncadd.s32 $0xFFFF0E20  }
0x168: {  	s16 =	sadd.s32 $0x1, s16  }
0x169: {  	p0 =	sne.s32 s16, s9  }
.Ltmp2:
0x16a: {  	_ = 	snop;
	(pc) =	sbr.rel @p0 .LBB2_1-.Ltmp2, $1  }
0x16b: {  	_ =	sdelay $0x3  }
0x16c: {  	_ =	sfence.sel $0x180000  }
0x16d: {  	[bflag:$0x0] =	sbarrier.arrive $0xFFFF  }
0x16e: {  	p0 =	sne.s32 s3, $0x0;
	_ =	strace $0x90000047  }
0x16f: {  	s0 =	sadd.s32 @!p0 $0x100000, s0;
	[bflag:$0x2] =	sbarrier.arrive $0xFFFF  }
0x170: {  	[sflag:s0] =	ssyncadd.tile.s32 @!p0 $0x1;
	_ =	shalt  }
.Lfunc_end2:
_tile_overlayer_lowered:
.L_overlay_start_2:
0x171: {  	(tag) =	ssettag $0x2  }
0x172: {  	s0 =	rddreg [dreg:$0x0];
	s2 =	stileid.u32  }
0x173: {  	s1 =	rddreg [dreg:$0x1];
	p0 =	sne.s32 s2, $0x0  }
0x174: {  	s3 =	rddreg [dreg:$0x2];
	[bflag:$0x3] =	sbarrier.arrive $0xFFFF;
	s2 =	simm.s32 @!p0 $0x1C01  }
0x175: {  	[timem:s3], [sflag:s2] =	dma.local @!p0 [hbm:s0], s1  }
0x176: {  	s0 =	simm.s32 @!p0 $0x1  }
0x177: {  	_ =	swait.ge @!p0 [sflag:s0], s1  }
0x178: {  	s1 =	ssub.s32 @!p0 $0x0, s1;
	[sflag:s0] =	ssyncset.done @!p0 $0x0  }
0x179: {  	[sflag:s0] =	ssyncadd.s32 @!p0 s1  }
0x17a: {  	[bflag:$0x3] =	sbarrier.arrive $0xFFFF  }
0x17b: {  	_ =	shalt  }

// kernel: sparse-core-data-format-call.cloned.1.call-start
scs
called_computation_lowered:
.L_overlay_start_0:
0x0: {  	s2 =	sld [smem:$0x3FD9]  }
0x1: {  	s3 =	sld [smem:$0x3FFE];
	_ =	sdelay $0x1  }
0x2: {  	s1 =	srdreg.scid  }
0x3: {  	s0 =	sand.u32 $0x1, s1  }
0x4: {  	s18 =	sshll.u32 s0, $0xA;
	s2 =	sadd.s32 s3, s2  }
0x5: {  	s2 =	sadd.s32 s2, s18  }
0x6: {  	[smem:$0x3FC4] =	sst s2  }
0x7: {  	_ = 	snop  }
0x8: {  	s2 =	sld [smem:$0x3FD0];
	(tm) =	ssettm $0x1  }
0x9: {  	s19 =	sld [smem:$0x3FFB];
	_ =	sdelay $0x3  }
0xa: {  	_ =	strace s19  }
0xb: {  	s3 =	sld [smem:$0x3FFC];
	_ =	sdelay $0x3  }
0xc: {  	_ =	strace s3  }
0xd: {  	s3 =	sld [smem:$0x3FFD];
	_ =	sdelay $0x3  }
0xe: {  	_ =	strace s3  }
0xf: {  	_ =	strace $0x8FFFFFFF  }
0x10: {  	s20 =	sld [smem:$0x3FDB];
	_ =	sdelay $0x1  }
0x11: {  	s4 =	simm.s32 $_scs_section_size  }
0x12: {  	s5 =	simm.s32 $_size__tile_overlayer_lowered;
	s6 =	simm.s32 $_tile_overlayer_lowered  }
0x13: {  	s23 =	simm.s32 $0x1BFF;
	s22 =	sshll.u32 s6, $0x1;
	s3 =	sadd.s32 s4, s20  }
0x14: {  	s7 =	simm.s32 $0x0;
	s21 =	sshll.u32 s5, $0x1;
	s5 =	sadd.s32 s22, s3  }
0x15: {  	[timem:s7], [sflag:s23] =	dma.local [hbm:s5], s21  }
0x16: {  	_ =	swait.ge [sflag:s23], s21  }
0x17: {  	s4 =	ssub.s32 $0x0, s21;
	[sflag:s23] =	ssyncset.done $0x0  }
0x18: {  	[sflag:s23] =	ssyncadd.s32 s4;
	_ =	sdelay $0x1  }
0x19: {  	s24 =	simm.s32 $0x1B8B  }
0x1a: {  	_ =	swait.ge [sflag:s24], $0x1  }
0x1b: {  	[sflag:s24] =	ssyncset.done $0x0  }
0x1c: {  	s26 =	simm.s32 $0x1B8E;
	s25 =	sld [smem:$0x3FFE];
	[sflag:s24] =	ssyncadd.s32 $0xFFFFFFFF  }
0x1d: {  	s27 =	simm.s32 $execute0_lowered;
	[smem:$0x3FD2] =	sst s26  }
0x1e: {  	s5 =	sshll.u32 s27, $0x1;
	_ =	strace $0x80000049;
	[dreg:$0x1] =	wrdreg $0xFFFFFFFF  }
0x1f: {  	s28 =	simm.s32 $_size_execute0_lowered;
	s3 =	sadd.s32 s3, s5;
	[dreg:$0x0] =	wrdreg $0x0  }
0x20: {  	s5 =	sshll.u32 s28, $0x1;
	[dreg:$0x2] =	wrdreg s3  }
0x21: {  	[dreg:$0x3] =	wrdreg s5  }
0x22: {  	[dreg:$0x4] =	wrdreg $0xC0  }
0x23: {  	_ =	task [dreg:s7], $0x5FFFF  }
0x24: {  	[dreg:$0x1] =	wrdreg $0xFFFFFFFF  }
0x25: {  	[dreg:$0x0] =	wrdreg $0x60  }
0x26: {  	[dreg:$0x2] =	wrdreg s25  }
0x27: {  	[dreg:$0x3] =	wrdreg s2  }
0x28: {  	[dreg:$0x4] =	wrdreg $0x9  }
0x29: {  	_ =	task.clear_ibuf [dreg:s7], $0x5FFFF;
	_ =	strace $0x90000049  }
0x2a: {  	s29 =	simm.s32 $0x9;
	_ =	strace $0x8000004B  }
0x2b: {  	_ =	swait.ge [sflag:s29], $0x1  }
0x2c: {  	[sflag:s29] =	ssyncadd.s32 $0xFFFFFFFF  }
0x2d: {  	_ =	strace $0x9000004B  }
0x2e: {  	_ =	sfence  }
0x2f: {  	s30 =	sld [smem:$0x0];
	_ =	sdelay $0x2  }
0x30: {  	s31 =	sshll.u32 s1, $0xD;
	s1 =	sshrl.u32 s1, $0x2  }
0x31: {  	s3 =	sand.u32 $0x4000, s31;
	s1 =	sadd.s32 s1, s30  }
0x32: {  	s0 =	sor.u32 s3, s0;
	s1 =	sshll.u32 s1, $0x11  }
0x33: {  	s0 =	sor.u32 s1, s0  }
0x34: {  	s0 =	sadd.s32 $0x8F2B, s0  }
0x35: {  	[sflag:s0] =	ssyncadd.remote.s32 $0x1  }
0x36: {  	_ =	sfence.sel $0xFFFF  }
0x37: {  	[dreg:$0x0] =	wrdreg $0xFFFFFFFF;
	(pc) =	sbr.abs _section_cstart, $3  }
0x38: {  	[dreg:$0x1] =	wrdreg $0xFFFFFFFF  }
0x39: {  	_ =	task.clear_ibuf [dreg:s7], $0x2FFFF;
	_ =	strace $0x9FFFFFFF  }
0x3a: {  	(tm) =	ssettm $0x7FFFFFFF  }
0x3b: {  	_ =	shalt  }
tec
execute0_lowered:
.L_overlay_start_1:
0x0: {  	(tag) =	ssettag $0x1  }
0x1: {  	s0 =	rddreg [dreg:$0x0];
	_ =	strace $0x8000004A  }
0x2: {  	s1 =	srdreg.scid;
	s3 =	stileid.u32;
	s2 =	simm.s32 $0x1  }
0x3: {  	s31 =	simm.s32 $0x2;
	s19 =	simm.s32 $0x0;
	p0 =	por $0x0, $0x0  }
0x4: {  	s21 =	simm.s32 $0x0;
	s18 =	simm.s32 $0x0;
	s20 =	simm.s32 $0x0  }
0x5: {  	s8 =	simm.s32 $0x0;
	s9 =	simm.s32 $0x0;
	s11 =	simm.s32 $0x0  }
.Ltmp0:
0x6: {  	s12 =	simm.s32 $0x0;
	s13 =	simm.s32 $0x0;
	(pc) =	sbr.rel .LBB1_1-.Ltmp0, $4  }
0x7: {  	s14 =	simm.s32 $0x0;
	s15 =	simm.s32 $0x0;
	s1 =	sshll.u32 s1, $0x4  }
0x8: {  	s10 =	simm.s32 $0x0;
	s0 =	sadd.s32 $0x800, s0;
	s1 =	sand.u32 $0x10, s1  }
0x9: {  	[sflag:s2] =	ssyncpa.u1 $0x0;
	[dreg:$0x3] =	wrdreg s0;
	s17 =	sor.u32 s3, s1  }
0xa: {  	[sflag:s31] =	ssyncpa.u1 $0x0;
	s16 =	smov.u32 s17;
	[dreg:$0x4] =	wrdreg s17  }
.LBB1_18:
0xb: {  	s4 =	rddreg [dreg:$0xb]  }
0xc: {  	s5 =	rddreg [dreg:$0xa]  }
0xd: {  	s6 =	rddreg [dreg:$0xc]  }
0xe: {  	s22 =	rddreg [dreg:$0xd]  }
0xf: {  	s0 =	sshrl.u32 s12, $0x3;
	s1 =	sshll.u32 s11, $0x3;
	s7 =	rddreg [dreg:$0x9]  }
0x10: {  	s2 =	sand.u32 $0x7F, s11;
	s3 =	sshll.u32 s12, $0x7;
	s26 =	rddreg [dreg:$0x1]  }
0x11: {  	p1 =	sgt.s32 s9, $0xB;
	s24 =	smul.u32 $0x60C00, s9;
	s17 =	rddreg [dreg:$0x4]  }
0x12: {  	s25 =	smul.u32 $0xC00, s8;
	s31 =	simm.s32 $0x6000;
	s18 =	rddreg [dreg:$0x5]  }
0x13: {  	s0 =	smul.u32 $0xC00, s0;
	s19 =	sand.u32 $0x380, s3;
	s3 =	smov.u32 s9  }
0x14: {  	s1 =	sand.u32 $0xFFFFFC00, s1;
	s3 =	simm.s32 @!p1 $0xB;
	p1 =	sgt.s32 s11, $0x100  }
0x15: {  	s0 =	sadd.s32 s0, s1;
	s1 =	smov.u32 s11;
	s3 =	sadd.s32 s4, s3  }
0x16: {  	s0 =	sor.u32 s19, s0;
	s1 =	simm.s32 @!p1 $0x100;
	s4 =	sadd.s32 $0xFFFFFFF5, s3  }
0x17: {  	p1 =	sgt.s32 s8, $0x1;
	s3 =	ssub.s32 $0xC, s3;
	s19 =	rddreg [dreg:$0x6]  }
0x18: {  	s2 =	sor.u32 s2, s0;
	s1 =	sadd.s32 s5, s1;
	s5 =	smov.u32 s8  }
0x19: {  	p2 =	sgt.s32 s4, $0x0;
	s0 =	smulhi.u32 $0xAAAAAAAB, s0;
	s5 =	simm.s32 @!p1 $0x1  }
0x1a: {  	s20 =	sadd.s32 $0xFFFFFF00, s1;
	s21 =	smulhi.u32 $0xAAAAAAAB, s2;
	s1 =	ssub.s32 $0x180, s1  }
0x1b: {  	s3 =	simm.s32 @p2 $0x0;
	p1 =	sgt.s32 s20, $0x7F;
	s5 =	sadd.s32 s6, s5  }
0x1c: {  	s6 =	smul.u32 $0x4080, s22;
	s0 =	sshrl.u32 s0, $0x8;
	s1 =	simm.s32 @p1 $0x0  }
0x1d: {  	s20 =	rddreg [dreg:$0x7];
	s4 =	sshrl.u32 s21, $0x8;
	s1 =	smul.u32 s7, s1  }
0x1e: {  	s23 =	sadd.s32 $0xFFFFFFFF, s5;
	s0 =	sand.u32 $0x3F, s0;
	s4 =	smul.u32 $0x180, s4  }
0x1f: {  	s5 =	ssub.s32 $0x81, s5;
	s21 =	rddreg [dreg:$0x8];
	s0 =	smul.u32 $0x30, s0  }
0x20: {  	p1 =	sgt.s32 s23, $0x7F;
	s29 =	sor.u32 $0x8000, s6;
	s1 =	smul.u32 s3, s1  }
0x21: {  	s5 =	simm.s32 @p1 $0x0;
	s2 =	ssub.s32 s2, s4;
	s3 =	sadd.s32 s26, s24  }
0x22: {  	s3 =	sadd.s32 s25, s3;
	s27 =	sand.u32 $0x7, s2;
	s1 =	smul.u32 s5, s1  }
0x23: {  	s2 =	sshrl.u32 s2, $0x3;
	s0 =	sadd.s32 s0, s3;
	s28 =	sshll.u32 s27, $0x12  }
0x24: {  	s0 =	sadd.s32 s2, s0;
	s30 =	sor.u32 $0x80, s28;
	s1 =	sand.u32 $0x3FFFFFFF, s1  }
0x25: {  	[hbm4b:s0+s30] =	stream.strided.scatter [tilespmem:s29], [sflag:$0x2], s1, s31, s30, $0x20;
	[tilespmem:$0x10100] =	vst v63  }
.LBB1_19:
0x26: {  	p1 =	slt.u32 s10, $0x2;
	s0 =	smov.u32 s21  }
0x27: {  	s2 =	smov.u32 s19;
	s3 =	smov.u32 s20;
	s10 =	sadd.s32 $0x1, s10  }
0x28: {  	p0 =	por !p0, !p0;
	p2 =	sgt.s32 @!p1 s21, $0xB;
	s1 =	sshra.s32 @!p1 s21, $0x1F  }
0x29: {  	p3 =	sgt.s32 @!p1 s20, $0x3F;
	s4 =	sshra.s32 @!p1 s18, $0x1F;
	p2 =	por !p2, p1  }
0x2a: {  	s1 =	sand.u32 @!p1 s1, s21;
	s4 =	sand.u32 @!p1 s4, s18;
	s0 =	simm.s32 @p2 $0xB  }
0x2b: {  	p2 =	sgt.s32 @!p1 s19, $0x1;
	s0 =	ssub.s32 @!p1 s0, s1;
	s1 =	sshra.s32 @!p1 s19, $0x1F  }
0x2c: {  	s21 =	smov.u32 s9;
	p2 =	por !p2, p1;
	s1 =	sand.u32 @!p1 s1, s19  }
0x2d: {  	s2 =	simm.s32 @p2 $0x1;
	p2 =	por !p3, p1;
	s1 =	sxor.u32 @!p1 $0xFFFFFFFF, s1  }
0x2e: {  	s5 =	sadd.s32 @!p1 $0xFFFFFFF5, s0;
	s1 =	sadd.s32 @!p1 s1, s2;
	s2 =	sshra.s32 @!p1 s20, $0x1F  }
0x2f: {  	s3 =	simm.s32 @p2 $0x3F;
	p2 =	sgt.s32 @!p1 s18, $0x100;
	s2 =	sand.u32 @!p1 s2, s20  }
0x30: {  	p2 =	por !p2, p1;
	s2 =	ssub.s32 @!p1 s3, s2;
	s3 =	smov.u32 s18  }
0x31: {  	s0 =	ssub.s32 @!p1 $0xC, s0;
	p3 =	sgt.s32 @!p1 s1, $0x7F;
	s3 =	simm.s32 @p2 $0x100  }
0x32: {  	s1 =	ssub.s32 @!p1 $0x80, s1;
	s3 =	ssub.s32 @!p1 s3, s4;
	s4 =	sadd.s32 @!p1 $0xFFFFFFC1, s2  }
0x33: {  	p2 =	por !p3, p1;
	p3 =	sgt.s32 @!p1 s4, $0x0;
	s4 =	sadd.s32 @!p1 $0xFFFFFF00, s3  }
0x34: {  	s1 =	simm.s32 @!p2 $0x0;
	s2 =	ssub.s32 @!p1 $0x40, s2;
	p2 =	sgt.s32 @!p1 s4, $0x7F  }
0x35: {  	s3 =	ssub.s32 @!p1 $0x180, s3;
	p3 =	por !p3, p1;
	p2 =	por !p2, p1  }
0x36: {  	s4 =	sadd.s32 $0x80, s13;
	s2 =	simm.s32 @!p3 $0x0;
	s3 =	simm.s32 @!p2 $0x0  }
0x37: {  	p2 =	sgt.s32 s4, $0x80;
	s2 =	smul.u32 @!p1 s2, s3;
	s3 =	simm.s32 $0x1  }
0x38: {  	p3 =	sgt.s32 @!p1 s5, $0x0;
	s5 =	smov.u32 s15;
	s3 =	simm.s32 @!p2 $0x0  }
0x39: {  	p3 =	por !p3, p1;
	s1 =	smul.u32 @!p1 s1, s2;
	s2 =	sadd.s32 s3, s14  }
0x3a: {  	s0 =	simm.s32 @!p3 $0x0;
	s3 =	sadd.s32 $0x80, s15;
	p3 =	sgt.s32 s2, $0xB  }
0x3b: {  	s4 =	simm.s32 @p2 $0x0;
	s0 =	smul.u32 @!p1 s0, s1;
	s5 =	smov.u32 @p3 s3  }
0x3c: {  	s1 =	sadd.s32 $0x20, s16;
	s3 =	smov.u32 s16;
	p2 =	sgt.s32 s5, $0x144  }
0x3d: {  	s9 =	smov.u32 s14;
	s19 =	smov.u32 s8;
	s3 =	smov.u32 @p2 s1  }
0x3e: {  	s8 =	smov.u32 s13;
	s5 =	simm.s32 @p2 $0x0;
	p2 =	sgt.s32 s3, $0x3F  }
0x3f: {  	s20 =	smov.u32 s12;
	s3 =	smov.u32 @p2 s17;
	p2 =	sne.s32 s10, $0x92  }
.Ltmp1:
0x40: {  	s12 =	smov.u32 s16;
	s18 =	smov.u32 s11;
	(pc) =	sbr.rel @!p2 .LBB1_20-.Ltmp1, $4  }
0x41: {  	s11 =	smov.u32 s15;
	s0 =	sand.u32 @!p1 $0x3FFFFFFF, s0;
	s1 =	simm.s32 @!p1 $0x2  }
0x42: {  	s13 =	smov.u32 s4;
	s2 =	simm.s32 @p3 $0x0;
	_ =	swait.ge @!p1 [sflag:s1], s0  }
0x43: {  	s14 =	smov.u32 s2;
	s0 =	ssub.s32 @!p1 $0x0, s0;
	[sflag:s1] =	ssyncset.done @!p1 $0x0  }
0x44: {  	s15 =	smov.u32 s5;
	[sflag:s1] =	ssyncadd.s32 @!p1 s0;
	s16 =	smov.u32 s3  }
.LBB1_1:
0x45: {  	p1 =	sgt.u32 s10, $0x8F  }
.Ltmp2:
0x46: {  	_ = 	snop;
	(pc) =	sbr.rel @p1 .LBB1_3-.Ltmp2, $1  }
0x47: {  	_ =	sdelay $0x3  }
0x48: {  	s0 =	sshll.u32 s14, $0x8;
	s1 =	sshll.u32 s13, $0x3;
	s29 =	sshll.u32 s14, $0x7  }
0x49: {  	p1 =	sgt.s32 s16, $0x3F;
	s3 =	smov.u32 s16;
	s4 =	sshra.s32 s16, $0x1F  }
0x4a: {  	s31 =	sshra.s32 s15, $0x1F;
	s6 =	sshra.s32 s14, $0x1F;
	s22 =	sshra.s32 s13, $0x1F  }
0x4b: {  	s23 =	sxor.u32 $0xFFFFFFFF, s10;
	s25 =	smul.u32 $0x28A00, s16;
	s26 =	sshll.u32 s15, $0x9  }
0x4c: {  	s27 =	rddreg [dreg:$0x3];
	s28 =	sand.u32 $0x7, s13;
	s0 =	sand.u32 $0x800, s0  }
0x4d: {  	s1 =	sand.u32 $0xC00, s1;
	s2 =	sand.u32 $0x300, s29;
	s3 =	simm.s32 @!p1 $0x3F  }
0x4e: {  	s30 =	sand.u32 s4, s16;
	p1 =	sgt.s32 s15, $0xC5;
	s4 =	sand.u32 s31, s15  }
0x4f: {  	s6 =	sand.u32 s6, s14;
	s31 =	simm.s32 $0x1000;
	s0 =	sadd.s32 s0, s1  }
0x50: {  	s1 =	sand.u32 $0x80, s29;
	s29 =	sshll.u32 s28, $0x12;
	s0 =	sor.u32 s2, s0  }
0x51: {  	s2 =	ssub.s32 s3, s30;
	s3 =	smov.u32 s15;
	s30 =	sor.u32 $0x80, s29  }
0x52: {  	s5 =	sadd.s32 $0xFFFFFFC1, s2;
	s3 =	simm.s32 @!p1 $0xC5;
	p1 =	sgt.s32 s14, $0xF  }
0x53: {  	s2 =	ssub.s32 $0x40, s2;
	s3 =	ssub.s32 s3, s4;
	s4 =	smov.u32 s14  }
0x54: {  	s0 =	sshrl.u32 s0, $0x3;
	s7 =	sadd.s32 $0xFFFFFF3B, s3;
	s4 =	simm.s32 @!p1 $0xF  }
0x55: {  	p1 =	sgt.s32 s5, $0x0;
	s3 =	ssub.s32 $0x145, s3;
	p2 =	sgt.s32 s7, $0x7F  }
0x56: {  	s4 =	ssub.s32 s4, s6;
	s2 =	simm.s32 @p1 $0x0;
	s3 =	simm.s32 @p2 $0x0  }
0x57: {  	p2 =	sgt.s32 s13, $0x80;
	s2 =	smul.u32 s2, s3;
	s3 =	smov.u32 s13  }
0x58: {  	s5 =	sand.u32 s22, s13;
	s7 =	sadd.s32 $0xFFFFFFF1, s4;
	s3 =	simm.s32 @!p2 $0x80  }
0x59: {  	s4 =	ssub.s32 $0x10, s4;
	p1 =	sgt.s32 s7, $0x0;
	s3 =	ssub.s32 s3, s5  }
0x5a: {  	s6 =	sand.u32 $0x78, s13;
	s4 =	simm.s32 @p1 $0x0;
	s24 =	sadd.s32 $0xFFFFFF80, s3  }
0x5b: {  	s2 =	smul.u32 s4, s2;
	s3 =	ssub.s32 $0x100, s3;
	p1 =	sgt.s32 s24, $0x7F  }
0x5c: {  	s1 =	sor.u32 s6, s1;
	s4 =	sadd.s32 s27, s25;
	s3 =	simm.s32 @p1 $0x0  }
0x5d: {  	s1 =	sshrl.u32 s1, $0x3;
	s2 =	smul.u32 s3, s2;
	s3 =	sadd.s32 s26, s4  }
0x5e: {  	s0 =	sand.u32 $0x1E0, s0;
	s5 =	sshll.u32 s23, $0xE;
	s1 =	sadd.s32 s1, s3  }
0x5f: {  	s5 =	sand.u32 $0x4000, s5;
	s2 =	sand.u32 $0x3FFFFFFF, s2;
	s0 =	sadd.s32 s0, s1  }
0x60: {  	[tilespmem:s5], [sflag:$0x1] =	stream.strided.gather [hbm4b:s0+s30], s2, s31, s30, $0x38;
	[tilespmem:$0x10100] =	vst v63  }
.LBB1_3:
0x61: {  	p1 =	seq.s32 s10, $0x0  }
0x62: {  	p2 =	seq.s32 @!p1 s10, $0x91  }
0x63: {  	p1 =	por p1, p2  }
.Ltmp3:
0x64: {  	_ = 	snop;
	(pc) =	sbr.rel @p1 .LBB1_19-.Ltmp3, $1  }
0x65: {  	_ =	sdelay $0x3  }
0x66: {  	[dreg:$0x8] =	wrdreg s21  }
0x67: {  	[dreg:$0x7] =	wrdreg s20  }
0x68: {  	[dreg:$0x6] =	wrdreg s19;
	p1 =	sgt.s32 s12, $0x3F  }
0x69: {  	s0 =	smov.u32 s12;
	s1 =	sshra.s32 s12, $0x1F;
	s19 =	ssub.s32 $0x0, s11  }
0x6a: {  	s2 =	sshra.s32 s11, $0x1F;
	s3 =	smov.u32 s11;
	s21 =	ssub.s32 $0x0, s9  }
0x6b: {  	s22 =	sshra.s32 s9, $0x1F;
	p2 =	sgt.s32 s9, $0xF;
	s25 =	ssub.s32 $0x0, s8  }
0x6c: {  	s26 =	sshra.s32 s8, $0x1F;
	s0 =	simm.s32 @!p1 $0x3F;
	s1 =	sand.u32 s1, s12  }
0x6d: {  	p1 =	sgt.s32 s11, $0xC5;
	s0 =	ssub.s32 s0, s1;
	s1 =	sand.u32 s19, s2  }
0x6e: {  	s3 =	simm.s32 @!p1 $0xC5;
	s2 =	sand.u32 s25, s26;
	s4 =	sadd.s32 $0xFFFFFFC1, s0  }
0x6f: {  	s5 =	ssub.s32 $0x40, s0;
	[dreg:$0xa] =	wrdreg s1;
	s20 =	sadd.s32 s1, s3  }
0x70: {  	s3 =	smov.u32 s9;
	s1 =	sand.u32 s21, s22;
	p1 =	sgt.s32 s4, $0x0  }
0x71: {  	s23 =	sadd.s32 $0xFFFFFF3B, s20;
	s3 =	simm.s32 @!p2 $0xF;
	s0 =	ssub.s32 $0x145, s20  }
0x72: {  	[dreg:$0xb] =	wrdreg s1;
	s4 =	smov.u32 s8;
	p2 =	sgt.s32 s23, $0x7F  }
0x73: {  	s1 =	sadd.s32 s1, s3;
	s5 =	simm.s32 @p1 $0x0;
	s0 =	simm.s32 @p2 $0x0  }
0x74: {  	s24 =	sadd.s32 $0xFFFFFFF1, s1;
	p2 =	sgt.s32 s8, $0x80;
	s1 =	ssub.s32 $0x10, s1  }
0x75: {  	s0 =	smul.u32 s5, s0;
	p1 =	sgt.s32 s24, $0x0;
	s4 =	simm.s32 @!p2 $0x80  }
0x76: {  	[dreg:$0xc] =	wrdreg s2;
	s1 =	simm.s32 @p1 $0x0;
	s2 =	sadd.s32 s2, s4  }
0x77: {  	s0 =	smul.u32 s1, s0;
	s29 =	sadd.s32 $0xFFFFFF80, s2  }
0x78: {  	s1 =	ssub.s32 $0x100, s2;
	s2 =	sadd.s32 $0x1, s12;
	p1 =	sgt.s32 s29, $0x7F  }
0x79: {  	s3 =	sadd.s32 $0x80, s11;
	s1 =	simm.s32 @p1 $0x0;
	p1 =	slt.s32 s2, $0x40  }
0x7a: {  	s0 =	smul.u32 s1, s0;
	s2 =	simm.s32 @!p1 $0x40;
	p1 =	slt.s32 s3, $0x145  }
0x7b: {  	s1 =	sadd.s32 $0x1, s9;
	s26 =	ssub.s32 s2, s12;
	s3 =	simm.s32 @!p1 $0x145  }
0x7c: {  	p2 =	slt.s32 s1, $0xC;
	s27 =	ssub.s32 s3, s11;
	p1 =	slt.s32 s26, $0x1  }
0x7d: {  	s1 =	simm.s32 @!p2 $0xC;
	p2 =	slt.s32 @!p1 s27, $0x1  }
0x7e: {  	s28 =	ssub.s32 s1, s9;
	p2 =	por p1, p2  }
0x7f: {  	p3 =	slt.s32 @!p2 s28, $0x1  }
0x80: {  	p2 =	por p2, p3  }
.Ltmp4:
0x81: {  	[dreg:$0x5] =	wrdreg s18;
	(pc) =	sbr.rel @p2 .LBB1_18-.Ltmp4, $4  }
0x82: {  	s30 =	simm.s32 $0x1;
	[dreg:$0x9] =	wrdreg s5;
	s0 =	sand.u32 $0x3FFFFFFF, s0  }
0x83: {  	_ =	swait.ge [sflag:s30], s0  }
0x84: {  	s31 =	sand.u32 $0x1, s10;
	s0 =	ssub.s32 $0x0, s0;
	[sflag:s30] =	ssyncset.done $0x0  }
0x85: {  	[dreg:$0xd] =	wrdreg s31;
	[sflag:s30] =	ssyncadd.s32 s0  }
0x86: {  	s0 =	sadd.s32 $0x80, s8  }
0x87: {  	p2 =	slt.s32 s0, $0x81  }
0x88: {  	s0 =	simm.s32 @!p2 $0x81  }
0x89: {  	s1 =	simm.s32 $0x1;
	s0 =	ssub.s32 s0, s8  }
0x8a: {  	s1 =	simm.s32 @!p0 $0x0;
	s3 =	sadd.s32 $0xF, s0  }
0x8b: {  	s24 =	smul.u32 $0x10200, s1;
	s25 =	sshrl.u32 s3, $0x8  }
0x8c: {  	s1 =	smul.u32 $0x20400, s25  }
.Ltmp5:
0x8d: {  	s2 =	rddreg [dreg:$0xd];
	(pc) =	sbr.rel .LBB1_6-.Ltmp5, $4  }
0x8e: {  	s6 =	simm.s32 $0x0;
	s31 =	sshll.u32 @!p1 s2, $0xE;
	s2 =	simm.s32 $0x0  }
0x8f: {  	s0 =	sshrl.u32 s24, $0x2;
	s29 =	sand.u32 $0xFFFFFFF0, s3;
	s1 =	sadd.s32 s24, s1  }
0x90: {  	s30 =	sand.u32 @!p1 $0xFFFFFF00, s3;
	s0 =	sadd.s32 $0xF8F0, s0;
	s1 =	sshra.s32 s1, $0x2  }
0x91: {  	p1 =	slt.s32 s3, $0x100;
	p2 =	sge.s32 s30, s29;
	s1 =	sadd.s32 $0x8000, s1  }
.LBB1_17:
0x92: {  	s6 =	sadd.s32 $0x1, s6  }
0x93: {  	p3 =	sne.s32 s6, s26  }
.Ltmp6:
0x94: {  	_ = 	snop;
	(pc) =	sbr.rel @!p3 .LBB1_18-.Ltmp6, $2  }
0x95: {  	_ =	sdelay $0x2  }
0x96: {  	s2 =	sadd.s32 $0x1, s2  }
.LBB1_6:
.Ltmp7:
0x97: {  	s3 =	sand.u32 $0x7, s2;
	(pc) =	sbr.rel .LBB1_7-.Ltmp7, $4  }
0x98: {  	s3 =	smul.u32 $0x204, s3  }
0x99: {  	s4 =	sshll.u32 s6, $0x10;
	s5 =	simm.s32 $0x0  }
0x9a: {  	s22 =	simm.s32 $0x0;
	s4 =	sshra.s32 s4, $0x2;
	s3 =	sshrl.u32 s3, $0x2  }
0x9b: {  	s7 =	sadd.s32 s4, s31;
	s4 =	sadd.s32 s3, s0;
	s3 =	sadd.s32 s3, s1  }
.LBB1_16:
0x9c: {  	s22 =	sadd.s32 $0x1, s22  }
0x9d: {  	p3 =	sne.s32 s22, s27  }
.Ltmp8:
0x9e: {  	_ = 	snop;
	(pc) =	sbr.rel @!p3 .LBB1_17-.Ltmp8, $2  }
0x9f: {  	_ =	sdelay $0x2  }
0xa0: {  	s5 =	sadd.s32 $0x1, s5  }
.LBB1_7:
.Ltmp9:
0xa1: {  	(pc) =	sbr.rel .LBB1_8-.Ltmp9, $4  }
0xa2: {  	_ = 	snop  }
0xa3: {  	s18 =	sshll.u32 s22, $0x9  }
0xa4: {  	s17 =	sand.u32 $0x7F, s5;
	s21 =	simm.s32 $0x0;
	s18 =	sshra.s32 s18, $0x2  }
0xa5: {  	s23 =	sadd.s32 s17, s3;
	s19 =	sadd.s32 s17, s4;
	s25 =	sadd.s32 s18, s7  }
.LBB1_15:
0xa6: {  	s21 =	sadd.s32 $0x1, s21  }
0xa7: {  	p3 =	sne.s32 s21, s28  }
.Ltmp10:
0xa8: {  	_ = 	snop;
	(pc) =	sbr.rel @!p3 .LBB1_16-.Ltmp10, $2  }
0xa9: {  	_ =	sdelay $0x2  }
0xaa: {  	s19 =	sadd.s32 $0x4080, s19;
	s23 =	sadd.s32 $0x4080, s23  }
.LBB1_8:
.Ltmp11:
0xab: {  	(pc) =	sbr.rel @p1 .LBB1_12-.Ltmp11, $2  }
0xac: {  	_ =	sdelay $0x2  }
0xad: {  	s17 =	sshll.u32 s21, $0x7  }
0xae: {  	s18 =	sand.u32 $0x380, s17  }
0xaf: {  	s18 =	sadd.s32 s18, s25  }
0xb0: {  	v5 =	vld [tilespmem:s18+$0x70]  }
0xb1: {  	v6 =	vld [tilespmem:s18+$0x0]  }
0xb2: {  	v7 =	vld [tilespmem:s18+$0x10]  }
0xb3: {  	v1 =	vld [tilespmem:s18+$0x20]  }
0xb4: {  	v0 =	vld [tilespmem:s18+$0x30]  }
0xb5: {  	v2 =	vld [tilespmem:s18+$0x40];
	[tilespmem:s19+$0x0 ss:$0x81] =	vst.msk $0xffff, v5  }
0xb6: {  	v3 =	vld [tilespmem:s18+$0x50];
	[tilespmem:s19+$0xFFFF8710 ss:$0x81] =	vst.msk $0xffff, v6  }
0xb7: {  	v4 =	vld [tilespmem:s18+$0x60];
	[tilespmem:s19+$0xFFFF8F20 ss:$0x81] =	vst.msk $0xffff, v7  }
0xb8: {  	[tilespmem:s19+$0xFFFF9730 ss:$0x81] =	vst.msk $0xffff, v1  }
0xb9: {  	[tilespmem:s19+$0xFFFF9F40 ss:$0x81] =	vst.msk $0xffff, v0  }
0xba: {  	p3 =	sgt.s32 s30, $0x100;
	[tilespmem:s19+$0xFFFFA750 ss:$0x81] =	vst.msk $0xffff, v2  }
.Ltmp12:
0xbb: {  	[tilespmem:s19+$0xFFFFAF60 ss:$0x81] =	vst.msk $0xffff, v3;
	(pc) =	sbr.rel @!p3 .LBB1_11-.Ltmp12, $4  }
0xbc: {  	[tilespmem:s19+$0xFFFFB770 ss:$0x81] =	vst.msk $0xffff, v4  }
0xbd: {  	[tilespmem:s19+$0xFFFFBF80 ss:$0x81] =	vst.msk $0xffff, v5  }
0xbe: {  	[tilespmem:s19+$0xFFFFC790 ss:$0x81] =	vst.msk $0xffff, v6  }
0xbf: {  	s20 =	simm.s32 $0x100;
	s24 =	smov.u32 s19;
	[tilespmem:s19+$0xFFFFCFA0 ss:$0x81] =	vst.msk $0xffff, v7  }
.LBB1_10:
0xc0: {  	v5 =	vld [tilespmem:s18+$0x70];
	s20 =	sadd.s32 $0x100, s20;
	[tilespmem:s24+$0xFFFFD7B0 ss:$0x81] =	vst.msk $0xffff, v1  }
0xc1: {  	v6 =	vld [tilespmem:s18+$0x0];
	p3 =	slt.s32 s20, s30;
	[tilespmem:s24+$0xFFFFDFC0 ss:$0x81] =	vst.msk $0xffff, v0  }
0xc2: {  	v7 =	vld [tilespmem:s18+$0x10];
	[tilespmem:s24+$0xFFFFE7D0 ss:$0x81] =	vst.msk $0xffff, v2  }
0xc3: {  	v1 =	vld [tilespmem:s18+$0x20];
	[tilespmem:s24+$0xFFFFEFE0 ss:$0x81] =	vst.msk $0xffff, v3  }
0xc4: {  	v0 =	vld [tilespmem:s18+$0x30];
	[tilespmem:s24+$0xFFFFF7F0 ss:$0x81] =	vst.msk $0xffff, v4;
	s24 =	sadd.s32 $0x8100, s24  }
0xc5: {  	v2 =	vld [tilespmem:s18+$0x40];
	[tilespmem:s24+$0x0 ss:$0x81] =	vst.msk $0xffff, v5  }
0xc6: {  	[tilespmem:s24+$0xFFFF8710 ss:$0x81] =	vst.msk $0xffff, v6;
	v3 =	vld [tilespmem:s18+$0x50]  }
0xc7: {  	[tilespmem:s24+$0xFFFF8F20 ss:$0x81] =	vst.msk $0xffff, v7;
	v4 =	vld [tilespmem:s18+$0x60]  }
0xc8: {  	[tilespmem:s24+$0xFFFF9730 ss:$0x81] =	vst.msk $0xffff, v1  }
0xc9: {  	[tilespmem:s24+$0xFFFF9F40 ss:$0x81] =	vst.msk $0xffff, v0  }
0xca: {  	[tilespmem:s24+$0xFFFFA750 ss:$0x81] =	vst.msk $0xffff, v2  }
.Ltmp13:
0xcb: {  	[tilespmem:s24+$0xFFFFAF60 ss:$0x81] =	vst.msk $0xffff, v3;
	(pc) =	sbr.rel @p3 .LBB1_10-.Ltmp13, $4  }
0xcc: {  	[tilespmem:s24+$0xFFFFB770 ss:$0x81] =	vst.msk $0xffff, v4  }
0xcd: {  	[tilespmem:s24+$0xFFFFBF80 ss:$0x81] =	vst.msk $0xffff, v5  }
0xce: {  	[tilespmem:s24+$0xFFFFC790 ss:$0x81] =	vst.msk $0xffff, v6  }
0xcf: {  	[tilespmem:s24+$0xFFFFCFA0 ss:$0x81] =	vst.msk $0xffff, v7  }
.LBB1_11:
0xd0: {  	[tilespmem:s24+$0xFFFFD7B0 ss:$0x81] =	vst.msk $0xffff, v1  }
0xd1: {  	[tilespmem:s24+$0xFFFFDFC0 ss:$0x81] =	vst.msk $0xffff, v0  }
0xd2: {  	[tilespmem:s24+$0xFFFFE7D0 ss:$0x81] =	vst.msk $0xffff, v2  }
0xd3: {  	[tilespmem:s24+$0xFFFFEFE0 ss:$0x81] =	vst.msk $0xffff, v3  }
0xd4: {  	[tilespmem:s24+$0xFFFFF7F0 ss:$0x81] =	vst.msk $0xffff, v4  }
.LBB1_12:
.Ltmp14:
0xd5: {  	(pc) =	sbr.rel @p2 .LBB1_15-.Ltmp14, $1  }
0xd6: {  	_ =	sdelay $0x3  }
0xd7: {  	s17 =	sand.u32 $0x380, s17  }
0xd8: {  	s17 =	sadd.s32 s17, s25  }
0xd9: {  	v0 =	vmov s17;
	_ =	sdelay $0x2  }
0xda: {  	s18 =	smov.u32 s30;
	s17 =	smov.u32 s23  }
.LBB1_14:
0xdb: {  	s20 =	sand.u32 $0x70, s18;
	s18 =	sadd.s32 $0x10, s18  }
0xdc: {  	v1 =	vld.idx.msk [tilespmem:v0+s20+$0x0 ss:$0x1], $0xffff;
	p3 =	slt.s32 s18, s29  }
.Ltmp15:
0xdd: {  	_ = 	snop;
	(pc) =	sbr.rel @p3 .LBB1_14-.Ltmp15, $2  }
0xde: {  	_ =	sdelay $0x2  }
0xdf: {  	[tilespmem:s17+$0x0 ss:$0x81] =	vst.msk $0xffff, v1;
	s17 =	sadd.s32 $0x810, s17  }
.Ltmp16:
0xe0: {  	_ = 	snop;
	(pc) =	sbr.rel .LBB1_15-.Ltmp16, $1  }
0xe1: {  	_ =	sdelay $0x3  }
.LBB1_20:
0xe2: {  	_ =	sfence.sel $0x180000  }
0xe3: {  	s0 =	simm.s32 $0x1;
	[bflag:$0x0] =	sbarrier.arrive $0xFFFF  }
0xe4: {  	s30 =	simm.s32 $0x2;
	[sflag:s0] =	ssyncpa.u1 $0x1  }
0xe5: {  	[sflag:s30] =	ssyncpa.u1 $0x1  }
0xe6: {  	_ =	strace $0x9000004A  }
0xe7: {  	s31 =	stileid.u32;
	[bflag:$0x2] =	sbarrier.arrive $0xFFFF  }
0xe8: {  	p0 =	sne.s32 s31, $0x0;
	s0 =	rddreg [dreg:$0x2]  }
0xe9: {  	s0 =	sadd.s32 @!p0 $0x100000, s0  }
0xea: {  	[sflag:s0] =	ssyncadd.tile.s32 @!p0 $0x1;
	_ =	shalt  }
.Lfunc_end1:
_tile_overlayer_lowered:
.L_overlay_start_2:
0xeb: {  	(tag) =	ssettag $0x2  }
0xec: {  	s0 =	rddreg [dreg:$0x0];
	s2 =	stileid.u32  }
0xed: {  	s1 =	rddreg [dreg:$0x1];
	p0 =	sne.s32 s2, $0x0  }
0xee: {  	s3 =	rddreg [dreg:$0x2];
	[bflag:$0x3] =	sbarrier.arrive $0xFFFF;
	s2 =	simm.s32 @!p0 $0x1C01  }
0xef: {  	[timem:s3], [sflag:s2] =	dma.local @!p0 [hbm:s0], s1  }
0xf0: {  	s0 =	simm.s32 @!p0 $0x1  }
0xf1: {  	_ =	swait.ge @!p0 [sflag:s0], s1  }
0xf2: {  	s1 =	ssub.s32 @!p0 $0x0, s1;
	[sflag:s0] =	ssyncset.done @!p0 $0x0  }
0xf3: {  	[sflag:s0] =	ssyncadd.s32 @!p0 s1  }
0xf4: {  	[bflag:$0x3] =	sbarrier.arrive $0xFFFF  }
0xf5: {  	_ =	shalt  }

</sc_bundles>
